<compile_context>
chip_gen: v7x
topology: tpu7x:2x2x1
jax: 0.10.2.dev20260603
libtpu: 0.0.44.dev20260713+nightly
codegen_flags: <defaults>
</compile_context>

<pallas_src>
import functools
import numpy as np
import jax
import jax.numpy as jnp
from jax import lax
from jax.experimental import pallas as pl
from jax.experimental.pallas import tpu as pltpu
from jax.experimental.pallas import tpu_sc as plsc

_B, _C, _F, _T = 16, 1, 128, 4096
_L = 16
_NC, _NS = 2, 16
_NW = _NC * _NS
_ROWS = _B * _F
_RPW = _ROWS // _NW
_CH = 4
_NCHUNK = _RPW // _CH
_TG = _T // _L
_TT = _T // 128
_TR = _ROWS // 8

_factors_f64 = np.linspace(1.0, 3.0, _B)
_ti = np.arange(_T)[None, :] / _factors_f64[:, None]
_ti_np = _ti.astype(np.float32).reshape(-1)
_factors_np = _factors_f64.astype(np.float32)

_mesh = plsc.VectorSubcoreMesh(core_axis_name="c", subcore_axis_name="s")


@functools.partial(
    pl.kernel,
    out_type=(
        jax.ShapeDtypeStruct((_TR, _TT, 8, 128), jnp.float32),
        jax.ShapeDtypeStruct((_B,), jnp.int32),
    ),
    mesh=_mesh,
    compiler_params=pltpu.CompilerParams(needs_layout_passes=False),
    scratch_types=[
        pltpu.VMEM((_T,), jnp.float32),
        pltpu.VMEM((_CH, _TT, 128), jnp.float32),
        pltpu.VMEM((_CH, _TT, 128), jnp.float32),
        pltpu.VMEM((_CH, _TT, 128), jnp.float32),
        pltpu.VMEM((_CH, _TT, 128), jnp.float32),
        pltpu.VMEM((_B,), jnp.int32),
        pltpu.VMEM((_B,), jnp.float32),
        pltpu.VMEM((_B,), jnp.int32),
        pltpu.SemaphoreType.DMA,
        pltpu.SemaphoreType.DMA,
        pltpu.SemaphoreType.DMA,
        pltpu.SemaphoreType.DMA,
    ],
)
def _warp_kernel(x_hbm, seqlen_hbm, ti_hbm, fac_hbm,
                 out_hbm, nsl_hbm,
                 ti_v, xin0, xin1, xout0, xout1,
                 seq_v, fac_v, nsl_v,
                 isem0, isem1, osem0, osem1):
    wid = lax.axis_index("s") * _NC + lax.axis_index("c")
    b = wid // 2
    row0 = b * _F + (wid % 2) * _RPW
    xin = (xin0, xin1)
    xout = (xout0, xout1)
    isem = (isem0, isem1)
    osem = (osem0, osem1)

    pltpu.sync_copy(fac_hbm, fac_v)

    @pl.when(wid == 0)
    def _():
        pltpu.sync_copy(seqlen_hbm, seq_v)
        s = seq_v[...].astype(jnp.float32) * fac_v[...]
        nsl_v[...] = jnp.minimum(s, jnp.float32(_T)).astype(jnp.int32)
        pltpu.sync_copy(nsl_v, nsl_hbm)

    pltpu.sync_copy(ti_hbm.at[pl.ds(b * _T, _T)], ti_v)

    def in_start(ch, par):
        r0 = row0 + ch * _CH
        for r in range(_CH):
            row = r0 + r
            pltpu.async_copy(
                x_hbm.at[row // 8, :, row % 8, :], xin[par].at[r], isem[par])

    def in_wait(par):
        for r in range(_CH):
            pltpu.make_async_copy(
                x_hbm.at[0, :, 0, :], xin[par].at[r], isem[par]).wait()

    def out_start(ch, par):
        r0 = row0 + ch * _CH
        for r in range(_CH):
            row = r0 + r
            pltpu.async_copy(
                xout[par].at[r], out_hbm.at[row // 8, :, row % 8, :], osem[par])

    def out_wait(par):
        for r in range(_CH):
            pltpu.make_async_copy(
                xout[par].at[r], out_hbm.at[0, :, 0, :], osem[par]).wait()

    in_start(0, 0)
    in_start(1, 1)

    def chunk_pair(k, _):
        for par in (0, 1):
            ch = 2 * k + par
            in_wait(par)

            @pl.when(k > 0)
            def _():
                out_wait(par)

            src = xin[par]
            dst = xout[par]

            @plsc.parallel_loop(0, _TG, unroll=4)
            def _(i):
                off = i * _L
                tiv = ti_v[pl.ds(off, _L)]
                fi = tiv.astype(jnp.int32)
                fr = tiv - fi.astype(jnp.float32)
                fi1 = jnp.minimum(fi + 1, _T - 1)
                fi_hi = lax.shift_right_logical(fi, 7)
                fi_lo = lax.bitwise_and(fi, 127)
                fi1_hi = lax.shift_right_logical(fi1, 7)
                fi1_lo = lax.bitwise_and(fi1, 127)
                tc = i // 8
                lo = (i % 8) * _L
                for r in range(_CH):
                    ridx = jnp.full((_L,), r, jnp.int32)
                    a = plsc.load_gather(src, [ridx, fi_hi, fi_lo])
                    c = plsc.load_gather(src, [ridx, fi1_hi, fi1_lo])
                    dst[r, tc, pl.ds(lo, _L)] = a + fr * (c - a)

            out_start(ch, par)

            @pl.when(k < (_NCHUNK // 2) - 1)
            def _():
                in_start(ch + 2, par)
        return 0

    lax.fori_loop(0, _NCHUNK // 2, chunk_pair, 0)
    out_wait(0)
    out_wait(1)


def kernel(x, seq_len):
    xt = x.reshape(_TR, 8, _TT, 128).swapaxes(1, 2)
    out_t, new_seq_len = _warp_kernel(
        xt, seq_len,
        jnp.asarray(_ti_np), jnp.asarray(_factors_np),
    )
    out = out_t.swapaxes(1, 2).reshape(_B, _C, _F, _T)
    return out, new_seq_len

# --- scband reference (transcript-rebuilt; emitter-appended) ---
"""Pipeline reference for scband-time-warping-37349035606309 (READ-ONLY COPY).

The authoritative reference and input builder live on the scoring server;
editing this copy changes nothing except your own understanding.
"""

import jax, jax.numpy as jnp
import numpy as np

B, C, F, T = 16, 1, 128, 4096


def warping_fn(seq_len):
    # Deterministic per-batch resampling factors >= 1 so ceil indices stay < T.
    factors = np.linspace(1.0, 3.0, B)
    time_indices = np.arange(T)[None, :] / factors[:, None]  # [B, T], float64 np constants
    new_seq_len = jnp.minimum(jnp.asarray(factors) * seq_len.astype(jnp.float32), T).astype(jnp.int32)
    return time_indices, new_seq_len


def setup_inputs(seed: int = 0) -> dict:
    key = jax.random.key(seed)
    k1, k2 = jax.random.split(key)
    x = jax.random.normal(k1, (B, C, F, T), dtype=jnp.float32)
    seq_len = jax.random.randint(k2, (B,), 0, T).astype(jnp.int32)
    return {"x": x, "seq_len": seq_len}


def reference(x, seq_len):
    time_indices, new_seq_len = warping_fn(seq_len)
    ti_ceil = np.ceil(time_indices).astype(np.int32)   # [B, T]
    ti_floor = np.floor(time_indices).astype(np.int32)  # [B, T]
    batch_indices = np.arange(B).astype(np.int32)[:, None]  # [B, 1]

    ceil_w = jnp.asarray(1.0 - ti_ceil + time_indices, dtype=jnp.float32)
    floor_w = jnp.asarray((1.0 - time_indices + ti_floor) * (ti_floor != ti_ceil).astype(np.float64), dtype=jnp.float32)
    # broadcast over trailing dims (F, C) after transpose
    ceil_w = ceil_w[:, :, None, None]
    floor_w = floor_w[:, :, None, None]

    # batch_axis=0, sequence_axis=-1 (=3): transpose(1, 3) -> [B, T, F, C]
    x_t = jnp.swapaxes(x, 1, 3)
    out = x_t[batch_indices, ti_ceil] * ceil_w + x_t[batch_indices, ti_floor] * floor_w
    out = jnp.swapaxes(out, 1, 3)  # back to [B, C, F, T]
    return out, new_seq_len

if __name__ == "__main__":
    import jax
    _d = setup_inputs()
    print(jax.jit(kernel)(*tuple(_d.values())))

</pallas_src>

<mosaic_0001>
#map = affine_map<(d0, d1) -> (0, 0, 0, 0)>
#map1 = affine_map<(d0, d1) -> (0)>
module attributes {stable_mosaic.version = 14 : i64} {
  func.func @_warp_kernel(%arg0: i32, %arg1: i32, %arg2: memref<256x32x8x128xf32, #tpu.memory_space<hbm>>, %arg3: memref<16xi32, #tpu.memory_space<hbm>>, %arg4: memref<65536xf32, #tpu.memory_space<hbm>>, %arg5: memref<16xf32, #tpu.memory_space<hbm>>, %arg6: memref<256x32x8x128xf32, #tpu.memory_space<hbm>>, %arg7: memref<16xi32, #tpu.memory_space<hbm>>, %arg8: memref<4096xf32, #tpu.memory_space<vmem>>, %arg9: memref<4x32x128xf32, #tpu.memory_space<vmem>>, %arg10: memref<4x32x128xf32, #tpu.memory_space<vmem>>, %arg11: memref<4x32x128xf32, #tpu.memory_space<vmem>>, %arg12: memref<4x32x128xf32, #tpu.memory_space<vmem>>, %arg13: memref<16xi32, #tpu.memory_space<vmem>>, %arg14: memref<16xf32, #tpu.memory_space<vmem>>, %arg15: memref<16xi32, #tpu.memory_space<vmem>>, %arg16: memref<!tpu.dma_semaphore, #tpu.memory_space<semaphore_mem>>, %arg17: memref<!tpu.dma_semaphore, #tpu.memory_space<semaphore_mem>>, %arg18: memref<!tpu.dma_semaphore, #tpu.memory_space<semaphore_mem>>, %arg19: memref<!tpu.dma_semaphore, #tpu.memory_space<semaphore_mem>>) attributes {dimension_semantics = [#tpu.dimension_semantics<core_parallel>, #tpu.dimension_semantics<subcore_parallel>], iteration_bounds = array<i64: 2, 16>, scalar_prefetch = 0 : i64, scratch_operands = 12 : i64, tpu.core_type = #tpu.core_type<sc_vector_subcore>, window_params = [{transform_indices = #map}, {transform_indices = #map1}, {transform_indices = #map1}, {transform_indices = #map1}, {transform_indices = #map}, {transform_indices = #map1}]} {
    %mul3A = arith.constant 2 : i32
    %mul3A_0 = arith.muli %arg1, %mul3A : i32
    %add3A = arith.addi %mul3A_0, %arg0 : i32
    %jit3A = arith.constant 2 : i32
    %div3A = arith.divsi %add3A, %jit3A : i32
    %sign3A = arith.constant 0 : i32
    %sign3A_1 = arith.cmpi sgt, %add3A, %sign3A : i32
    %sign3A_2 = arith.extui %sign3A_1 : i1 to i32
    %sign3A_3 = arith.constant 0 : i32
    %sign3A_4 = arith.cmpi slt, %add3A, %sign3A_3 : i32
    %sign3A_5 = arith.extui %sign3A_4 : i1 to i32
    %sign3A_6 = arith.subi %sign3A_2, %sign3A_5 : i32
    %sign3A_7 = arith.constant 0 : i32
    %sign3A_8 = arith.cmpi sgt, %jit3A, %sign3A_7 : i32
    %sign3A_9 = arith.extui %sign3A_8 : i1 to i32
    %sign3A_10 = arith.constant 0 : i32
    %sign3A_11 = arith.cmpi slt, %jit3A, %sign3A_10 : i32
    %sign3A_12 = arith.extui %sign3A_11 : i1 to i32
    %sign3A_13 = arith.subi %sign3A_9, %sign3A_12 : i32
    %ne3A = arith.cmpi ne, %sign3A_6, %sign3A_13 : i32
    %rem3A = arith.remsi %add3A, %jit3A : i32
    %ne3A_14 = arith.constant 0 : i32
    %ne3A_15 = arith.cmpi ne, %rem3A, %ne3A_14 : i32
    %and3A = arith.andi %ne3A, %ne3A_15 : i1
    %sub3A = arith.constant 1 : i32
    %sub3A_16 = arith.subi %div3A, %sub3A : i32
    %select_n3A = arith.select %and3A, %sub3A_16, %div3A : i32
    %mul3A_17 = arith.constant 128 : i32
    %mul3A_18 = arith.muli %select_n3A, %mul3A_17 : i32
    %jit3A_19 = arith.constant 2 : i32
    %eq3A = arith.constant 0 : i32
    %eq3A_20 = arith.cmpi eq, %jit3A_19, %eq3A : i32
    %jit3A_21 = arith.constant 1 : i32
    %select_n3A_22 = arith.select %eq3A_20, %jit3A_21, %jit3A_19 : i32
    %rem3A_23 = arith.remsi %add3A, %select_n3A_22 : i32
    %ne3A_24 = arith.constant 0 : i32
    %ne3A_25 = arith.cmpi ne, %rem3A_23, %ne3A_24 : i32
    %lt3A = arith.constant 0 : i32
    %lt3A_26 = arith.cmpi slt, %rem3A_23, %lt3A : i32
    %lt3A_27 = arith.constant 0 : i32
    %lt3A_28 = arith.cmpi slt, %select_n3A_22, %lt3A_27 : i32
    %ne3A_29 = arith.xori %lt3A_26, %lt3A_28 : i1
    %and3A_30 = arith.andi %ne3A_29, %ne3A_25 : i1
    %add3A_31 = arith.addi %rem3A_23, %select_n3A_22 : i32
    %select_n3A_32 = arith.select %and3A_30, %add3A_31, %rem3A_23 : i32
    %mul3A_33 = arith.constant 64 : i32
    %mul3A_34 = arith.muli %select_n3A_32, %mul3A_33 : i32
    %add3A_35 = arith.addi %mul3A_18, %mul3A_34 : i32
    "tpu.region"() ({
      %run_scoped3A = tpu.sem_alloc : memref<!tpu.dma_semaphore, #tpu.memory_space<semaphore_mem>>
      tpu.enqueue_dma source(%arg5 : memref<16xf32, #tpu.memory_space<hbm>>) target(%arg14 : memref<16xf32, #tpu.memory_space<vmem>>) target_semaphore(%run_scoped3A : memref<!tpu.dma_semaphore, #tpu.memory_space<semaphore_mem>>)
      tpu.wait_dma2 semaphore(%run_scoped3A : memref<!tpu.dma_semaphore, #tpu.memory_space<semaphore_mem>>) src(%arg5 : memref<16xf32, #tpu.memory_space<hbm>>) dst(%arg14 : memref<16xf32, #tpu.memory_space<vmem>>)
      tpu.yield
    }) : () -> ()
    %eq3A_36 = arith.constant 0 : i32
    %eq3A_37 = arith.cmpi eq, %add3A, %eq3A_36 : i32
    %convert_element_type3A = arith.extui %eq3A_37 : i1 to i32
    %cond3A = arith.constant 0 : i32
    %cond3A_38 = arith.cmpi ne, %convert_element_type3A, %cond3A : i32
    scf.if %cond3A_38 {
      "tpu.region"() ({
        %run_scoped3A = tpu.sem_alloc : memref<!tpu.dma_semaphore, #tpu.memory_space<semaphore_mem>>
        tpu.enqueue_dma source(%arg3 : memref<16xi32, #tpu.memory_space<hbm>>) target(%arg13 : memref<16xi32, #tpu.memory_space<vmem>>) target_semaphore(%run_scoped3A : memref<!tpu.dma_semaphore, #tpu.memory_space<semaphore_mem>>)
        tpu.wait_dma2 semaphore(%run_scoped3A : memref<!tpu.dma_semaphore, #tpu.memory_space<semaphore_mem>>) src(%arg3 : memref<16xi32, #tpu.memory_space<hbm>>) dst(%arg13 : memref<16xi32, #tpu.memory_space<vmem>>)
        tpu.yield
      }) : () -> ()
      %get3A = arith.constant 0 : index
      %get3A_673 = tpu.vector_load %arg13[%get3A] {strides = array<i32>} : memref<16xi32, #tpu.memory_space<vmem>>, vector<16xi32>,
      %convert_element_type3A_674 = arith.sitofp %get3A_673 : vector<16xi32> to vector<16xf32>
      %get3A_675 = arith.constant 0 : index
      %get3A_676 = tpu.vector_load %arg14[%get3A_675] {strides = array<i32>} : memref<16xf32, #tpu.memory_space<vmem>>, vector<16xf32>,
      %mul3A_677 = arith.mulf %convert_element_type3A_674, %get3A_676 : vector<16xf32>
      %min3A = arith.constant 4.096000e+03 : f32
      %min3A_678 = vector.broadcast %min3A : f32 to vector<16xf32>
      %min3A_679 = arith.minimumf %mul3A_677, %min3A_678 : vector<16xf32>
      %convert_element_type3A_680 = arith.fptosi %min3A_679 : vector<16xf32> to vector<16xi32>
      %swap3A = arith.constant 0 : index
      %swap3A_681 = tpu.vector_load %arg15[%swap3A] {strides = array<i32>} : memref<16xi32, #tpu.memory_space<vmem>>, vector<16xi32>,
      tpu.vector_store %arg15[%swap3A], %convert_element_type3A_680 {strides = array<i32>} : memref<16xi32, #tpu.memory_space<vmem>>, vector<16xi32>,
      "tpu.region"() ({
        %run_scoped3A = tpu.sem_alloc : memref<!tpu.dma_semaphore, #tpu.memory_space<semaphore_mem>>
        tpu.enqueue_dma source(%arg15 : memref<16xi32, #tpu.memory_space<vmem>>) target(%arg7 : memref<16xi32, #tpu.memory_space<hbm>>) target_semaphore(%run_scoped3A : memref<!tpu.dma_semaphore, #tpu.memory_space<semaphore_mem>>)
        tpu.wait_dma2 semaphore(%run_scoped3A : memref<!tpu.dma_semaphore, #tpu.memory_space<semaphore_mem>>) src(%arg15 : memref<16xi32, #tpu.memory_space<vmem>>) dst(%arg7 : memref<16xi32, #tpu.memory_space<hbm>>)
        tpu.yield
      }) : () -> ()
    } else {
    }
    %mul3A_39 = arith.constant 4096 : i32
    %mul3A_40 = arith.muli %select_n3A, %mul3A_39 : i32
    "tpu.region"() ({
      %run_scoped3A = tpu.sem_alloc : memref<!tpu.dma_semaphore, #tpu.memory_space<semaphore_mem>>
      %dma_start3A_673 = tpu.memref_slice %arg4[%mul3A_40] : memref<65536xf32, #tpu.memory_space<hbm>> -> memref<4096xf32, #tpu.memory_space<hbm>>
      %dma_start3A_674 = tpu.memref_slice %arg4[%mul3A_40] : memref<65536xf32, #tpu.memory_space<hbm>> -> memref<4096xf32, #tpu.memory_space<hbm>>
      tpu.enqueue_dma source(%dma_start3A_674 : memref<4096xf32, #tpu.memory_space<hbm>>) target(%arg8 : memref<4096xf32, #tpu.memory_space<vmem>>) target_semaphore(%run_scoped3A : memref<!tpu.dma_semaphore, #tpu.memory_space<semaphore_mem>>)
      %dma_wait3A_675 = tpu.memref_slice %arg4[%mul3A_40] : memref<65536xf32, #tpu.memory_space<hbm>> -> memref<4096xf32, #tpu.memory_space<hbm>>
      %dma_wait3A_676 = tpu.memref_slice %arg4[%mul3A_40] : memref<65536xf32, #tpu.memory_space<hbm>> -> memref<4096xf32, #tpu.memory_space<hbm>>
      tpu.wait_dma2 semaphore(%run_scoped3A : memref<!tpu.dma_semaphore, #tpu.memory_space<semaphore_mem>>) src(%dma_wait3A_676 : memref<4096xf32, #tpu.memory_space<hbm>>) dst(%arg8 : memref<4096xf32, #tpu.memory_space<vmem>>)
      tpu.yield
    }) : () -> ()
    %add3A_41 = arith.constant 0 : i32
    %add3A_42 = arith.addi %add3A_35, %add3A_41 : i32
    %add3A_43 = arith.constant 0 : i32
    %add3A_44 = arith.addi %add3A_42, %add3A_43 : i32
    %jit3A_45 = arith.constant 8 : i32
    %div3A_46 = arith.divsi %add3A_44, %jit3A_45 : i32
    %sign3A_47 = arith.constant 0 : i32
    %sign3A_48 = arith.cmpi sgt, %add3A_44, %sign3A_47 : i32
    %sign3A_49 = arith.extui %sign3A_48 : i1 to i32
    %sign3A_50 = arith.constant 0 : i32
    %sign3A_51 = arith.cmpi slt, %add3A_44, %sign3A_50 : i32
    %sign3A_52 = arith.extui %sign3A_51 : i1 to i32
    %sign3A_53 = arith.subi %sign3A_49, %sign3A_52 : i32
    %sign3A_54 = arith.constant 0 : i32
    %sign3A_55 = arith.cmpi sgt, %jit3A_45, %sign3A_54 : i32
    %sign3A_56 = arith.extui %sign3A_55 : i1 to i32
    %sign3A_57 = arith.constant 0 : i32
    %sign3A_58 = arith.cmpi slt, %jit3A_45, %sign3A_57 : i32
    %sign3A_59 = arith.extui %sign3A_58 : i1 to i32
    %sign3A_60 = arith.subi %sign3A_56, %sign3A_59 : i32
    %ne3A_61 = arith.cmpi ne, %sign3A_53, %sign3A_60 : i32
    %rem3A_62 = arith.remsi %add3A_44, %jit3A_45 : i32
    %ne3A_63 = arith.constant 0 : i32
    %ne3A_64 = arith.cmpi ne, %rem3A_62, %ne3A_63 : i32
    %and3A_65 = arith.andi %ne3A_61, %ne3A_64 : i1
    %sub3A_66 = arith.constant 1 : i32
    %sub3A_67 = arith.subi %div3A_46, %sub3A_66 : i32
    %select_n3A_68 = arith.select %and3A_65, %sub3A_67, %div3A_46 : i32
    %jit3A_69 = arith.constant 8 : i32
    %eq3A_70 = arith.constant 0 : i32
    %eq3A_71 = arith.cmpi eq, %jit3A_69, %eq3A_70 : i32
    %jit3A_72 = arith.constant 1 : i32
    %select_n3A_73 = arith.select %eq3A_71, %jit3A_72, %jit3A_69 : i32
    %rem3A_74 = arith.remsi %add3A_44, %select_n3A_73 : i32
    %ne3A_75 = arith.constant 0 : i32
    %ne3A_76 = arith.cmpi ne, %rem3A_74, %ne3A_75 : i32
    %lt3A_77 = arith.constant 0 : i32
    %lt3A_78 = arith.cmpi slt, %rem3A_74, %lt3A_77 : i32
    %lt3A_79 = arith.constant 0 : i32
    %lt3A_80 = arith.cmpi slt, %select_n3A_73, %lt3A_79 : i32
    %ne3A_81 = arith.xori %lt3A_78, %lt3A_80 : i1
    %and3A_82 = arith.andi %ne3A_81, %ne3A_76 : i1
    %add3A_83 = arith.addi %rem3A_74, %select_n3A_73 : i32
    %select_n3A_84 = arith.select %and3A_82, %add3A_83, %rem3A_74 : i32
    %dma_start3A = arith.constant 0 : i32
    %dma_start3A_85 = arith.constant 0 : i32
    %dma_start3A_86 = arith.constant 0 : i32
    %dma_start3A_87 = tpu.memref_slice %arg9[%dma_start3A, %dma_start3A_85, %dma_start3A_86] : memref<4x32x128xf32, #tpu.memory_space<vmem>> -> memref<1x32x128xf32, #tpu.memory_space<vmem>>
    %dma_start3A_88 = tpu.memref_squeeze %dma_start3A_87 : memref<1x32x128xf32, #tpu.memory_space<vmem>> -> memref<32x128xf32, #tpu.memory_space<vmem>>
    %dma_start3A_89 = arith.constant 0 : i32
    %dma_start3A_90 = arith.constant 0 : i32
    %dma_start3A_91 = tpu.memref_slice %arg2[%select_n3A_68, %dma_start3A_89, %select_n3A_84, %dma_start3A_90] : memref<256x32x8x128xf32, #tpu.memory_space<hbm>> -> memref<1x32x1x128xf32, #tpu.memory_space<hbm>>
    %dma_start3A_92 = tpu.memref_squeeze %dma_start3A_91 : memref<1x32x1x128xf32, #tpu.memory_space<hbm>> -> memref<32x128xf32, #tpu.memory_space<hbm>>
    %dma_start3A_93 = arith.constant 0 : i32
    %dma_start3A_94 = arith.constant 0 : i32
    %dma_start3A_95 = tpu.memref_slice %arg9[%dma_start3A, %dma_start3A_93, %dma_start3A_94] : memref<4x32x128xf32, #tpu.memory_space<vmem>> -> memref<1x32x128xf32, #tpu.memory_space<vmem>>
    %dma_start3A_96 = tpu.memref_squeeze %dma_start3A_95 : memref<1x32x128xf32, #tpu.memory_space<vmem>> -> memref<32x128xf32, #tpu.memory_space<vmem>>
    %dma_start3A_97 = arith.constant 0 : i32
    %dma_start3A_98 = arith.constant 0 : i32
    %dma_start3A_99 = tpu.memref_slice %arg2[%select_n3A_68, %dma_start3A_97, %select_n3A_84, %dma_start3A_98] : memref<256x32x8x128xf32, #tpu.memory_space<hbm>> -> memref<1x32x1x128xf32, #tpu.memory_space<hbm>>
    %dma_start3A_100 = tpu.memref_squeeze %dma_start3A_99 : memref<1x32x1x128xf32, #tpu.memory_space<hbm>> -> memref<32x128xf32, #tpu.memory_space<hbm>>
    tpu.enqueue_dma source(%dma_start3A_100 : memref<32x128xf32, #tpu.memory_space<hbm>>) target(%dma_start3A_96 : memref<32x128xf32, #tpu.memory_space<vmem>>) target_semaphore(%arg16 : memref<!tpu.dma_semaphore, #tpu.memory_space<semaphore_mem>>)
    %add3A_101 = arith.constant 1 : i32
    %add3A_102 = arith.addi %add3A_42, %add3A_101 : i32
    %jit3A_103 = arith.constant 8 : i32
    %div3A_104 = arith.divsi %add3A_102, %jit3A_103 : i32
    %sign3A_105 = arith.constant 0 : i32
    %sign3A_106 = arith.cmpi sgt, %add3A_102, %sign3A_105 : i32
    %sign3A_107 = arith.extui %sign3A_106 : i1 to i32
    %sign3A_108 = arith.constant 0 : i32
    %sign3A_109 = arith.cmpi slt, %add3A_102, %sign3A_108 : i32
    %sign3A_110 = arith.extui %sign3A_109 : i1 to i32
    %sign3A_111 = arith.subi %sign3A_107, %sign3A_110 : i32
    %sign3A_112 = arith.constant 0 : i32
    %sign3A_113 = arith.cmpi sgt, %jit3A_103, %sign3A_112 : i32
    %sign3A_114 = arith.extui %sign3A_113 : i1 to i32
    %sign3A_115 = arith.constant 0 : i32
    %sign3A_116 = arith.cmpi slt, %jit3A_103, %sign3A_115 : i32
    %sign3A_117 = arith.extui %sign3A_116 : i1 to i32
    %sign3A_118 = arith.subi %sign3A_114, %sign3A_117 : i32
    %ne3A_119 = arith.cmpi ne, %sign3A_111, %sign3A_118 : i32
    %rem3A_120 = arith.remsi %add3A_102, %jit3A_103 : i32
    %ne3A_121 = arith.constant 0 : i32
    %ne3A_122 = arith.cmpi ne, %rem3A_120, %ne3A_121 : i32
    %and3A_123 = arith.andi %ne3A_119, %ne3A_122 : i1
    %sub3A_124 = arith.constant 1 : i32
    %sub3A_125 = arith.subi %div3A_104, %sub3A_124 : i32
    %select_n3A_126 = arith.select %and3A_123, %sub3A_125, %div3A_104 : i32
    %jit3A_127 = arith.constant 8 : i32
    %eq3A_128 = arith.constant 0 : i32
    %eq3A_129 = arith.cmpi eq, %jit3A_127, %eq3A_128 : i32
    %jit3A_130 = arith.constant 1 : i32
    %select_n3A_131 = arith.select %eq3A_129, %jit3A_130, %jit3A_127 : i32
    %rem3A_132 = arith.remsi %add3A_102, %select_n3A_131 : i32
    %ne3A_133 = arith.constant 0 : i32
    %ne3A_134 = arith.cmpi ne, %rem3A_132, %ne3A_133 : i32
    %lt3A_135 = arith.constant 0 : i32
    %lt3A_136 = arith.cmpi slt, %rem3A_132, %lt3A_135 : i32
    %lt3A_137 = arith.constant 0 : i32
    %lt3A_138 = arith.cmpi slt, %select_n3A_131, %lt3A_137 : i32
    %ne3A_139 = arith.xori %lt3A_136, %lt3A_138 : i1
    %and3A_140 = arith.andi %ne3A_139, %ne3A_134 : i1
    %add3A_141 = arith.addi %rem3A_132, %select_n3A_131 : i32
    %select_n3A_142 = arith.select %and3A_140, %add3A_141, %rem3A_132 : i32
    %dma_start3A_143 = arith.constant 1 : i32
    %dma_start3A_144 = arith.constant 0 : i32
    %dma_start3A_145 = arith.constant 0 : i32
    %dma_start3A_146 = tpu.memref_slice %arg9[%dma_start3A_143, %dma_start3A_144, %dma_start3A_145] : memref<4x32x128xf32, #tpu.memory_space<vmem>> -> memref<1x32x128xf32, #tpu.memory_space<vmem>>
    %dma_start3A_147 = tpu.memref_squeeze %dma_start3A_146 : memref<1x32x128xf32, #tpu.memory_space<vmem>> -> memref<32x128xf32, #tpu.memory_space<vmem>>
    %dma_start3A_148 = arith.constant 0 : i32
    %dma_start3A_149 = arith.constant 0 : i32
    %dma_start3A_150 = tpu.memref_slice %arg2[%select_n3A_126, %dma_start3A_148, %select_n3A_142, %dma_start3A_149] : memref<256x32x8x128xf32, #tpu.memory_space<hbm>> -> memref<1x32x1x128xf32, #tpu.memory_space<hbm>>
    %dma_start3A_151 = tpu.memref_squeeze %dma_start3A_150 : memref<1x32x1x128xf32, #tpu.memory_space<hbm>> -> memref<32x128xf32, #tpu.memory_space<hbm>>
    %dma_start3A_152 = arith.constant 0 : i32
    %dma_start3A_153 = arith.constant 0 : i32
    %dma_start3A_154 = tpu.memref_slice %arg9[%dma_start3A_143, %dma_start3A_152, %dma_start3A_153] : memref<4x32x128xf32, #tpu.memory_space<vmem>> -> memref<1x32x128xf32, #tpu.memory_space<vmem>>
    %dma_start3A_155 = tpu.memref_squeeze %dma_start3A_154 : memref<1x32x128xf32, #tpu.memory_space<vmem>> -> memref<32x128xf32, #tpu.memory_space<vmem>>
    %dma_start3A_156 = arith.constant 0 : i32
    %dma_start3A_157 = arith.constant 0 : i32
    %dma_start3A_158 = tpu.memref_slice %arg2[%select_n3A_126, %dma_start3A_156, %select_n3A_142, %dma_start3A_157] : memref<256x32x8x128xf32, #tpu.memory_space<hbm>> -> memref<1x32x1x128xf32, #tpu.memory_space<hbm>>
    %dma_start3A_159 = tpu.memref_squeeze %dma_start3A_158 : memref<1x32x1x128xf32, #tpu.memory_space<hbm>> -> memref<32x128xf32, #tpu.memory_space<hbm>>
    tpu.enqueue_dma source(%dma_start3A_159 : memref<32x128xf32, #tpu.memory_space<hbm>>) target(%dma_start3A_155 : memref<32x128xf32, #tpu.memory_space<vmem>>) target_semaphore(%arg16 : memref<!tpu.dma_semaphore, #tpu.memory_space<semaphore_mem>>)
    %add3A_160 = arith.constant 2 : i32
    %add3A_161 = arith.addi %add3A_42, %add3A_160 : i32
    %jit3A_162 = arith.constant 8 : i32
    %div3A_163 = arith.divsi %add3A_161, %jit3A_162 : i32
    %sign3A_164 = arith.constant 0 : i32
    %sign3A_165 = arith.cmpi sgt, %add3A_161, %sign3A_164 : i32
    %sign3A_166 = arith.extui %sign3A_165 : i1 to i32
    %sign3A_167 = arith.constant 0 : i32
    %sign3A_168 = arith.cmpi slt, %add3A_161, %sign3A_167 : i32
    %sign3A_169 = arith.extui %sign3A_168 : i1 to i32
    %sign3A_170 = arith.subi %sign3A_166, %sign3A_169 : i32
    %sign3A_171 = arith.constant 0 : i32
    %sign3A_172 = arith.cmpi sgt, %jit3A_162, %sign3A_171 : i32
    %sign3A_173 = arith.extui %sign3A_172 : i1 to i32
    %sign3A_174 = arith.constant 0 : i32
    %sign3A_175 = arith.cmpi slt, %jit3A_162, %sign3A_174 : i32
    %sign3A_176 = arith.extui %sign3A_175 : i1 to i32
    %sign3A_177 = arith.subi %sign3A_173, %sign3A_176 : i32
    %ne3A_178 = arith.cmpi ne, %sign3A_170, %sign3A_177 : i32
    %rem3A_179 = arith.remsi %add3A_161, %jit3A_162 : i32
    %ne3A_180 = arith.constant 0 : i32
    %ne3A_181 = arith.cmpi ne, %rem3A_179, %ne3A_180 : i32
    %and3A_182 = arith.andi %ne3A_178, %ne3A_181 : i1
    %sub3A_183 = arith.constant 1 : i32
    %sub3A_184 = arith.subi %div3A_163, %sub3A_183 : i32
    %select_n3A_185 = arith.select %and3A_182, %sub3A_184, %div3A_163 : i32
    %jit3A_186 = arith.constant 8 : i32
    %eq3A_187 = arith.constant 0 : i32
    %eq3A_188 = arith.cmpi eq, %jit3A_186, %eq3A_187 : i32
    %jit3A_189 = arith.constant 1 : i32
    %select_n3A_190 = arith.select %eq3A_188, %jit3A_189, %jit3A_186 : i32
    %rem3A_191 = arith.remsi %add3A_161, %select_n3A_190 : i32
    %ne3A_192 = arith.constant 0 : i32
    %ne3A_193 = arith.cmpi ne, %rem3A_191, %ne3A_192 : i32
    %lt3A_194 = arith.constant 0 : i32
    %lt3A_195 = arith.cmpi slt, %rem3A_191, %lt3A_194 : i32
    %lt3A_196 = arith.constant 0 : i32
    %lt3A_197 = arith.cmpi slt, %select_n3A_190, %lt3A_196 : i32
    %ne3A_198 = arith.xori %lt3A_195, %lt3A_197 : i1
    %and3A_199 = arith.andi %ne3A_198, %ne3A_193 : i1
    %add3A_200 = arith.addi %rem3A_191, %select_n3A_190 : i32
    %select_n3A_201 = arith.select %and3A_199, %add3A_200, %rem3A_191 : i32
    %dma_start3A_202 = arith.constant 2 : i32
    %dma_start3A_203 = arith.constant 0 : i32
    %dma_start3A_204 = arith.constant 0 : i32
    %dma_start3A_205 = tpu.memref_slice %arg9[%dma_start3A_202, %dma_start3A_203, %dma_start3A_204] : memref<4x32x128xf32, #tpu.memory_space<vmem>> -> memref<1x32x128xf32, #tpu.memory_space<vmem>>
    %dma_start3A_206 = tpu.memref_squeeze %dma_start3A_205 : memref<1x32x128xf32, #tpu.memory_space<vmem>> -> memref<32x128xf32, #tpu.memory_space<vmem>>
    %dma_start3A_207 = arith.constant 0 : i32
    %dma_start3A_208 = arith.constant 0 : i32
    %dma_start3A_209 = tpu.memref_slice %arg2[%select_n3A_185, %dma_start3A_207, %select_n3A_201, %dma_start3A_208] : memref<256x32x8x128xf32, #tpu.memory_space<hbm>> -> memref<1x32x1x128xf32, #tpu.memory_space<hbm>>
    %dma_start3A_210 = tpu.memref_squeeze %dma_start3A_209 : memref<1x32x1x128xf32, #tpu.memory_space<hbm>> -> memref<32x128xf32, #tpu.memory_space<hbm>>
    %dma_start3A_211 = arith.constant 0 : i32
    %dma_start3A_212 = arith.constant 0 : i32
    %dma_start3A_213 = tpu.memref_slice %arg9[%dma_start3A_202, %dma_start3A_211, %dma_start3A_212] : memref<4x32x128xf32, #tpu.memory_space<vmem>> -> memref<1x32x128xf32, #tpu.memory_space<vmem>>
    %dma_start3A_214 = tpu.memref_squeeze %dma_start3A_213 : memref<1x32x128xf32, #tpu.memory_space<vmem>> -> memref<32x128xf32, #tpu.memory_space<vmem>>
    %dma_start3A_215 = arith.constant 0 : i32
    %dma_start3A_216 = arith.constant 0 : i32
    %dma_start3A_217 = tpu.memref_slice %arg2[%select_n3A_185, %dma_start3A_215, %select_n3A_201, %dma_start3A_216] : memref<256x32x8x128xf32, #tpu.memory_space<hbm>> -> memref<1x32x1x128xf32, #tpu.memory_space<hbm>>
    %dma_start3A_218 = tpu.memref_squeeze %dma_start3A_217 : memref<1x32x1x128xf32, #tpu.memory_space<hbm>> -> memref<32x128xf32, #tpu.memory_space<hbm>>
    tpu.enqueue_dma source(%dma_start3A_218 : memref<32x128xf32, #tpu.memory_space<hbm>>) target(%dma_start3A_214 : memref<32x128xf32, #tpu.memory_space<vmem>>) target_semaphore(%arg16 : memref<!tpu.dma_semaphore, #tpu.memory_space<semaphore_mem>>)
    %add3A_219 = arith.constant 3 : i32
    %add3A_220 = arith.addi %add3A_42, %add3A_219 : i32
    %jit3A_221 = arith.constant 8 : i32
    %div3A_222 = arith.divsi %add3A_220, %jit3A_221 : i32
    %sign3A_223 = arith.constant 0 : i32
    %sign3A_224 = arith.cmpi sgt, %add3A_220, %sign3A_223 : i32
    %sign3A_225 = arith.extui %sign3A_224 : i1 to i32
    %sign3A_226 = arith.constant 0 : i32
    %sign3A_227 = arith.cmpi slt, %add3A_220, %sign3A_226 : i32
    %sign3A_228 = arith.extui %sign3A_227 : i1 to i32
    %sign3A_229 = arith.subi %sign3A_225, %sign3A_228 : i32
    %sign3A_230 = arith.constant 0 : i32
    %sign3A_231 = arith.cmpi sgt, %jit3A_221, %sign3A_230 : i32
    %sign3A_232 = arith.extui %sign3A_231 : i1 to i32
    %sign3A_233 = arith.constant 0 : i32
    %sign3A_234 = arith.cmpi slt, %jit3A_221, %sign3A_233 : i32
    %sign3A_235 = arith.extui %sign3A_234 : i1 to i32
    %sign3A_236 = arith.subi %sign3A_232, %sign3A_235 : i32
    %ne3A_237 = arith.cmpi ne, %sign3A_229, %sign3A_236 : i32
    %rem3A_238 = arith.remsi %add3A_220, %jit3A_221 : i32
    %ne3A_239 = arith.constant 0 : i32
    %ne3A_240 = arith.cmpi ne, %rem3A_238, %ne3A_239 : i32
    %and3A_241 = arith.andi %ne3A_237, %ne3A_240 : i1
    %sub3A_242 = arith.constant 1 : i32
    %sub3A_243 = arith.subi %div3A_222, %sub3A_242 : i32
    %select_n3A_244 = arith.select %and3A_241, %sub3A_243, %div3A_222 : i32
    %jit3A_245 = arith.constant 8 : i32
    %eq3A_246 = arith.constant 0 : i32
    %eq3A_247 = arith.cmpi eq, %jit3A_245, %eq3A_246 : i32
    %jit3A_248 = arith.constant 1 : i32
    %select_n3A_249 = arith.select %eq3A_247, %jit3A_248, %jit3A_245 : i32
    %rem3A_250 = arith.remsi %add3A_220, %select_n3A_249 : i32
    %ne3A_251 = arith.constant 0 : i32
    %ne3A_252 = arith.cmpi ne, %rem3A_250, %ne3A_251 : i32
    %lt3A_253 = arith.constant 0 : i32
    %lt3A_254 = arith.cmpi slt, %rem3A_250, %lt3A_253 : i32
    %lt3A_255 = arith.constant 0 : i32
    %lt3A_256 = arith.cmpi slt, %select_n3A_249, %lt3A_255 : i32
    %ne3A_257 = arith.xori %lt3A_254, %lt3A_256 : i1
    %and3A_258 = arith.andi %ne3A_257, %ne3A_252 : i1
    %add3A_259 = arith.addi %rem3A_250, %select_n3A_249 : i32
    %select_n3A_260 = arith.select %and3A_258, %add3A_259, %rem3A_250 : i32
    %dma_start3A_261 = arith.constant 3 : i32
    %dma_start3A_262 = arith.constant 0 : i32
    %dma_start3A_263 = arith.constant 0 : i32
    %dma_start3A_264 = tpu.memref_slice %arg9[%dma_start3A_261, %dma_start3A_262, %dma_start3A_263] : memref<4x32x128xf32, #tpu.memory_space<vmem>> -> memref<1x32x128xf32, #tpu.memory_space<vmem>>
    %dma_start3A_265 = tpu.memref_squeeze %dma_start3A_264 : memref<1x32x128xf32, #tpu.memory_space<vmem>> -> memref<32x128xf32, #tpu.memory_space<vmem>>
    %dma_start3A_266 = arith.constant 0 : i32
    %dma_start3A_267 = arith.constant 0 : i32
    %dma_start3A_268 = tpu.memref_slice %arg2[%select_n3A_244, %dma_start3A_266, %select_n3A_260, %dma_start3A_267] : memref<256x32x8x128xf32, #tpu.memory_space<hbm>> -> memref<1x32x1x128xf32, #tpu.memory_space<hbm>>
    %dma_start3A_269 = tpu.memref_squeeze %dma_start3A_268 : memref<1x32x1x128xf32, #tpu.memory_space<hbm>> -> memref<32x128xf32, #tpu.memory_space<hbm>>
    %dma_start3A_270 = arith.constant 0 : i32
    %dma_start3A_271 = arith.constant 0 : i32
    %dma_start3A_272 = tpu.memref_slice %arg9[%dma_start3A_261, %dma_start3A_270, %dma_start3A_271] : memref<4x32x128xf32, #tpu.memory_space<vmem>> -> memref<1x32x128xf32, #tpu.memory_space<vmem>>
    %dma_start3A_273 = tpu.memref_squeeze %dma_start3A_272 : memref<1x32x128xf32, #tpu.memory_space<vmem>> -> memref<32x128xf32, #tpu.memory_space<vmem>>
    %dma_start3A_274 = arith.constant 0 : i32
    %dma_start3A_275 = arith.constant 0 : i32
    %dma_start3A_276 = tpu.memref_slice %arg2[%select_n3A_244, %dma_start3A_274, %select_n3A_260, %dma_start3A_275] : memref<256x32x8x128xf32, #tpu.memory_space<hbm>> -> memref<1x32x1x128xf32, #tpu.memory_space<hbm>>
    %dma_start3A_277 = tpu.memref_squeeze %dma_start3A_276 : memref<1x32x1x128xf32, #tpu.memory_space<hbm>> -> memref<32x128xf32, #tpu.memory_space<hbm>>
    tpu.enqueue_dma source(%dma_start3A_277 : memref<32x128xf32, #tpu.memory_space<hbm>>) target(%dma_start3A_273 : memref<32x128xf32, #tpu.memory_space<vmem>>) target_semaphore(%arg16 : memref<!tpu.dma_semaphore, #tpu.memory_space<semaphore_mem>>)
    %add3A_278 = arith.constant 4 : i32
    %add3A_279 = arith.addi %add3A_35, %add3A_278 : i32
    %add3A_280 = arith.constant 0 : i32
    %add3A_281 = arith.addi %add3A_279, %add3A_280 : i32
    %jit3A_282 = arith.constant 8 : i32
    %div3A_283 = arith.divsi %add3A_281, %jit3A_282 : i32
    %sign3A_284 = arith.constant 0 : i32
    %sign3A_285 = arith.cmpi sgt, %add3A_281, %sign3A_284 : i32
    %sign3A_286 = arith.extui %sign3A_285 : i1 to i32
    %sign3A_287 = arith.constant 0 : i32
    %sign3A_288 = arith.cmpi slt, %add3A_281, %sign3A_287 : i32
    %sign3A_289 = arith.extui %sign3A_288 : i1 to i32
    %sign3A_290 = arith.subi %sign3A_286, %sign3A_289 : i32
    %sign3A_291 = arith.constant 0 : i32
    %sign3A_292 = arith.cmpi sgt, %jit3A_282, %sign3A_291 : i32
    %sign3A_293 = arith.extui %sign3A_292 : i1 to i32
    %sign3A_294 = arith.constant 0 : i32
    %sign3A_295 = arith.cmpi slt, %jit3A_282, %sign3A_294 : i32
    %sign3A_296 = arith.extui %sign3A_295 : i1 to i32
    %sign3A_297 = arith.subi %sign3A_293, %sign3A_296 : i32
    %ne3A_298 = arith.cmpi ne, %sign3A_290, %sign3A_297 : i32
    %rem3A_299 = arith.remsi %add3A_281, %jit3A_282 : i32
    %ne3A_300 = arith.constant 0 : i32
    %ne3A_301 = arith.cmpi ne, %rem3A_299, %ne3A_300 : i32
    %and3A_302 = arith.andi %ne3A_298, %ne3A_301 : i1
    %sub3A_303 = arith.constant 1 : i32
    %sub3A_304 = arith.subi %div3A_283, %sub3A_303 : i32
    %select_n3A_305 = arith.select %and3A_302, %sub3A_304, %div3A_283 : i32
    %jit3A_306 = arith.constant 8 : i32
    %eq3A_307 = arith.constant 0 : i32
    %eq3A_308 = arith.cmpi eq, %jit3A_306, %eq3A_307 : i32
    %jit3A_309 = arith.constant 1 : i32
    %select_n3A_310 = arith.select %eq3A_308, %jit3A_309, %jit3A_306 : i32
    %rem3A_311 = arith.remsi %add3A_281, %select_n3A_310 : i32
    %ne3A_312 = arith.constant 0 : i32
    %ne3A_313 = arith.cmpi ne, %rem3A_311, %ne3A_312 : i32
    %lt3A_314 = arith.constant 0 : i32
    %lt3A_315 = arith.cmpi slt, %rem3A_311, %lt3A_314 : i32
    %lt3A_316 = arith.constant 0 : i32
    %lt3A_317 = arith.cmpi slt, %select_n3A_310, %lt3A_316 : i32
    %ne3A_318 = arith.xori %lt3A_315, %lt3A_317 : i1
    %and3A_319 = arith.andi %ne3A_318, %ne3A_313 : i1
    %add3A_320 = arith.addi %rem3A_311, %select_n3A_310 : i32
    %select_n3A_321 = arith.select %and3A_319, %add3A_320, %rem3A_311 : i32
    %dma_start3A_322 = arith.constant 0 : i32
    %dma_start3A_323 = arith.constant 0 : i32
    %dma_start3A_324 = arith.constant 0 : i32
    %dma_start3A_325 = tpu.memref_slice %arg10[%dma_start3A_322, %dma_start3A_323, %dma_start3A_324] : memref<4x32x128xf32, #tpu.memory_space<vmem>> -> memref<1x32x128xf32, #tpu.memory_space<vmem>>
    %dma_start3A_326 = tpu.memref_squeeze %dma_start3A_325 : memref<1x32x128xf32, #tpu.memory_space<vmem>> -> memref<32x128xf32, #tpu.memory_space<vmem>>
    %dma_start3A_327 = arith.constant 0 : i32
    %dma_start3A_328 = arith.constant 0 : i32
    %dma_start3A_329 = tpu.memref_slice %arg2[%select_n3A_305, %dma_start3A_327, %select_n3A_321, %dma_start3A_328] : memref<256x32x8x128xf32, #tpu.memory_space<hbm>> -> memref<1x32x1x128xf32, #tpu.memory_space<hbm>>
    %dma_start3A_330 = tpu.memref_squeeze %dma_start3A_329 : memref<1x32x1x128xf32, #tpu.memory_space<hbm>> -> memref<32x128xf32, #tpu.memory_space<hbm>>
    %dma_start3A_331 = arith.constant 0 : i32
    %dma_start3A_332 = arith.constant 0 : i32
    %dma_start3A_333 = tpu.memref_slice %arg10[%dma_start3A_322, %dma_start3A_331, %dma_start3A_332] : memref<4x32x128xf32, #tpu.memory_space<vmem>> -> memref<1x32x128xf32, #tpu.memory_space<vmem>>
    %dma_start3A_334 = tpu.memref_squeeze %dma_start3A_333 : memref<1x32x128xf32, #tpu.memory_space<vmem>> -> memref<32x128xf32, #tpu.memory_space<vmem>>
    %dma_start3A_335 = arith.constant 0 : i32
    %dma_start3A_336 = arith.constant 0 : i32
    %dma_start3A_337 = tpu.memref_slice %arg2[%select_n3A_305, %dma_start3A_335, %select_n3A_321, %dma_start3A_336] : memref<256x32x8x128xf32, #tpu.memory_space<hbm>> -> memref<1x32x1x128xf32, #tpu.memory_space<hbm>>
    %dma_start3A_338 = tpu.memref_squeeze %dma_start3A_337 : memref<1x32x1x128xf32, #tpu.memory_space<hbm>> -> memref<32x128xf32, #tpu.memory_space<hbm>>
    tpu.enqueue_dma source(%dma_start3A_338 : memref<32x128xf32, #tpu.memory_space<hbm>>) target(%dma_start3A_334 : memref<32x128xf32, #tpu.memory_space<vmem>>) target_semaphore(%arg17 : memref<!tpu.dma_semaphore, #tpu.memory_space<semaphore_mem>>)
    %add3A_339 = arith.constant 1 : i32
    %add3A_340 = arith.addi %add3A_279, %add3A_339 : i32
    %jit3A_341 = arith.constant 8 : i32
    %div3A_342 = arith.divsi %add3A_340, %jit3A_341 : i32
    %sign3A_343 = arith.constant 0 : i32
    %sign3A_344 = arith.cmpi sgt, %add3A_340, %sign3A_343 : i32
    %sign3A_345 = arith.extui %sign3A_344 : i1 to i32
    %sign3A_346 = arith.constant 0 : i32
    %sign3A_347 = arith.cmpi slt, %add3A_340, %sign3A_346 : i32
    %sign3A_348 = arith.extui %sign3A_347 : i1 to i32
    %sign3A_349 = arith.subi %sign3A_345, %sign3A_348 : i32
    %sign3A_350 = arith.constant 0 : i32
    %sign3A_351 = arith.cmpi sgt, %jit3A_341, %sign3A_350 : i32
    %sign3A_352 = arith.extui %sign3A_351 : i1 to i32
    %sign3A_353 = arith.constant 0 : i32
    %sign3A_354 = arith.cmpi slt, %jit3A_341, %sign3A_353 : i32
    %sign3A_355 = arith.extui %sign3A_354 : i1 to i32
    %sign3A_356 = arith.subi %sign3A_352, %sign3A_355 : i32
    %ne3A_357 = arith.cmpi ne, %sign3A_349, %sign3A_356 : i32
    %rem3A_358 = arith.remsi %add3A_340, %jit3A_341 : i32
    %ne3A_359 = arith.constant 0 : i32
    %ne3A_360 = arith.cmpi ne, %rem3A_358, %ne3A_359 : i32
    %and3A_361 = arith.andi %ne3A_357, %ne3A_360 : i1
    %sub3A_362 = arith.constant 1 : i32
    %sub3A_363 = arith.subi %div3A_342, %sub3A_362 : i32
    %select_n3A_364 = arith.select %and3A_361, %sub3A_363, %div3A_342 : i32
    %jit3A_365 = arith.constant 8 : i32
    %eq3A_366 = arith.constant 0 : i32
    %eq3A_367 = arith.cmpi eq, %jit3A_365, %eq3A_366 : i32
    %jit3A_368 = arith.constant 1 : i32
    %select_n3A_369 = arith.select %eq3A_367, %jit3A_368, %jit3A_365 : i32
    %rem3A_370 = arith.remsi %add3A_340, %select_n3A_369 : i32
    %ne3A_371 = arith.constant 0 : i32
    %ne3A_372 = arith.cmpi ne, %rem3A_370, %ne3A_371 : i32
    %lt3A_373 = arith.constant 0 : i32
    %lt3A_374 = arith.cmpi slt, %rem3A_370, %lt3A_373 : i32
    %lt3A_375 = arith.constant 0 : i32
    %lt3A_376 = arith.cmpi slt, %select_n3A_369, %lt3A_375 : i32
    %ne3A_377 = arith.xori %lt3A_374, %lt3A_376 : i1
    %and3A_378 = arith.andi %ne3A_377, %ne3A_372 : i1
    %add3A_379 = arith.addi %rem3A_370, %select_n3A_369 : i32
    %select_n3A_380 = arith.select %and3A_378, %add3A_379, %rem3A_370 : i32
    %dma_start3A_381 = arith.constant 1 : i32
    %dma_start3A_382 = arith.constant 0 : i32
    %dma_start3A_383 = arith.constant 0 : i32
    %dma_start3A_384 = tpu.memref_slice %arg10[%dma_start3A_381, %dma_start3A_382, %dma_start3A_383] : memref<4x32x128xf32, #tpu.memory_space<vmem>> -> memref<1x32x128xf32, #tpu.memory_space<vmem>>
    %dma_start3A_385 = tpu.memref_squeeze %dma_start3A_384 : memref<1x32x128xf32, #tpu.memory_space<vmem>> -> memref<32x128xf32, #tpu.memory_space<vmem>>
    %dma_start3A_386 = arith.constant 0 : i32
    %dma_start3A_387 = arith.constant 0 : i32
    %dma_start3A_388 = tpu.memref_slice %arg2[%select_n3A_364, %dma_start3A_386, %select_n3A_380, %dma_start3A_387] : memref<256x32x8x128xf32, #tpu.memory_space<hbm>> -> memref<1x32x1x128xf32, #tpu.memory_space<hbm>>
    %dma_start3A_389 = tpu.memref_squeeze %dma_start3A_388 : memref<1x32x1x128xf32, #tpu.memory_space<hbm>> -> memref<32x128xf32, #tpu.memory_space<hbm>>
    %dma_start3A_390 = arith.constant 0 : i32
    %dma_start3A_391 = arith.constant 0 : i32
    %dma_start3A_392 = tpu.memref_slice %arg10[%dma_start3A_381, %dma_start3A_390, %dma_start3A_391] : memref<4x32x128xf32, #tpu.memory_space<vmem>> -> memref<1x32x128xf32, #tpu.memory_space<vmem>>
    %dma_start3A_393 = tpu.memref_squeeze %dma_start3A_392 : memref<1x32x128xf32, #tpu.memory_space<vmem>> -> memref<32x128xf32, #tpu.memory_space<vmem>>
    %dma_start3A_394 = arith.constant 0 : i32
    %dma_start3A_395 = arith.constant 0 : i32
    %dma_start3A_396 = tpu.memref_slice %arg2[%select_n3A_364, %dma_start3A_394, %select_n3A_380, %dma_start3A_395] : memref<256x32x8x128xf32, #tpu.memory_space<hbm>> -> memref<1x32x1x128xf32, #tpu.memory_space<hbm>>
    %dma_start3A_397 = tpu.memref_squeeze %dma_start3A_396 : memref<1x32x1x128xf32, #tpu.memory_space<hbm>> -> memref<32x128xf32, #tpu.memory_space<hbm>>
    tpu.enqueue_dma source(%dma_start3A_397 : memref<32x128xf32, #tpu.memory_space<hbm>>) target(%dma_start3A_393 : memref<32x128xf32, #tpu.memory_space<vmem>>) target_semaphore(%arg17 : memref<!tpu.dma_semaphore, #tpu.memory_space<semaphore_mem>>)
    %add3A_398 = arith.constant 2 : i32
    %add3A_399 = arith.addi %add3A_279, %add3A_398 : i32
    %jit3A_400 = arith.constant 8 : i32
    %div3A_401 = arith.divsi %add3A_399, %jit3A_400 : i32
    %sign3A_402 = arith.constant 0 : i32
    %sign3A_403 = arith.cmpi sgt, %add3A_399, %sign3A_402 : i32
    %sign3A_404 = arith.extui %sign3A_403 : i1 to i32
    %sign3A_405 = arith.constant 0 : i32
    %sign3A_406 = arith.cmpi slt, %add3A_399, %sign3A_405 : i32
    %sign3A_407 = arith.extui %sign3A_406 : i1 to i32
    %sign3A_408 = arith.subi %sign3A_404, %sign3A_407 : i32
    %sign3A_409 = arith.constant 0 : i32
    %sign3A_410 = arith.cmpi sgt, %jit3A_400, %sign3A_409 : i32
    %sign3A_411 = arith.extui %sign3A_410 : i1 to i32
    %sign3A_412 = arith.constant 0 : i32
    %sign3A_413 = arith.cmpi slt, %jit3A_400, %sign3A_412 : i32
    %sign3A_414 = arith.extui %sign3A_413 : i1 to i32
    %sign3A_415 = arith.subi %sign3A_411, %sign3A_414 : i32
    %ne3A_416 = arith.cmpi ne, %sign3A_408, %sign3A_415 : i32
    %rem3A_417 = arith.remsi %add3A_399, %jit3A_400 : i32
    %ne3A_418 = arith.constant 0 : i32
    %ne3A_419 = arith.cmpi ne, %rem3A_417, %ne3A_418 : i32
    %and3A_420 = arith.andi %ne3A_416, %ne3A_419 : i1
    %sub3A_421 = arith.constant 1 : i32
    %sub3A_422 = arith.subi %div3A_401, %sub3A_421 : i32
    %select_n3A_423 = arith.select %and3A_420, %sub3A_422, %div3A_401 : i32
    %jit3A_424 = arith.constant 8 : i32
    %eq3A_425 = arith.constant 0 : i32
    %eq3A_426 = arith.cmpi eq, %jit3A_424, %eq3A_425 : i32
    %jit3A_427 = arith.constant 1 : i32
    %select_n3A_428 = arith.select %eq3A_426, %jit3A_427, %jit3A_424 : i32
    %rem3A_429 = arith.remsi %add3A_399, %select_n3A_428 : i32
    %ne3A_430 = arith.constant 0 : i32
    %ne3A_431 = arith.cmpi ne, %rem3A_429, %ne3A_430 : i32
    %lt3A_432 = arith.constant 0 : i32
    %lt3A_433 = arith.cmpi slt, %rem3A_429, %lt3A_432 : i32
    %lt3A_434 = arith.constant 0 : i32
    %lt3A_435 = arith.cmpi slt, %select_n3A_428, %lt3A_434 : i32
    %ne3A_436 = arith.xori %lt3A_433, %lt3A_435 : i1
    %and3A_437 = arith.andi %ne3A_436, %ne3A_431 : i1
    %add3A_438 = arith.addi %rem3A_429, %select_n3A_428 : i32
    %select_n3A_439 = arith.select %and3A_437, %add3A_438, %rem3A_429 : i32
    %dma_start3A_440 = arith.constant 2 : i32
    %dma_start3A_441 = arith.constant 0 : i32
    %dma_start3A_442 = arith.constant 0 : i32
    %dma_start3A_443 = tpu.memref_slice %arg10[%dma_start3A_440, %dma_start3A_441, %dma_start3A_442] : memref<4x32x128xf32, #tpu.memory_space<vmem>> -> memref<1x32x128xf32, #tpu.memory_space<vmem>>
    %dma_start3A_444 = tpu.memref_squeeze %dma_start3A_443 : memref<1x32x128xf32, #tpu.memory_space<vmem>> -> memref<32x128xf32, #tpu.memory_space<vmem>>
    %dma_start3A_445 = arith.constant 0 : i32
    %dma_start3A_446 = arith.constant 0 : i32
    %dma_start3A_447 = tpu.memref_slice %arg2[%select_n3A_423, %dma_start3A_445, %select_n3A_439, %dma_start3A_446] : memref<256x32x8x128xf32, #tpu.memory_space<hbm>> -> memref<1x32x1x128xf32, #tpu.memory_space<hbm>>
    %dma_start3A_448 = tpu.memref_squeeze %dma_start3A_447 : memref<1x32x1x128xf32, #tpu.memory_space<hbm>> -> memref<32x128xf32, #tpu.memory_space<hbm>>
    %dma_start3A_449 = arith.constant 0 : i32
    %dma_start3A_450 = arith.constant 0 : i32
    %dma_start3A_451 = tpu.memref_slice %arg10[%dma_start3A_440, %dma_start3A_449, %dma_start3A_450] : memref<4x32x128xf32, #tpu.memory_space<vmem>> -> memref<1x32x128xf32, #tpu.memory_space<vmem>>
    %dma_start3A_452 = tpu.memref_squeeze %dma_start3A_451 : memref<1x32x128xf32, #tpu.memory_space<vmem>> -> memref<32x128xf32, #tpu.memory_space<vmem>>
    %dma_start3A_453 = arith.constant 0 : i32
    %dma_start3A_454 = arith.constant 0 : i32
    %dma_start3A_455 = tpu.memref_slice %arg2[%select_n3A_423, %dma_start3A_453, %select_n3A_439, %dma_start3A_454] : memref<256x32x8x128xf32, #tpu.memory_space<hbm>> -> memref<1x32x1x128xf32, #tpu.memory_space<hbm>>
    %dma_start3A_456 = tpu.memref_squeeze %dma_start3A_455 : memref<1x32x1x128xf32, #tpu.memory_space<hbm>> -> memref<32x128xf32, #tpu.memory_space<hbm>>
    tpu.enqueue_dma source(%dma_start3A_456 : memref<32x128xf32, #tpu.memory_space<hbm>>) target(%dma_start3A_452 : memref<32x128xf32, #tpu.memory_space<vmem>>) target_semaphore(%arg17 : memref<!tpu.dma_semaphore, #tpu.memory_space<semaphore_mem>>)
    %add3A_457 = arith.constant 3 : i32
    %add3A_458 = arith.addi %add3A_279, %add3A_457 : i32
    %jit3A_459 = arith.constant 8 : i32
    %div3A_460 = arith.divsi %add3A_458, %jit3A_459 : i32
    %sign3A_461 = arith.constant 0 : i32
    %sign3A_462 = arith.cmpi sgt, %add3A_458, %sign3A_461 : i32
    %sign3A_463 = arith.extui %sign3A_462 : i1 to i32
    %sign3A_464 = arith.constant 0 : i32
    %sign3A_465 = arith.cmpi slt, %add3A_458, %sign3A_464 : i32
    %sign3A_466 = arith.extui %sign3A_465 : i1 to i32
    %sign3A_467 = arith.subi %sign3A_463, %sign3A_466 : i32
    %sign3A_468 = arith.constant 0 : i32
    %sign3A_469 = arith.cmpi sgt, %jit3A_459, %sign3A_468 : i32
    %sign3A_470 = arith.extui %sign3A_469 : i1 to i32
    %sign3A_471 = arith.constant 0 : i32
    %sign3A_472 = arith.cmpi slt, %jit3A_459, %sign3A_471 : i32
    %sign3A_473 = arith.extui %sign3A_472 : i1 to i32
    %sign3A_474 = arith.subi %sign3A_470, %sign3A_473 : i32
    %ne3A_475 = arith.cmpi ne, %sign3A_467, %sign3A_474 : i32
    %rem3A_476 = arith.remsi %add3A_458, %jit3A_459 : i32
    %ne3A_477 = arith.constant 0 : i32
    %ne3A_478 = arith.cmpi ne, %rem3A_476, %ne3A_477 : i32
    %and3A_479 = arith.andi %ne3A_475, %ne3A_478 : i1
    %sub3A_480 = arith.constant 1 : i32
    %sub3A_481 = arith.subi %div3A_460, %sub3A_480 : i32
    %select_n3A_482 = arith.select %and3A_479, %sub3A_481, %div3A_460 : i32
    %jit3A_483 = arith.constant 8 : i32
    %eq3A_484 = arith.constant 0 : i32
    %eq3A_485 = arith.cmpi eq, %jit3A_483, %eq3A_484 : i32
    %jit3A_486 = arith.constant 1 : i32
    %select_n3A_487 = arith.select %eq3A_485, %jit3A_486, %jit3A_483 : i32
    %rem3A_488 = arith.remsi %add3A_458, %select_n3A_487 : i32
    %ne3A_489 = arith.constant 0 : i32
    %ne3A_490 = arith.cmpi ne, %rem3A_488, %ne3A_489 : i32
    %lt3A_491 = arith.constant 0 : i32
    %lt3A_492 = arith.cmpi slt, %rem3A_488, %lt3A_491 : i32
    %lt3A_493 = arith.constant 0 : i32
    %lt3A_494 = arith.cmpi slt, %select_n3A_487, %lt3A_493 : i32
    %ne3A_495 = arith.xori %lt3A_492, %lt3A_494 : i1
    %and3A_496 = arith.andi %ne3A_495, %ne3A_490 : i1
    %add3A_497 = arith.addi %rem3A_488, %select_n3A_487 : i32
    %select_n3A_498 = arith.select %and3A_496, %add3A_497, %rem3A_488 : i32
    %dma_start3A_499 = arith.constant 3 : i32
    %dma_start3A_500 = arith.constant 0 : i32
    %dma_start3A_501 = arith.constant 0 : i32
    %dma_start3A_502 = tpu.memref_slice %arg10[%dma_start3A_499, %dma_start3A_500, %dma_start3A_501] : memref<4x32x128xf32, #tpu.memory_space<vmem>> -> memref<1x32x128xf32, #tpu.memory_space<vmem>>
    %dma_start3A_503 = tpu.memref_squeeze %dma_start3A_502 : memref<1x32x128xf32, #tpu.memory_space<vmem>> -> memref<32x128xf32, #tpu.memory_space<vmem>>
    %dma_start3A_504 = arith.constant 0 : i32
    %dma_start3A_505 = arith.constant 0 : i32
    %dma_start3A_506 = tpu.memref_slice %arg2[%select_n3A_482, %dma_start3A_504, %select_n3A_498, %dma_start3A_505] : memref<256x32x8x128xf32, #tpu.memory_space<hbm>> -> memref<1x32x1x128xf32, #tpu.memory_space<hbm>>
    %dma_start3A_507 = tpu.memref_squeeze %dma_start3A_506 : memref<1x32x1x128xf32, #tpu.memory_space<hbm>> -> memref<32x128xf32, #tpu.memory_space<hbm>>
    %dma_start3A_508 = arith.constant 0 : i32
    %dma_start3A_509 = arith.constant 0 : i32
    %dma_start3A_510 = tpu.memref_slice %arg10[%dma_start3A_499, %dma_start3A_508, %dma_start3A_509] : memref<4x32x128xf32, #tpu.memory_space<vmem>> -> memref<1x32x128xf32, #tpu.memory_space<vmem>>
    %dma_start3A_511 = tpu.memref_squeeze %dma_start3A_510 : memref<1x32x128xf32, #tpu.memory_space<vmem>> -> memref<32x128xf32, #tpu.memory_space<vmem>>
    %dma_start3A_512 = arith.constant 0 : i32
    %dma_start3A_513 = arith.constant 0 : i32
    %dma_start3A_514 = tpu.memref_slice %arg2[%select_n3A_482, %dma_start3A_512, %select_n3A_498, %dma_start3A_513] : memref<256x32x8x128xf32, #tpu.memory_space<hbm>> -> memref<1x32x1x128xf32, #tpu.memory_space<hbm>>
    %dma_start3A_515 = tpu.memref_squeeze %dma_start3A_514 : memref<1x32x1x128xf32, #tpu.memory_space<hbm>> -> memref<32x128xf32, #tpu.memory_space<hbm>>
    tpu.enqueue_dma source(%dma_start3A_515 : memref<32x128xf32, #tpu.memory_space<hbm>>) target(%dma_start3A_511 : memref<32x128xf32, #tpu.memory_space<vmem>>) target_semaphore(%arg17 : memref<!tpu.dma_semaphore, #tpu.memory_space<semaphore_mem>>)
    %scan3A = arith.constant 0 : i32
    %scan3A_516 = arith.constant 0 : i32
    %scan3A_517 = arith.constant 8 : i32
    %scan3A_518 = arith.addi %scan3A_516, %scan3A_517 : i32
    %scan3A_519 = arith.constant 1 : i32
    %scan3A_520 = scf.for %scan3A_673 = %scan3A_516 to %scan3A_518 step %scan3A_519 iter_args(%scan3A_674 = %scan3A) -> (i32)  : i32 {
      %mul3A_675 = arith.constant 2 : i32
      %mul3A_676 = arith.muli %mul3A_675, %scan3A_673 : i32
      %add3A_677 = arith.constant 0 : i32
      %add3A_678 = arith.addi %mul3A_676, %add3A_677 : i32
      %dma_wait3A_679 = arith.constant 0 : i32
      %dma_wait3A_680 = arith.constant 0 : i32
      %dma_wait3A_681 = arith.constant 0 : i32
      %dma_wait3A_682 = arith.constant 0 : i32
      %dma_wait3A_683 = arith.constant 0 : i32
      %dma_wait3A_684 = tpu.memref_slice %arg9[%dma_wait3A_681, %dma_wait3A_682, %dma_wait3A_683] : memref<4x32x128xf32, #tpu.memory_space<vmem>> -> memref<1x32x128xf32, #tpu.memory_space<vmem>>
      %dma_wait3A_685 = tpu.memref_squeeze %dma_wait3A_684 : memref<1x32x128xf32, #tpu.memory_space<vmem>> -> memref<32x128xf32, #tpu.memory_space<vmem>>
      %dma_wait3A_686 = arith.constant 0 : i32
      %dma_wait3A_687 = arith.constant 0 : i32
      %dma_wait3A_688 = tpu.memref_slice %arg2[%dma_wait3A_679, %dma_wait3A_686, %dma_wait3A_680, %dma_wait3A_687] : memref<256x32x8x128xf32, #tpu.memory_space<hbm>> -> memref<1x32x1x128xf32, #tpu.memory_space<hbm>>
      %dma_wait3A_689 = tpu.memref_squeeze %dma_wait3A_688 : memref<1x32x1x128xf32, #tpu.memory_space<hbm>> -> memref<32x128xf32, #tpu.memory_space<hbm>>
      %dma_wait3A_690 = arith.constant 0 : i32
      %dma_wait3A_691 = arith.constant 0 : i32
      %dma_wait3A_692 = tpu.memref_slice %arg9[%dma_wait3A_681, %dma_wait3A_690, %dma_wait3A_691] : memref<4x32x128xf32, #tpu.memory_space<vmem>> -> memref<1x32x128xf32, #tpu.memory_space<vmem>>
      %dma_wait3A_693 = tpu.memref_squeeze %dma_wait3A_692 : memref<1x32x128xf32, #tpu.memory_space<vmem>> -> memref<32x128xf32, #tpu.memory_space<vmem>>
      %dma_wait3A_694 = arith.constant 0 : i32
      %dma_wait3A_695 = arith.constant 0 : i32
      %dma_wait3A_696 = tpu.memref_slice %arg2[%dma_wait3A_679, %dma_wait3A_694, %dma_wait3A_680, %dma_wait3A_695] : memref<256x32x8x128xf32, #tpu.memory_space<hbm>> -> memref<1x32x1x128xf32, #tpu.memory_space<hbm>>
      %dma_wait3A_697 = tpu.memref_squeeze %dma_wait3A_696 : memref<1x32x1x128xf32, #tpu.memory_space<hbm>> -> memref<32x128xf32, #tpu.memory_space<hbm>>
      tpu.wait_dma2 semaphore(%arg16 : memref<!tpu.dma_semaphore, #tpu.memory_space<semaphore_mem>>) src(%dma_wait3A_697 : memref<32x128xf32, #tpu.memory_space<hbm>>) dst(%dma_wait3A_693 : memref<32x128xf32, #tpu.memory_space<vmem>>)
      %dma_wait3A_698 = arith.constant 0 : i32
      %dma_wait3A_699 = arith.constant 0 : i32
      %dma_wait3A_700 = arith.constant 1 : i32
      %dma_wait3A_701 = arith.constant 0 : i32
      %dma_wait3A_702 = arith.constant 0 : i32
      %dma_wait3A_703 = tpu.memref_slice %arg9[%dma_wait3A_700, %dma_wait3A_701, %dma_wait3A_702] : memref<4x32x128xf32, #tpu.memory_space<vmem>> -> memref<1x32x128xf32, #tpu.memory_space<vmem>>
      %dma_wait3A_704 = tpu.memref_squeeze %dma_wait3A_703 : memref<1x32x128xf32, #tpu.memory_space<vmem>> -> memref<32x128xf32, #tpu.memory_space<vmem>>
      %dma_wait3A_705 = arith.constant 0 : i32
      %dma_wait3A_706 = arith.constant 0 : i32
      %dma_wait3A_707 = tpu.memref_slice %arg2[%dma_wait3A_698, %dma_wait3A_705, %dma_wait3A_699, %dma_wait3A_706] : memref<256x32x8x128xf32, #tpu.memory_space<hbm>> -> memref<1x32x1x128xf32, #tpu.memory_space<hbm>>
      %dma_wait3A_708 = tpu.memref_squeeze %dma_wait3A_707 : memref<1x32x1x128xf32, #tpu.memory_space<hbm>> -> memref<32x128xf32, #tpu.memory_space<hbm>>
      %dma_wait3A_709 = arith.constant 0 : i32
      %dma_wait3A_710 = arith.constant 0 : i32
      %dma_wait3A_711 = tpu.memref_slice %arg9[%dma_wait3A_700, %dma_wait3A_709, %dma_wait3A_710] : memref<4x32x128xf32, #tpu.memory_space<vmem>> -> memref<1x32x128xf32, #tpu.memory_space<vmem>>
      %dma_wait3A_712 = tpu.memref_squeeze %dma_wait3A_711 : memref<1x32x128xf32, #tpu.memory_space<vmem>> -> memref<32x128xf32, #tpu.memory_space<vmem>>
      %dma_wait3A_713 = arith.constant 0 : i32
      %dma_wait3A_714 = arith.constant 0 : i32
      %dma_wait3A_715 = tpu.memref_slice %arg2[%dma_wait3A_698, %dma_wait3A_713, %dma_wait3A_699, %dma_wait3A_714] : memref<256x32x8x128xf32, #tpu.memory_space<hbm>> -> memref<1x32x1x128xf32, #tpu.memory_space<hbm>>
      %dma_wait3A_716 = tpu.memref_squeeze %dma_wait3A_715 : memref<1x32x1x128xf32, #tpu.memory_space<hbm>> -> memref<32x128xf32, #tpu.memory_space<hbm>>
      tpu.wait_dma2 semaphore(%arg16 : memref<!tpu.dma_semaphore, #tpu.memory_space<semaphore_mem>>) src(%dma_wait3A_716 : memref<32x128xf32, #tpu.memory_space<hbm>>) dst(%dma_wait3A_712 : memref<32x128xf32, #tpu.memory_space<vmem>>)
      %dma_wait3A_717 = arith.constant 0 : i32
      %dma_wait3A_718 = arith.constant 0 : i32
      %dma_wait3A_719 = arith.constant 2 : i32
      %dma_wait3A_720 = arith.constant 0 : i32
      %dma_wait3A_721 = arith.constant 0 : i32
      %dma_wait3A_722 = tpu.memref_slice %arg9[%dma_wait3A_719, %dma_wait3A_720, %dma_wait3A_721] : memref<4x32x128xf32, #tpu.memory_space<vmem>> -> memref<1x32x128xf32, #tpu.memory_space<vmem>>
      %dma_wait3A_723 = tpu.memref_squeeze %dma_wait3A_722 : memref<1x32x128xf32, #tpu.memory_space<vmem>> -> memref<32x128xf32, #tpu.memory_space<vmem>>
      %dma_wait3A_724 = arith.constant 0 : i32
      %dma_wait3A_725 = arith.constant 0 : i32
      %dma_wait3A_726 = tpu.memref_slice %arg2[%dma_wait3A_717, %dma_wait3A_724, %dma_wait3A_718, %dma_wait3A_725] : memref<256x32x8x128xf32, #tpu.memory_space<hbm>> -> memref<1x32x1x128xf32, #tpu.memory_space<hbm>>
      %dma_wait3A_727 = tpu.memref_squeeze %dma_wait3A_726 : memref<1x32x1x128xf32, #tpu.memory_space<hbm>> -> memref<32x128xf32, #tpu.memory_space<hbm>>
      %dma_wait3A_728 = arith.constant 0 : i32
      %dma_wait3A_729 = arith.constant 0 : i32
      %dma_wait3A_730 = tpu.memref_slice %arg9[%dma_wait3A_719, %dma_wait3A_728, %dma_wait3A_729] : memref<4x32x128xf32, #tpu.memory_space<vmem>> -> memref<1x32x128xf32, #tpu.memory_space<vmem>>
      %dma_wait3A_731 = tpu.memref_squeeze %dma_wait3A_730 : memref<1x32x128xf32, #tpu.memory_space<vmem>> -> memref<32x128xf32, #tpu.memory_space<vmem>>
      %dma_wait3A_732 = arith.constant 0 : i32
      %dma_wait3A_733 = arith.constant 0 : i32
      %dma_wait3A_734 = tpu.memref_slice %arg2[%dma_wait3A_717, %dma_wait3A_732, %dma_wait3A_718, %dma_wait3A_733] : memref<256x32x8x128xf32, #tpu.memory_space<hbm>> -> memref<1x32x1x128xf32, #tpu.memory_space<hbm>>
      %dma_wait3A_735 = tpu.memref_squeeze %dma_wait3A_734 : memref<1x32x1x128xf32, #tpu.memory_space<hbm>> -> memref<32x128xf32, #tpu.memory_space<hbm>>
      tpu.wait_dma2 semaphore(%arg16 : memref<!tpu.dma_semaphore, #tpu.memory_space<semaphore_mem>>) src(%dma_wait3A_735 : memref<32x128xf32, #tpu.memory_space<hbm>>) dst(%dma_wait3A_731 : memref<32x128xf32, #tpu.memory_space<vmem>>)
      %dma_wait3A_736 = arith.constant 0 : i32
      %dma_wait3A_737 = arith.constant 0 : i32
      %dma_wait3A_738 = arith.constant 3 : i32
      %dma_wait3A_739 = arith.constant 0 : i32
      %dma_wait3A_740 = arith.constant 0 : i32
      %dma_wait3A_741 = tpu.memref_slice %arg9[%dma_wait3A_738, %dma_wait3A_739, %dma_wait3A_740] : memref<4x32x128xf32, #tpu.memory_space<vmem>> -> memref<1x32x128xf32, #tpu.memory_space<vmem>>
      %dma_wait3A_742 = tpu.memref_squeeze %dma_wait3A_741 : memref<1x32x128xf32, #tpu.memory_space<vmem>> -> memref<32x128xf32, #tpu.memory_space<vmem>>
      %dma_wait3A_743 = arith.constant 0 : i32
      %dma_wait3A_744 = arith.constant 0 : i32
      %dma_wait3A_745 = tpu.memref_slice %arg2[%dma_wait3A_736, %dma_wait3A_743, %dma_wait3A_737, %dma_wait3A_744] : memref<256x32x8x128xf32, #tpu.memory_space<hbm>> -> memref<1x32x1x128xf32, #tpu.memory_space<hbm>>
      %dma_wait3A_746 = tpu.memref_squeeze %dma_wait3A_745 : memref<1x32x1x128xf32, #tpu.memory_space<hbm>> -> memref<32x128xf32, #tpu.memory_space<hbm>>
      %dma_wait3A_747 = arith.constant 0 : i32
      %dma_wait3A_748 = arith.constant 0 : i32
      %dma_wait3A_749 = tpu.memref_slice %arg9[%dma_wait3A_738, %dma_wait3A_747, %dma_wait3A_748] : memref<4x32x128xf32, #tpu.memory_space<vmem>> -> memref<1x32x128xf32, #tpu.memory_space<vmem>>
      %dma_wait3A_750 = tpu.memref_squeeze %dma_wait3A_749 : memref<1x32x128xf32, #tpu.memory_space<vmem>> -> memref<32x128xf32, #tpu.memory_space<vmem>>
      %dma_wait3A_751 = arith.constant 0 : i32
      %dma_wait3A_752 = arith.constant 0 : i32
      %dma_wait3A_753 = tpu.memref_slice %arg2[%dma_wait3A_736, %dma_wait3A_751, %dma_wait3A_737, %dma_wait3A_752] : memref<256x32x8x128xf32, #tpu.memory_space<hbm>> -> memref<1x32x1x128xf32, #tpu.memory_space<hbm>>
      %dma_wait3A_754 = tpu.memref_squeeze %dma_wait3A_753 : memref<1x32x1x128xf32, #tpu.memory_space<hbm>> -> memref<32x128xf32, #tpu.memory_space<hbm>>
      tpu.wait_dma2 semaphore(%arg16 : memref<!tpu.dma_semaphore, #tpu.memory_space<semaphore_mem>>) src(%dma_wait3A_754 : memref<32x128xf32, #tpu.memory_space<hbm>>) dst(%dma_wait3A_750 : memref<32x128xf32, #tpu.memory_space<vmem>>)
      %gt3A = arith.constant 0 : i32
      %gt3A_755 = arith.cmpi sgt, %scan3A_673, %gt3A : i32
      %convert_element_type3A_756 = arith.extui %gt3A_755 : i1 to i32
      %cond3A_757 = arith.constant 0 : i32
      %cond3A_758 = arith.cmpi ne, %convert_element_type3A_756, %cond3A_757 : i32
      scf.if %cond3A_758 {
        %dma_wait3A_1338 = arith.constant 0 : i32
        %dma_wait3A_1339 = arith.constant 0 : i32
        %dma_wait3A_1340 = arith.constant 0 : i32
        %dma_wait3A_1341 = arith.constant 0 : i32
        %dma_wait3A_1342 = arith.constant 0 : i32
        %dma_wait3A_1343 = tpu.memref_slice %arg11[%dma_wait3A_1338, %dma_wait3A_1341, %dma_wait3A_1342] : memref<4x32x128xf32, #tpu.memory_space<vmem>> -> memref<1x32x128xf32, #tpu.memory_space<vmem>>
        %dma_wait3A_1344 = tpu.memref_squeeze %dma_wait3A_1343 : memref<1x32x128xf32, #tpu.memory_space<vmem>> -> memref<32x128xf32, #tpu.memory_space<vmem>>
        %dma_wait3A_1345 = arith.constant 0 : i32
        %dma_wait3A_1346 = arith.constant 0 : i32
        %dma_wait3A_1347 = tpu.memref_slice %arg6[%dma_wait3A_1339, %dma_wait3A_1345, %dma_wait3A_1340, %dma_wait3A_1346] : memref<256x32x8x128xf32, #tpu.memory_space<hbm>> -> memref<1x32x1x128xf32, #tpu.memory_space<hbm>>
        %dma_wait3A_1348 = tpu.memref_squeeze %dma_wait3A_1347 : memref<1x32x1x128xf32, #tpu.memory_space<hbm>> -> memref<32x128xf32, #tpu.memory_space<hbm>>
        %dma_wait3A_1349 = arith.constant 0 : i32
        %dma_wait3A_1350 = arith.constant 0 : i32
        %dma_wait3A_1351 = tpu.memref_slice %arg6[%dma_wait3A_1339, %dma_wait3A_1349, %dma_wait3A_1340, %dma_wait3A_1350] : memref<256x32x8x128xf32, #tpu.memory_space<hbm>> -> memref<1x32x1x128xf32, #tpu.memory_space<hbm>>
        %dma_wait3A_1352 = tpu.memref_squeeze %dma_wait3A_1351 : memref<1x32x1x128xf32, #tpu.memory_space<hbm>> -> memref<32x128xf32, #tpu.memory_space<hbm>>
        %dma_wait3A_1353 = arith.constant 0 : i32
        %dma_wait3A_1354 = arith.constant 0 : i32
        %dma_wait3A_1355 = tpu.memref_slice %arg11[%dma_wait3A_1338, %dma_wait3A_1353, %dma_wait3A_1354] : memref<4x32x128xf32, #tpu.memory_space<vmem>> -> memref<1x32x128xf32, #tpu.memory_space<vmem>>
        %dma_wait3A_1356 = tpu.memref_squeeze %dma_wait3A_1355 : memref<1x32x128xf32, #tpu.memory_space<vmem>> -> memref<32x128xf32, #tpu.memory_space<vmem>>
        tpu.wait_dma2 semaphore(%arg18 : memref<!tpu.dma_semaphore, #tpu.memory_space<semaphore_mem>>) src(%dma_wait3A_1356 : memref<32x128xf32, #tpu.memory_space<vmem>>) dst(%dma_wait3A_1352 : memref<32x128xf32, #tpu.memory_space<hbm>>)
        %dma_wait3A_1357 = arith.constant 1 : i32
        %dma_wait3A_1358 = arith.constant 0 : i32
        %dma_wait3A_1359 = arith.constant 0 : i32
        %dma_wait3A_1360 = arith.constant 0 : i32
        %dma_wait3A_1361 = arith.constant 0 : i32
        %dma_wait3A_1362 = tpu.memref_slice %arg11[%dma_wait3A_1357, %dma_wait3A_1360, %dma_wait3A_1361] : memref<4x32x128xf32, #tpu.memory_space<vmem>> -> memref<1x32x128xf32, #tpu.memory_space<vmem>>
        %dma_wait3A_1363 = tpu.memref_squeeze %dma_wait3A_1362 : memref<1x32x128xf32, #tpu.memory_space<vmem>> -> memref<32x128xf32, #tpu.memory_space<vmem>>
        %dma_wait3A_1364 = arith.constant 0 : i32
        %dma_wait3A_1365 = arith.constant 0 : i32
        %dma_wait3A_1366 = tpu.memref_slice %arg6[%dma_wait3A_1358, %dma_wait3A_1364, %dma_wait3A_1359, %dma_wait3A_1365] : memref<256x32x8x128xf32, #tpu.memory_space<hbm>> -> memref<1x32x1x128xf32, #tpu.memory_space<hbm>>
        %dma_wait3A_1367 = tpu.memref_squeeze %dma_wait3A_1366 : memref<1x32x1x128xf32, #tpu.memory_space<hbm>> -> memref<32x128xf32, #tpu.memory_space<hbm>>
        %dma_wait3A_1368 = arith.constant 0 : i32
        %dma_wait3A_1369 = arith.constant 0 : i32
        %dma_wait3A_1370 = tpu.memref_slice %arg6[%dma_wait3A_1358, %dma_wait3A_1368, %dma_wait3A_1359, %dma_wait3A_1369] : memref<256x32x8x128xf32, #tpu.memory_space<hbm>> -> memref<1x32x1x128xf32, #tpu.memory_space<hbm>>
        %dma_wait3A_1371 = tpu.memref_squeeze %dma_wait3A_1370 : memref<1x32x1x128xf32, #tpu.memory_space<hbm>> -> memref<32x128xf32, #tpu.memory_space<hbm>>
        %dma_wait3A_1372 = arith.constant 0 : i32
        %dma_wait3A_1373 = arith.constant 0 : i32
        %dma_wait3A_1374 = tpu.memref_slice %arg11[%dma_wait3A_1357, %dma_wait3A_1372, %dma_wait3A_1373] : memref<4x32x128xf32, #tpu.memory_space<vmem>> -> memref<1x32x128xf32, #tpu.memory_space<vmem>>
        %dma_wait3A_1375 = tpu.memref_squeeze %dma_wait3A_1374 : memref<1x32x128xf32, #tpu.memory_space<vmem>> -> memref<32x128xf32, #tpu.memory_space<vmem>>
        tpu.wait_dma2 semaphore(%arg18 : memref<!tpu.dma_semaphore, #tpu.memory_space<semaphore_mem>>) src(%dma_wait3A_1375 : memref<32x128xf32, #tpu.memory_space<vmem>>) dst(%dma_wait3A_1371 : memref<32x128xf32, #tpu.memory_space<hbm>>)
        %dma_wait3A_1376 = arith.constant 2 : i32
        %dma_wait3A_1377 = arith.constant 0 : i32
        %dma_wait3A_1378 = arith.constant 0 : i32
        %dma_wait3A_1379 = arith.constant 0 : i32
        %dma_wait3A_1380 = arith.constant 0 : i32
        %dma_wait3A_1381 = tpu.memref_slice %arg11[%dma_wait3A_1376, %dma_wait3A_1379, %dma_wait3A_1380] : memref<4x32x128xf32, #tpu.memory_space<vmem>> -> memref<1x32x128xf32, #tpu.memory_space<vmem>>
        %dma_wait3A_1382 = tpu.memref_squeeze %dma_wait3A_1381 : memref<1x32x128xf32, #tpu.memory_space<vmem>> -> memref<32x128xf32, #tpu.memory_space<vmem>>
        %dma_wait3A_1383 = arith.constant 0 : i32
        %dma_wait3A_1384 = arith.constant 0 : i32
        %dma_wait3A_1385 = tpu.memref_slice %arg6[%dma_wait3A_1377, %dma_wait3A_1383, %dma_wait3A_1378, %dma_wait3A_1384] : memref<256x32x8x128xf32, #tpu.memory_space<hbm>> -> memref<1x32x1x128xf32, #tpu.memory_space<hbm>>
        %dma_wait3A_1386 = tpu.memref_squeeze %dma_wait3A_1385 : memref<1x32x1x128xf32, #tpu.memory_space<hbm>> -> memref<32x128xf32, #tpu.memory_space<hbm>>
        %dma_wait3A_1387 = arith.constant 0 : i32
        %dma_wait3A_1388 = arith.constant 0 : i32
        %dma_wait3A_1389 = tpu.memref_slice %arg6[%dma_wait3A_1377, %dma_wait3A_1387, %dma_wait3A_1378, %dma_wait3A_1388] : memref<256x32x8x128xf32, #tpu.memory_space<hbm>> -> memref<1x32x1x128xf32, #tpu.memory_space<hbm>>
        %dma_wait3A_1390 = tpu.memref_squeeze %dma_wait3A_1389 : memref<1x32x1x128xf32, #tpu.memory_space<hbm>> -> memref<32x128xf32, #tpu.memory_space<hbm>>
        %dma_wait3A_1391 = arith.constant 0 : i32
        %dma_wait3A_1392 = arith.constant 0 : i32
        %dma_wait3A_1393 = tpu.memref_slice %arg11[%dma_wait3A_1376, %dma_wait3A_1391, %dma_wait3A_1392] : memref<4x32x128xf32, #tpu.memory_space<vmem>> -> memref<1x32x128xf32, #tpu.memory_space<vmem>>
        %dma_wait3A_1394 = tpu.memref_squeeze %dma_wait3A_1393 : memref<1x32x128xf32, #tpu.memory_space<vmem>> -> memref<32x128xf32, #tpu.memory_space<vmem>>
        tpu.wait_dma2 semaphore(%arg18 : memref<!tpu.dma_semaphore, #tpu.memory_space<semaphore_mem>>) src(%dma_wait3A_1394 : memref<32x128xf32, #tpu.memory_space<vmem>>) dst(%dma_wait3A_1390 : memref<32x128xf32, #tpu.memory_space<hbm>>)
        %dma_wait3A_1395 = arith.constant 3 : i32
        %dma_wait3A_1396 = arith.constant 0 : i32
        %dma_wait3A_1397 = arith.constant 0 : i32
        %dma_wait3A_1398 = arith.constant 0 : i32
        %dma_wait3A_1399 = arith.constant 0 : i32
        %dma_wait3A_1400 = tpu.memref_slice %arg11[%dma_wait3A_1395, %dma_wait3A_1398, %dma_wait3A_1399] : memref<4x32x128xf32, #tpu.memory_space<vmem>> -> memref<1x32x128xf32, #tpu.memory_space<vmem>>
        %dma_wait3A_1401 = tpu.memref_squeeze %dma_wait3A_1400 : memref<1x32x128xf32, #tpu.memory_space<vmem>> -> memref<32x128xf32, #tpu.memory_space<vmem>>
        %dma_wait3A_1402 = arith.constant 0 : i32
        %dma_wait3A_1403 = arith.constant 0 : i32
        %dma_wait3A_1404 = tpu.memref_slice %arg6[%dma_wait3A_1396, %dma_wait3A_1402, %dma_wait3A_1397, %dma_wait3A_1403] : memref<256x32x8x128xf32, #tpu.memory_space<hbm>> -> memref<1x32x1x128xf32, #tpu.memory_space<hbm>>
        %dma_wait3A_1405 = tpu.memref_squeeze %dma_wait3A_1404 : memref<1x32x1x128xf32, #tpu.memory_space<hbm>> -> memref<32x128xf32, #tpu.memory_space<hbm>>
        %dma_wait3A_1406 = arith.constant 0 : i32
        %dma_wait3A_1407 = arith.constant 0 : i32
        %dma_wait3A_1408 = tpu.memref_slice %arg6[%dma_wait3A_1396, %dma_wait3A_1406, %dma_wait3A_1397, %dma_wait3A_1407] : memref<256x32x8x128xf32, #tpu.memory_space<hbm>> -> memref<1x32x1x128xf32, #tpu.memory_space<hbm>>
        %dma_wait3A_1409 = tpu.memref_squeeze %dma_wait3A_1408 : memref<1x32x1x128xf32, #tpu.memory_space<hbm>> -> memref<32x128xf32, #tpu.memory_space<hbm>>
        %dma_wait3A_1410 = arith.constant 0 : i32
        %dma_wait3A_1411 = arith.constant 0 : i32
        %dma_wait3A_1412 = tpu.memref_slice %arg11[%dma_wait3A_1395, %dma_wait3A_1410, %dma_wait3A_1411] : memref<4x32x128xf32, #tpu.memory_space<vmem>> -> memref<1x32x128xf32, #tpu.memory_space<vmem>>
        %dma_wait3A_1413 = tpu.memref_squeeze %dma_wait3A_1412 : memref<1x32x128xf32, #tpu.memory_space<vmem>> -> memref<32x128xf32, #tpu.memory_space<vmem>>
        tpu.wait_dma2 semaphore(%arg18 : memref<!tpu.dma_semaphore, #tpu.memory_space<semaphore_mem>>) src(%dma_wait3A_1413 : memref<32x128xf32, #tpu.memory_space<vmem>>) dst(%dma_wait3A_1409 : memref<32x128xf32, #tpu.memory_space<hbm>>)
      } else {
      }
      %parallel_loop3A = arith.constant 0 : i32
      %parallel_loop3A_759 = arith.constant 256 : i32
      %parallel_loop3A_760 = arith.constant 1 : i32
      scf.for %parallel_loop3A_1338 = %parallel_loop3A to %parallel_loop3A_759 step %parallel_loop3A_760  : i32 {
        %parallel_loop3A_1339 = arith.constant 16 : i32
        %parallel_loop3A_1340 = arith.muli %parallel_loop3A_1338, %parallel_loop3A_1339 : i32
        %parallel_loop3A_1341 = arith.index_cast %parallel_loop3A_1340 : i32 to index
        %parallel_loop3A_1342 = tpu.vector_load %arg8[%parallel_loop3A_1341] {strides = array<i32>} : memref<4096xf32, #tpu.memory_space<vmem>>, vector<16xf32>,
        %parallel_loop3A_1343 = arith.fptosi %parallel_loop3A_1342 : vector<16xf32> to vector<16xi32>
        %parallel_loop3A_1344 = arith.sitofp %parallel_loop3A_1343 : vector<16xi32> to vector<16xf32>
        %parallel_loop3A_1345 = arith.subf %parallel_loop3A_1342, %parallel_loop3A_1344 : vector<16xf32>
        %parallel_loop3A_1346 = arith.constant 1 : i32
        %parallel_loop3A_1347 = vector.broadcast %parallel_loop3A_1346 : i32 to vector<16xi32>
        %parallel_loop3A_1348 = arith.addi %parallel_loop3A_1343, %parallel_loop3A_1347 : vector<16xi32>
        %parallel_loop3A_1349 = arith.constant 4095 : i32
        %parallel_loop3A_1350 = vector.broadcast %parallel_loop3A_1349 : i32 to vector<16xi32>
        %parallel_loop3A_1351 = arith.minsi %parallel_loop3A_1348, %parallel_loop3A_1350 : vector<16xi32>
        %parallel_loop3A_1352 = arith.constant 7 : i32
        %parallel_loop3A_1353 = vector.broadcast %parallel_loop3A_1352 : i32 to vector<16xi32>
        %parallel_loop3A_1354 = arith.shrui %parallel_loop3A_1343, %parallel_loop3A_1353 : vector<16xi32>
        %parallel_loop3A_1355 = arith.constant 127 : i32
        %parallel_loop3A_1356 = vector.broadcast %parallel_loop3A_1355 : i32 to vector<16xi32>
        %parallel_loop3A_1357 = arith.andi %parallel_loop3A_1343, %parallel_loop3A_1356 : vector<16xi32>
        %parallel_loop3A_1358 = arith.constant 7 : i32
        %parallel_loop3A_1359 = vector.broadcast %parallel_loop3A_1358 : i32 to vector<16xi32>
        %parallel_loop3A_1360 = arith.shrui %parallel_loop3A_1351, %parallel_loop3A_1359 : vector<16xi32>
        %parallel_loop3A_1361 = arith.constant 127 : i32
        %parallel_loop3A_1362 = vector.broadcast %parallel_loop3A_1361 : i32 to vector<16xi32>
        %parallel_loop3A_1363 = arith.andi %parallel_loop3A_1351, %parallel_loop3A_1362 : vector<16xi32>
        %parallel_loop3A_1364 = arith.constant 8 : i32
        %parallel_loop3A_1365 = arith.divsi %parallel_loop3A_1338, %parallel_loop3A_1364 : i32
        %parallel_loop3A_1366 = arith.constant 0 : i32
        %parallel_loop3A_1367 = arith.cmpi sgt, %parallel_loop3A_1338, %parallel_loop3A_1366 : i32
        %parallel_loop3A_1368 = arith.extui %parallel_loop3A_1367 : i1 to i32
        %parallel_loop3A_1369 = arith.constant 0 : i32
        %parallel_loop3A_1370 = arith.cmpi slt, %parallel_loop3A_1338, %parallel_loop3A_1369 : i32
        %parallel_loop3A_1371 = arith.extui %parallel_loop3A_1370 : i1 to i32
        %parallel_loop3A_1372 = arith.subi %parallel_loop3A_1368, %parallel_loop3A_1371 : i32
        %parallel_loop3A_1373 = arith.constant 0 : i32
        %parallel_loop3A_1374 = arith.cmpi sgt, %parallel_loop3A_1364, %parallel_loop3A_1373 : i32
        %parallel_loop3A_1375 = arith.extui %parallel_loop3A_1374 : i1 to i32
        %parallel_loop3A_1376 = arith.constant 0 : i32
        %parallel_loop3A_1377 = arith.cmpi slt, %parallel_loop3A_1364, %parallel_loop3A_1376 : i32
        %parallel_loop3A_1378 = arith.extui %parallel_loop3A_1377 : i1 to i32
        %parallel_loop3A_1379 = arith.subi %parallel_loop3A_1375, %parallel_loop3A_1378 : i32
        %parallel_loop3A_1380 = arith.cmpi ne, %parallel_loop3A_1372, %parallel_loop3A_1379 : i32
        %parallel_loop3A_1381 = arith.remsi %parallel_loop3A_1338, %parallel_loop3A_1364 : i32
        %parallel_loop3A_1382 = arith.constant 0 : i32
        %parallel_loop3A_1383 = arith.cmpi ne, %parallel_loop3A_1381, %parallel_loop3A_1382 : i32
        %parallel_loop3A_1384 = arith.andi %parallel_loop3A_1380, %parallel_loop3A_1383 : i1
        %parallel_loop3A_1385 = arith.constant 1 : i32
        %parallel_loop3A_1386 = arith.subi %parallel_loop3A_1365, %parallel_loop3A_1385 : i32
        %parallel_loop3A_1387 = arith.select %parallel_loop3A_1384, %parallel_loop3A_1386, %parallel_loop3A_1365 : i32
        %parallel_loop3A_1388 = arith.constant 8 : i32
        %parallel_loop3A_1389 = arith.constant 0 : i32
        %parallel_loop3A_1390 = arith.cmpi eq, %parallel_loop3A_1388, %parallel_loop3A_1389 : i32
        %parallel_loop3A_1391 = arith.constant 1 : i32
        %parallel_loop3A_1392 = arith.select %parallel_loop3A_1390, %parallel_loop3A_1391, %parallel_loop3A_1388 : i32
        %parallel_loop3A_1393 = arith.remsi %parallel_loop3A_1338, %parallel_loop3A_1392 : i32
        %parallel_loop3A_1394 = arith.constant 0 : i32
        %parallel_loop3A_1395 = arith.cmpi ne, %parallel_loop3A_1393, %parallel_loop3A_1394 : i32
        %parallel_loop3A_1396 = arith.constant 0 : i32
        %parallel_loop3A_1397 = arith.cmpi slt, %parallel_loop3A_1393, %parallel_loop3A_1396 : i32
        %parallel_loop3A_1398 = arith.constant 0 : i32
        %parallel_loop3A_1399 = arith.cmpi slt, %parallel_loop3A_1392, %parallel_loop3A_1398 : i32
        %parallel_loop3A_1400 = arith.xori %parallel_loop3A_1397, %parallel_loop3A_1399 : i1
        %parallel_loop3A_1401 = arith.andi %parallel_loop3A_1400, %parallel_loop3A_1395 : i1
        %parallel_loop3A_1402 = arith.addi %parallel_loop3A_1393, %parallel_loop3A_1392 : i32
        %parallel_loop3A_1403 = arith.select %parallel_loop3A_1401, %parallel_loop3A_1402, %parallel_loop3A_1393 : i32
        %parallel_loop3A_1404 = arith.constant 16 : i32
        %parallel_loop3A_1405 = arith.muli %parallel_loop3A_1403, %parallel_loop3A_1404 : i32
        %parallel_loop3A_1406 = arith.constant 0 : i32
        %parallel_loop3A_1407 = vector.broadcast %parallel_loop3A_1406 : i32 to vector<16xi32>
        %parallel_loop3A_1408 = tpu.vector_load_idx %arg9[%parallel_loop3A_1407, %parallel_loop3A_1354, %parallel_loop3A_1357] : memref<4x32x128xf32, #tpu.memory_space<vmem>>[vector<16xi32>, vector<16xi32>, vector<16xi32>], vector<16xf32>,
        %parallel_loop3A_1409 = tpu.vector_load_idx %arg9[%parallel_loop3A_1407, %parallel_loop3A_1360, %parallel_loop3A_1363] : memref<4x32x128xf32, #tpu.memory_space<vmem>>[vector<16xi32>, vector<16xi32>, vector<16xi32>], vector<16xf32>,
        %parallel_loop3A_1410 = arith.subf %parallel_loop3A_1409, %parallel_loop3A_1408 : vector<16xf32>
        %parallel_loop3A_1411 = arith.mulf %parallel_loop3A_1345, %parallel_loop3A_1410 : vector<16xf32>
        %parallel_loop3A_1412 = arith.addf %parallel_loop3A_1408, %parallel_loop3A_1411 : vector<16xf32>
        %parallel_loop3A_1413 = arith.constant 0 : i32
        %parallel_loop3A_1414 = arith.index_cast %parallel_loop3A_1413 : i32 to index
        %parallel_loop3A_1415 = arith.index_cast %parallel_loop3A_1387 : i32 to index
        %parallel_loop3A_1416 = arith.index_cast %parallel_loop3A_1405 : i32 to index
        %parallel_loop3A_1417 = tpu.vector_load %arg11[%parallel_loop3A_1414, %parallel_loop3A_1415, %parallel_loop3A_1416] {strides = array<i32>} : memref<4x32x128xf32, #tpu.memory_space<vmem>>, vector<16xf32>,
        tpu.vector_store %arg11[%parallel_loop3A_1414, %parallel_loop3A_1415, %parallel_loop3A_1416], %parallel_loop3A_1412 {strides = array<i32>} : memref<4x32x128xf32, #tpu.memory_space<vmem>>, vector<16xf32>,
        %parallel_loop3A_1418 = arith.constant 1 : i32
        %parallel_loop3A_1419 = vector.broadcast %parallel_loop3A_1418 : i32 to vector<16xi32>
        %parallel_loop3A_1420 = tpu.vector_load_idx %arg9[%parallel_loop3A_1419, %parallel_loop3A_1354, %parallel_loop3A_1357] : memref<4x32x128xf32, #tpu.memory_space<vmem>>[vector<16xi32>, vector<16xi32>, vector<16xi32>], vector<16xf32>,
        %parallel_loop3A_1421 = tpu.vector_load_idx %arg9[%parallel_loop3A_1419, %parallel_loop3A_1360, %parallel_loop3A_1363] : memref<4x32x128xf32, #tpu.memory_space<vmem>>[vector<16xi32>, vector<16xi32>, vector<16xi32>], vector<16xf32>,
        %parallel_loop3A_1422 = arith.subf %parallel_loop3A_1421, %parallel_loop3A_1420 : vector<16xf32>
        %parallel_loop3A_1423 = arith.mulf %parallel_loop3A_1345, %parallel_loop3A_1422 : vector<16xf32>
        %parallel_loop3A_1424 = arith.addf %parallel_loop3A_1420, %parallel_loop3A_1423 : vector<16xf32>
        %parallel_loop3A_1425 = arith.constant 1 : i32
        %parallel_loop3A_1426 = arith.index_cast %parallel_loop3A_1425 : i32 to index
        %parallel_loop3A_1427 = arith.index_cast %parallel_loop3A_1387 : i32 to index
        %parallel_loop3A_1428 = arith.index_cast %parallel_loop3A_1405 : i32 to index
        %parallel_loop3A_1429 = tpu.vector_load %arg11[%parallel_loop3A_1426, %parallel_loop3A_1427, %parallel_loop3A_1428] {strides = array<i32>} : memref<4x32x128xf32, #tpu.memory_space<vmem>>, vector<16xf32>,
        tpu.vector_store %arg11[%parallel_loop3A_1426, %parallel_loop3A_1427, %parallel_loop3A_1428], %parallel_loop3A_1424 {strides = array<i32>} : memref<4x32x128xf32, #tpu.memory_space<vmem>>, vector<16xf32>,
        %parallel_loop3A_1430 = arith.constant 2 : i32
        %parallel_loop3A_1431 = vector.broadcast %parallel_loop3A_1430 : i32 to vector<16xi32>
        %parallel_loop3A_1432 = tpu.vector_load_idx %arg9[%parallel_loop3A_1431, %parallel_loop3A_1354, %parallel_loop3A_1357] : memref<4x32x128xf32, #tpu.memory_space<vmem>>[vector<16xi32>, vector<16xi32>, vector<16xi32>], vector<16xf32>,
        %parallel_loop3A_1433 = tpu.vector_load_idx %arg9[%parallel_loop3A_1431, %parallel_loop3A_1360, %parallel_loop3A_1363] : memref<4x32x128xf32, #tpu.memory_space<vmem>>[vector<16xi32>, vector<16xi32>, vector<16xi32>], vector<16xf32>,
        %parallel_loop3A_1434 = arith.subf %parallel_loop3A_1433, %parallel_loop3A_1432 : vector<16xf32>
        %parallel_loop3A_1435 = arith.mulf %parallel_loop3A_1345, %parallel_loop3A_1434 : vector<16xf32>
        %parallel_loop3A_1436 = arith.addf %parallel_loop3A_1432, %parallel_loop3A_1435 : vector<16xf32>
        %parallel_loop3A_1437 = arith.constant 2 : i32
        %parallel_loop3A_1438 = arith.index_cast %parallel_loop3A_1437 : i32 to index
        %parallel_loop3A_1439 = arith.index_cast %parallel_loop3A_1387 : i32 to index
        %parallel_loop3A_1440 = arith.index_cast %parallel_loop3A_1405 : i32 to index
        %parallel_loop3A_1441 = tpu.vector_load %arg11[%parallel_loop3A_1438, %parallel_loop3A_1439, %parallel_loop3A_1440] {strides = array<i32>} : memref<4x32x128xf32, #tpu.memory_space<vmem>>, vector<16xf32>,
        tpu.vector_store %arg11[%parallel_loop3A_1438, %parallel_loop3A_1439, %parallel_loop3A_1440], %parallel_loop3A_1436 {strides = array<i32>} : memref<4x32x128xf32, #tpu.memory_space<vmem>>, vector<16xf32>,
        %parallel_loop3A_1442 = arith.constant 3 : i32
        %parallel_loop3A_1443 = vector.broadcast %parallel_loop3A_1442 : i32 to vector<16xi32>
        %parallel_loop3A_1444 = tpu.vector_load_idx %arg9[%parallel_loop3A_1443, %parallel_loop3A_1354, %parallel_loop3A_1357] : memref<4x32x128xf32, #tpu.memory_space<vmem>>[vector<16xi32>, vector<16xi32>, vector<16xi32>], vector<16xf32>,
        %parallel_loop3A_1445 = tpu.vector_load_idx %arg9[%parallel_loop3A_1443, %parallel_loop3A_1360, %parallel_loop3A_1363] : memref<4x32x128xf32, #tpu.memory_space<vmem>>[vector<16xi32>, vector<16xi32>, vector<16xi32>], vector<16xf32>,
        %parallel_loop3A_1446 = arith.subf %parallel_loop3A_1445, %parallel_loop3A_1444 : vector<16xf32>
        %parallel_loop3A_1447 = arith.mulf %parallel_loop3A_1345, %parallel_loop3A_1446 : vector<16xf32>
        %parallel_loop3A_1448 = arith.addf %parallel_loop3A_1444, %parallel_loop3A_1447 : vector<16xf32>
        %parallel_loop3A_1449 = arith.constant 3 : i32
        %parallel_loop3A_1450 = arith.index_cast %parallel_loop3A_1449 : i32 to index
        %parallel_loop3A_1451 = arith.index_cast %parallel_loop3A_1387 : i32 to index
        %parallel_loop3A_1452 = arith.index_cast %parallel_loop3A_1405 : i32 to index
        %parallel_loop3A_1453 = tpu.vector_load %arg11[%parallel_loop3A_1450, %parallel_loop3A_1451, %parallel_loop3A_1452] {strides = array<i32>} : memref<4x32x128xf32, #tpu.memory_space<vmem>>, vector<16xf32>,
        tpu.vector_store %arg11[%parallel_loop3A_1450, %parallel_loop3A_1451, %parallel_loop3A_1452], %parallel_loop3A_1448 {strides = array<i32>} : memref<4x32x128xf32, #tpu.memory_space<vmem>>, vector<16xf32>,
      } {sc.loop_unroll_factor = 4 : i64, sc.parallel_access}
      %mul3A_761 = arith.constant 4 : i32
      %mul3A_762 = arith.muli %add3A_678, %mul3A_761 : i32
      %add3A_763 = arith.addi %add3A_35, %mul3A_762 : i32
      %add3A_764 = arith.constant 0 : i32
      %add3A_765 = arith.addi %add3A_763, %add3A_764 : i32
      %jit3A_766 = arith.constant 8 : i32
      %div3A_767 = arith.divsi %add3A_765, %jit3A_766 : i32
      %sign3A_768 = arith.constant 0 : i32
      %sign3A_769 = arith.cmpi sgt, %add3A_765, %sign3A_768 : i32
      %sign3A_770 = arith.extui %sign3A_769 : i1 to i32
      %sign3A_771 = arith.constant 0 : i32
      %sign3A_772 = arith.cmpi slt, %add3A_765, %sign3A_771 : i32
      %sign3A_773 = arith.extui %sign3A_772 : i1 to i32
      %sign3A_774 = arith.subi %sign3A_770, %sign3A_773 : i32
      %sign3A_775 = arith.constant 0 : i32
      %sign3A_776 = arith.cmpi sgt, %jit3A_766, %sign3A_775 : i32
      %sign3A_777 = arith.extui %sign3A_776 : i1 to i32
      %sign3A_778 = arith.constant 0 : i32
      %sign3A_779 = arith.cmpi slt, %jit3A_766, %sign3A_778 : i32
      %sign3A_780 = arith.extui %sign3A_779 : i1 to i32
      %sign3A_781 = arith.subi %sign3A_777, %sign3A_780 : i32
      %ne3A_782 = arith.cmpi ne, %sign3A_774, %sign3A_781 : i32
      %rem3A_783 = arith.remsi %add3A_765, %jit3A_766 : i32
      %ne3A_784 = arith.constant 0 : i32
      %ne3A_785 = arith.cmpi ne, %rem3A_783, %ne3A_784 : i32
      %and3A_786 = arith.andi %ne3A_782, %ne3A_785 : i1
      %sub3A_787 = arith.constant 1 : i32
      %sub3A_788 = arith.subi %div3A_767, %sub3A_787 : i32
      %select_n3A_789 = arith.select %and3A_786, %sub3A_788, %div3A_767 : i32
      %jit3A_790 = arith.constant 8 : i32
      %eq3A_791 = arith.constant 0 : i32
      %eq3A_792 = arith.cmpi eq, %jit3A_790, %eq3A_791 : i32
      %jit3A_793 = arith.constant 1 : i32
      %select_n3A_794 = arith.select %eq3A_792, %jit3A_793, %jit3A_790 : i32
      %rem3A_795 = arith.remsi %add3A_765, %select_n3A_794 : i32
      %ne3A_796 = arith.constant 0 : i32
      %ne3A_797 = arith.cmpi ne, %rem3A_795, %ne3A_796 : i32
      %lt3A_798 = arith.constant 0 : i32
      %lt3A_799 = arith.cmpi slt, %rem3A_795, %lt3A_798 : i32
      %lt3A_800 = arith.constant 0 : i32
      %lt3A_801 = arith.cmpi slt, %select_n3A_794, %lt3A_800 : i32
      %ne3A_802 = arith.xori %lt3A_799, %lt3A_801 : i1
      %and3A_803 = arith.andi %ne3A_802, %ne3A_797 : i1
      %add3A_804 = arith.addi %rem3A_795, %select_n3A_794 : i32
      %select_n3A_805 = arith.select %and3A_803, %add3A_804, %rem3A_795 : i32
      %dma_start3A_806 = arith.constant 0 : i32
      %dma_start3A_807 = arith.constant 0 : i32
      %dma_start3A_808 = arith.constant 0 : i32
      %dma_start3A_809 = tpu.memref_slice %arg11[%dma_start3A_806, %dma_start3A_807, %dma_start3A_808] : memref<4x32x128xf32, #tpu.memory_space<vmem>> -> memref<1x32x128xf32, #tpu.memory_space<vmem>>
      %dma_start3A_810 = tpu.memref_squeeze %dma_start3A_809 : memref<1x32x128xf32, #tpu.memory_space<vmem>> -> memref<32x128xf32, #tpu.memory_space<vmem>>
      %dma_start3A_811 = arith.constant 0 : i32
      %dma_start3A_812 = arith.constant 0 : i32
      %dma_start3A_813 = tpu.memref_slice %arg6[%select_n3A_789, %dma_start3A_811, %select_n3A_805, %dma_start3A_812] : memref<256x32x8x128xf32, #tpu.memory_space<hbm>> -> memref<1x32x1x128xf32, #tpu.memory_space<hbm>>
      %dma_start3A_814 = tpu.memref_squeeze %dma_start3A_813 : memref<1x32x1x128xf32, #tpu.memory_space<hbm>> -> memref<32x128xf32, #tpu.memory_space<hbm>>
      %dma_start3A_815 = arith.constant 0 : i32
      %dma_start3A_816 = arith.constant 0 : i32
      %dma_start3A_817 = tpu.memref_slice %arg6[%select_n3A_789, %dma_start3A_815, %select_n3A_805, %dma_start3A_816] : memref<256x32x8x128xf32, #tpu.memory_space<hbm>> -> memref<1x32x1x128xf32, #tpu.memory_space<hbm>>
      %dma_start3A_818 = tpu.memref_squeeze %dma_start3A_817 : memref<1x32x1x128xf32, #tpu.memory_space<hbm>> -> memref<32x128xf32, #tpu.memory_space<hbm>>
      %dma_start3A_819 = arith.constant 0 : i32
      %dma_start3A_820 = arith.constant 0 : i32
      %dma_start3A_821 = tpu.memref_slice %arg11[%dma_start3A_806, %dma_start3A_819, %dma_start3A_820] : memref<4x32x128xf32, #tpu.memory_space<vmem>> -> memref<1x32x128xf32, #tpu.memory_space<vmem>>
      %dma_start3A_822 = tpu.memref_squeeze %dma_start3A_821 : memref<1x32x128xf32, #tpu.memory_space<vmem>> -> memref<32x128xf32, #tpu.memory_space<vmem>>
      tpu.enqueue_dma source(%dma_start3A_822 : memref<32x128xf32, #tpu.memory_space<vmem>>) target(%dma_start3A_818 : memref<32x128xf32, #tpu.memory_space<hbm>>) target_semaphore(%arg18 : memref<!tpu.dma_semaphore, #tpu.memory_space<semaphore_mem>>)
      %add3A_823 = arith.constant 1 : i32
      %add3A_824 = arith.addi %add3A_763, %add3A_823 : i32
      %jit3A_825 = arith.constant 8 : i32
      %div3A_826 = arith.divsi %add3A_824, %jit3A_825 : i32
      %sign3A_827 = arith.constant 0 : i32
      %sign3A_828 = arith.cmpi sgt, %add3A_824, %sign3A_827 : i32
      %sign3A_829 = arith.extui %sign3A_828 : i1 to i32
      %sign3A_830 = arith.constant 0 : i32
      %sign3A_831 = arith.cmpi slt, %add3A_824, %sign3A_830 : i32
      %sign3A_832 = arith.extui %sign3A_831 : i1 to i32
      %sign3A_833 = arith.subi %sign3A_829, %sign3A_832 : i32
      %sign3A_834 = arith.constant 0 : i32
      %sign3A_835 = arith.cmpi sgt, %jit3A_825, %sign3A_834 : i32
      %sign3A_836 = arith.extui %sign3A_835 : i1 to i32
      %sign3A_837 = arith.constant 0 : i32
      %sign3A_838 = arith.cmpi slt, %jit3A_825, %sign3A_837 : i32
      %sign3A_839 = arith.extui %sign3A_838 : i1 to i32
      %sign3A_840 = arith.subi %sign3A_836, %sign3A_839 : i32
      %ne3A_841 = arith.cmpi ne, %sign3A_833, %sign3A_840 : i32
      %rem3A_842 = arith.remsi %add3A_824, %jit3A_825 : i32
      %ne3A_843 = arith.constant 0 : i32
      %ne3A_844 = arith.cmpi ne, %rem3A_842, %ne3A_843 : i32
      %and3A_845 = arith.andi %ne3A_841, %ne3A_844 : i1
      %sub3A_846 = arith.constant 1 : i32
      %sub3A_847 = arith.subi %div3A_826, %sub3A_846 : i32
      %select_n3A_848 = arith.select %and3A_845, %sub3A_847, %div3A_826 : i32
      %jit3A_849 = arith.constant 8 : i32
      %eq3A_850 = arith.constant 0 : i32
      %eq3A_851 = arith.cmpi eq, %jit3A_849, %eq3A_850 : i32
      %jit3A_852 = arith.constant 1 : i32
      %select_n3A_853 = arith.select %eq3A_851, %jit3A_852, %jit3A_849 : i32
      %rem3A_854 = arith.remsi %add3A_824, %select_n3A_853 : i32
      %ne3A_855 = arith.constant 0 : i32
      %ne3A_856 = arith.cmpi ne, %rem3A_854, %ne3A_855 : i32
      %lt3A_857 = arith.constant 0 : i32
      %lt3A_858 = arith.cmpi slt, %rem3A_854, %lt3A_857 : i32
      %lt3A_859 = arith.constant 0 : i32
      %lt3A_860 = arith.cmpi slt, %select_n3A_853, %lt3A_859 : i32
      %ne3A_861 = arith.xori %lt3A_858, %lt3A_860 : i1
      %and3A_862 = arith.andi %ne3A_861, %ne3A_856 : i1
      %add3A_863 = arith.addi %rem3A_854, %select_n3A_853 : i32
      %select_n3A_864 = arith.select %and3A_862, %add3A_863, %rem3A_854 : i32
      %dma_start3A_865 = arith.constant 1 : i32
      %dma_start3A_866 = arith.constant 0 : i32
      %dma_start3A_867 = arith.constant 0 : i32
      %dma_start3A_868 = tpu.memref_slice %arg11[%dma_start3A_865, %dma_start3A_866, %dma_start3A_867] : memref<4x32x128xf32, #tpu.memory_space<vmem>> -> memref<1x32x128xf32, #tpu.memory_space<vmem>>
      %dma_start3A_869 = tpu.memref_squeeze %dma_start3A_868 : memref<1x32x128xf32, #tpu.memory_space<vmem>> -> memref<32x128xf32, #tpu.memory_space<vmem>>
      %dma_start3A_870 = arith.constant 0 : i32
      %dma_start3A_871 = arith.constant 0 : i32
      %dma_start3A_872 = tpu.memref_slice %arg6[%select_n3A_848, %dma_start3A_870, %select_n3A_864, %dma_start3A_871] : memref<256x32x8x128xf32, #tpu.memory_space<hbm>> -> memref<1x32x1x128xf32, #tpu.memory_space<hbm>>
      %dma_start3A_873 = tpu.memref_squeeze %dma_start3A_872 : memref<1x32x1x128xf32, #tpu.memory_space<hbm>> -> memref<32x128xf32, #tpu.memory_space<hbm>>
      %dma_start3A_874 = arith.constant 0 : i32
      %dma_start3A_875 = arith.constant 0 : i32
      %dma_start3A_876 = tpu.memref_slice %arg6[%select_n3A_848, %dma_start3A_874, %select_n3A_864, %dma_start3A_875] : memref<256x32x8x128xf32, #tpu.memory_space<hbm>> -> memref<1x32x1x128xf32, #tpu.memory_space<hbm>>
      %dma_start3A_877 = tpu.memref_squeeze %dma_start3A_876 : memref<1x32x1x128xf32, #tpu.memory_space<hbm>> -> memref<32x128xf32, #tpu.memory_space<hbm>>
      %dma_start3A_878 = arith.constant 0 : i32
      %dma_start3A_879 = arith.constant 0 : i32
      %dma_start3A_880 = tpu.memref_slice %arg11[%dma_start3A_865, %dma_start3A_878, %dma_start3A_879] : memref<4x32x128xf32, #tpu.memory_space<vmem>> -> memref<1x32x128xf32, #tpu.memory_space<vmem>>
      %dma_start3A_881 = tpu.memref_squeeze %dma_start3A_880 : memref<1x32x128xf32, #tpu.memory_space<vmem>> -> memref<32x128xf32, #tpu.memory_space<vmem>>
      tpu.enqueue_dma source(%dma_start3A_881 : memref<32x128xf32, #tpu.memory_space<vmem>>) target(%dma_start3A_877 : memref<32x128xf32, #tpu.memory_space<hbm>>) target_semaphore(%arg18 : memref<!tpu.dma_semaphore, #tpu.memory_space<semaphore_mem>>)
      %add3A_882 = arith.constant 2 : i32
      %add3A_883 = arith.addi %add3A_763, %add3A_882 : i32
      %jit3A_884 = arith.constant 8 : i32
      %div3A_885 = arith.divsi %add3A_883, %jit3A_884 : i32
      %sign3A_886 = arith.constant 0 : i32
      %sign3A_887 = arith.cmpi sgt, %add3A_883, %sign3A_886 : i32
      %sign3A_888 = arith.extui %sign3A_887 : i1 to i32
      %sign3A_889 = arith.constant 0 : i32
      %sign3A_890 = arith.cmpi slt, %add3A_883, %sign3A_889 : i32
      %sign3A_891 = arith.extui %sign3A_890 : i1 to i32
      %sign3A_892 = arith.subi %sign3A_888, %sign3A_891 : i32
      %sign3A_893 = arith.constant 0 : i32
      %sign3A_894 = arith.cmpi sgt, %jit3A_884, %sign3A_893 : i32
      %sign3A_895 = arith.extui %sign3A_894 : i1 to i32
      %sign3A_896 = arith.constant 0 : i32
      %sign3A_897 = arith.cmpi slt, %jit3A_884, %sign3A_896 : i32
      %sign3A_898 = arith.extui %sign3A_897 : i1 to i32
      %sign3A_899 = arith.subi %sign3A_895, %sign3A_898 : i32
      %ne3A_900 = arith.cmpi ne, %sign3A_892, %sign3A_899 : i32
      %rem3A_901 = arith.remsi %add3A_883, %jit3A_884 : i32
      %ne3A_902 = arith.constant 0 : i32
      %ne3A_903 = arith.cmpi ne, %rem3A_901, %ne3A_902 : i32
      %and3A_904 = arith.andi %ne3A_900, %ne3A_903 : i1
      %sub3A_905 = arith.constant 1 : i32
      %sub3A_906 = arith.subi %div3A_885, %sub3A_905 : i32
      %select_n3A_907 = arith.select %and3A_904, %sub3A_906, %div3A_885 : i32
      %jit3A_908 = arith.constant 8 : i32
      %eq3A_909 = arith.constant 0 : i32
      %eq3A_910 = arith.cmpi eq, %jit3A_908, %eq3A_909 : i32
      %jit3A_911 = arith.constant 1 : i32
      %select_n3A_912 = arith.select %eq3A_910, %jit3A_911, %jit3A_908 : i32
      %rem3A_913 = arith.remsi %add3A_883, %select_n3A_912 : i32
      %ne3A_914 = arith.constant 0 : i32
      %ne3A_915 = arith.cmpi ne, %rem3A_913, %ne3A_914 : i32
      %lt3A_916 = arith.constant 0 : i32
      %lt3A_917 = arith.cmpi slt, %rem3A_913, %lt3A_916 : i32
      %lt3A_918 = arith.constant 0 : i32
      %lt3A_919 = arith.cmpi slt, %select_n3A_912, %lt3A_918 : i32
      %ne3A_920 = arith.xori %lt3A_917, %lt3A_919 : i1
      %and3A_921 = arith.andi %ne3A_920, %ne3A_915 : i1
      %add3A_922 = arith.addi %rem3A_913, %select_n3A_912 : i32
      %select_n3A_923 = arith.select %and3A_921, %add3A_922, %rem3A_913 : i32
      %dma_start3A_924 = arith.constant 2 : i32
      %dma_start3A_925 = arith.constant 0 : i32
      %dma_start3A_926 = arith.constant 0 : i32
      %dma_start3A_927 = tpu.memref_slice %arg11[%dma_start3A_924, %dma_start3A_925, %dma_start3A_926] : memref<4x32x128xf32, #tpu.memory_space<vmem>> -> memref<1x32x128xf32, #tpu.memory_space<vmem>>
      %dma_start3A_928 = tpu.memref_squeeze %dma_start3A_927 : memref<1x32x128xf32, #tpu.memory_space<vmem>> -> memref<32x128xf32, #tpu.memory_space<vmem>>
      %dma_start3A_929 = arith.constant 0 : i32
      %dma_start3A_930 = arith.constant 0 : i32
      %dma_start3A_931 = tpu.memref_slice %arg6[%select_n3A_907, %dma_start3A_929, %select_n3A_923, %dma_start3A_930] : memref<256x32x8x128xf32, #tpu.memory_space<hbm>> -> memref<1x32x1x128xf32, #tpu.memory_space<hbm>>
      %dma_start3A_932 = tpu.memref_squeeze %dma_start3A_931 : memref<1x32x1x128xf32, #tpu.memory_space<hbm>> -> memref<32x128xf32, #tpu.memory_space<hbm>>
      %dma_start3A_933 = arith.constant 0 : i32
      %dma_start3A_934 = arith.constant 0 : i32
      %dma_start3A_935 = tpu.memref_slice %arg6[%select_n3A_907, %dma_start3A_933, %select_n3A_923, %dma_start3A_934] : memref<256x32x8x128xf32, #tpu.memory_space<hbm>> -> memref<1x32x1x128xf32, #tpu.memory_space<hbm>>
      %dma_start3A_936 = tpu.memref_squeeze %dma_start3A_935 : memref<1x32x1x128xf32, #tpu.memory_space<hbm>> -> memref<32x128xf32, #tpu.memory_space<hbm>>
      %dma_start3A_937 = arith.constant 0 : i32
      %dma_start3A_938 = arith.constant 0 : i32
      %dma_start3A_939 = tpu.memref_slice %arg11[%dma_start3A_924, %dma_start3A_937, %dma_start3A_938] : memref<4x32x128xf32, #tpu.memory_space<vmem>> -> memref<1x32x128xf32, #tpu.memory_space<vmem>>
      %dma_start3A_940 = tpu.memref_squeeze %dma_start3A_939 : memref<1x32x128xf32, #tpu.memory_space<vmem>> -> memref<32x128xf32, #tpu.memory_space<vmem>>
      tpu.enqueue_dma source(%dma_start3A_940 : memref<32x128xf32, #tpu.memory_space<vmem>>) target(%dma_start3A_936 : memref<32x128xf32, #tpu.memory_space<hbm>>) target_semaphore(%arg18 : memref<!tpu.dma_semaphore, #tpu.memory_space<semaphore_mem>>)
      %add3A_941 = arith.constant 3 : i32
      %add3A_942 = arith.addi %add3A_763, %add3A_941 : i32
      %jit3A_943 = arith.constant 8 : i32
      %div3A_944 = arith.divsi %add3A_942, %jit3A_943 : i32
      %sign3A_945 = arith.constant 0 : i32
      %sign3A_946 = arith.cmpi sgt, %add3A_942, %sign3A_945 : i32
      %sign3A_947 = arith.extui %sign3A_946 : i1 to i32
      %sign3A_948 = arith.constant 0 : i32
      %sign3A_949 = arith.cmpi slt, %add3A_942, %sign3A_948 : i32
      %sign3A_950 = arith.extui %sign3A_949 : i1 to i32
      %sign3A_951 = arith.subi %sign3A_947, %sign3A_950 : i32
      %sign3A_952 = arith.constant 0 : i32
      %sign3A_953 = arith.cmpi sgt, %jit3A_943, %sign3A_952 : i32
      %sign3A_954 = arith.extui %sign3A_953 : i1 to i32
      %sign3A_955 = arith.constant 0 : i32
      %sign3A_956 = arith.cmpi slt, %jit3A_943, %sign3A_955 : i32
      %sign3A_957 = arith.extui %sign3A_956 : i1 to i32
      %sign3A_958 = arith.subi %sign3A_954, %sign3A_957 : i32
      %ne3A_959 = arith.cmpi ne, %sign3A_951, %sign3A_958 : i32
      %rem3A_960 = arith.remsi %add3A_942, %jit3A_943 : i32
      %ne3A_961 = arith.constant 0 : i32
      %ne3A_962 = arith.cmpi ne, %rem3A_960, %ne3A_961 : i32
      %and3A_963 = arith.andi %ne3A_959, %ne3A_962 : i1
      %sub3A_964 = arith.constant 1 : i32
      %sub3A_965 = arith.subi %div3A_944, %sub3A_964 : i32
      %select_n3A_966 = arith.select %and3A_963, %sub3A_965, %div3A_944 : i32
      %jit3A_967 = arith.constant 8 : i32
      %eq3A_968 = arith.constant 0 : i32
      %eq3A_969 = arith.cmpi eq, %jit3A_967, %eq3A_968 : i32
      %jit3A_970 = arith.constant 1 : i32
      %select_n3A_971 = arith.select %eq3A_969, %jit3A_970, %jit3A_967 : i32
      %rem3A_972 = arith.remsi %add3A_942, %select_n3A_971 : i32
      %ne3A_973 = arith.constant 0 : i32
      %ne3A_974 = arith.cmpi ne, %rem3A_972, %ne3A_973 : i32
      %lt3A_975 = arith.constant 0 : i32
      %lt3A_976 = arith.cmpi slt, %rem3A_972, %lt3A_975 : i32
      %lt3A_977 = arith.constant 0 : i32
      %lt3A_978 = arith.cmpi slt, %select_n3A_971, %lt3A_977 : i32
      %ne3A_979 = arith.xori %lt3A_976, %lt3A_978 : i1
      %and3A_980 = arith.andi %ne3A_979, %ne3A_974 : i1
      %add3A_981 = arith.addi %rem3A_972, %select_n3A_971 : i32
      %select_n3A_982 = arith.select %and3A_980, %add3A_981, %rem3A_972 : i32
      %dma_start3A_983 = arith.constant 3 : i32
      %dma_start3A_984 = arith.constant 0 : i32
      %dma_start3A_985 = arith.constant 0 : i32
      %dma_start3A_986 = tpu.memref_slice %arg11[%dma_start3A_983, %dma_start3A_984, %dma_start3A_985] : memref<4x32x128xf32, #tpu.memory_space<vmem>> -> memref<1x32x128xf32, #tpu.memory_space<vmem>>
      %dma_start3A_987 = tpu.memref_squeeze %dma_start3A_986 : memref<1x32x128xf32, #tpu.memory_space<vmem>> -> memref<32x128xf32, #tpu.memory_space<vmem>>
      %dma_start3A_988 = arith.constant 0 : i32
      %dma_start3A_989 = arith.constant 0 : i32
      %dma_start3A_990 = tpu.memref_slice %arg6[%select_n3A_966, %dma_start3A_988, %select_n3A_982, %dma_start3A_989] : memref<256x32x8x128xf32, #tpu.memory_space<hbm>> -> memref<1x32x1x128xf32, #tpu.memory_space<hbm>>
      %dma_start3A_991 = tpu.memref_squeeze %dma_start3A_990 : memref<1x32x1x128xf32, #tpu.memory_space<hbm>> -> memref<32x128xf32, #tpu.memory_space<hbm>>
      %dma_start3A_992 = arith.constant 0 : i32
      %dma_start3A_993 = arith.constant 0 : i32
      %dma_start3A_994 = tpu.memref_slice %arg6[%select_n3A_966, %dma_start3A_992, %select_n3A_982, %dma_start3A_993] : memref<256x32x8x128xf32, #tpu.memory_space<hbm>> -> memref<1x32x1x128xf32, #tpu.memory_space<hbm>>
      %dma_start3A_995 = tpu.memref_squeeze %dma_start3A_994 : memref<1x32x1x128xf32, #tpu.memory_space<hbm>> -> memref<32x128xf32, #tpu.memory_space<hbm>>
      %dma_start3A_996 = arith.constant 0 : i32
      %dma_start3A_997 = arith.constant 0 : i32
      %dma_start3A_998 = tpu.memref_slice %arg11[%dma_start3A_983, %dma_start3A_996, %dma_start3A_997] : memref<4x32x128xf32, #tpu.memory_space<vmem>> -> memref<1x32x128xf32, #tpu.memory_space<vmem>>
      %dma_start3A_999 = tpu.memref_squeeze %dma_start3A_998 : memref<1x32x128xf32, #tpu.memory_space<vmem>> -> memref<32x128xf32, #tpu.memory_space<vmem>>
      tpu.enqueue_dma source(%dma_start3A_999 : memref<32x128xf32, #tpu.memory_space<vmem>>) target(%dma_start3A_995 : memref<32x128xf32, #tpu.memory_space<hbm>>) target_semaphore(%arg18 : memref<!tpu.dma_semaphore, #tpu.memory_space<semaphore_mem>>)
      %lt3A_1000 = arith.constant 7 : i32
      %lt3A_1001 = arith.cmpi slt, %scan3A_673, %lt3A_1000 : i32
      %convert_element_type3A_1002 = arith.extui %lt3A_1001 : i1 to i32
      %cond3A_1003 = arith.constant 0 : i32
      %cond3A_1004 = arith.cmpi ne, %convert_element_type3A_1002, %cond3A_1003 : i32
      scf.if %cond3A_1004 {
        %add3A_1338 = arith.constant 2 : i32
        %add3A_1339 = arith.addi %add3A_678, %add3A_1338 : i32
        %mul3A_1340 = arith.constant 4 : i32
        %mul3A_1341 = arith.muli %add3A_1339, %mul3A_1340 : i32
        %add3A_1342 = arith.addi %add3A_35, %mul3A_1341 : i32
        %add3A_1343 = arith.constant 0 : i32
        %add3A_1344 = arith.addi %add3A_1342, %add3A_1343 : i32
        %jit3A_1345 = arith.constant 8 : i32
        %div3A_1346 = arith.divsi %add3A_1344, %jit3A_1345 : i32
        %sign3A_1347 = arith.constant 0 : i32
        %sign3A_1348 = arith.cmpi sgt, %add3A_1344, %sign3A_1347 : i32
        %sign3A_1349 = arith.extui %sign3A_1348 : i1 to i32
        %sign3A_1350 = arith.constant 0 : i32
        %sign3A_1351 = arith.cmpi slt, %add3A_1344, %sign3A_1350 : i32
        %sign3A_1352 = arith.extui %sign3A_1351 : i1 to i32
        %sign3A_1353 = arith.subi %sign3A_1349, %sign3A_1352 : i32
        %sign3A_1354 = arith.constant 0 : i32
        %sign3A_1355 = arith.cmpi sgt, %jit3A_1345, %sign3A_1354 : i32
        %sign3A_1356 = arith.extui %sign3A_1355 : i1 to i32
        %sign3A_1357 = arith.constant 0 : i32
        %sign3A_1358 = arith.cmpi slt, %jit3A_1345, %sign3A_1357 : i32
        %sign3A_1359 = arith.extui %sign3A_1358 : i1 to i32
        %sign3A_1360 = arith.subi %sign3A_1356, %sign3A_1359 : i32
        %ne3A_1361 = arith.cmpi ne, %sign3A_1353, %sign3A_1360 : i32
        %rem3A_1362 = arith.remsi %add3A_1344, %jit3A_1345 : i32
        %ne3A_1363 = arith.constant 0 : i32
        %ne3A_1364 = arith.cmpi ne, %rem3A_1362, %ne3A_1363 : i32
        %and3A_1365 = arith.andi %ne3A_1361, %ne3A_1364 : i1
        %sub3A_1366 = arith.constant 1 : i32
        %sub3A_1367 = arith.subi %div3A_1346, %sub3A_1366 : i32
        %select_n3A_1368 = arith.select %and3A_1365, %sub3A_1367, %div3A_1346 : i32
        %jit3A_1369 = arith.constant 8 : i32
        %eq3A_1370 = arith.constant 0 : i32
        %eq3A_1371 = arith.cmpi eq, %jit3A_1369, %eq3A_1370 : i32
        %jit3A_1372 = arith.constant 1 : i32
        %select_n3A_1373 = arith.select %eq3A_1371, %jit3A_1372, %jit3A_1369 : i32
        %rem3A_1374 = arith.remsi %add3A_1344, %select_n3A_1373 : i32
        %ne3A_1375 = arith.constant 0 : i32
        %ne3A_1376 = arith.cmpi ne, %rem3A_1374, %ne3A_1375 : i32
        %lt3A_1377 = arith.constant 0 : i32
        %lt3A_1378 = arith.cmpi slt, %rem3A_1374, %lt3A_1377 : i32
        %lt3A_1379 = arith.constant 0 : i32
        %lt3A_1380 = arith.cmpi slt, %select_n3A_1373, %lt3A_1379 : i32
        %ne3A_1381 = arith.xori %lt3A_1378, %lt3A_1380 : i1
        %and3A_1382 = arith.andi %ne3A_1381, %ne3A_1376 : i1
        %add3A_1383 = arith.addi %rem3A_1374, %select_n3A_1373 : i32
        %select_n3A_1384 = arith.select %and3A_1382, %add3A_1383, %rem3A_1374 : i32
        %dma_start3A_1385 = arith.constant 0 : i32
        %dma_start3A_1386 = arith.constant 0 : i32
        %dma_start3A_1387 = arith.constant 0 : i32
        %dma_start3A_1388 = tpu.memref_slice %arg9[%dma_start3A_1385, %dma_start3A_1386, %dma_start3A_1387] : memref<4x32x128xf32, #tpu.memory_space<vmem>> -> memref<1x32x128xf32, #tpu.memory_space<vmem>>
        %dma_start3A_1389 = tpu.memref_squeeze %dma_start3A_1388 : memref<1x32x128xf32, #tpu.memory_space<vmem>> -> memref<32x128xf32, #tpu.memory_space<vmem>>
        %dma_start3A_1390 = arith.constant 0 : i32
        %dma_start3A_1391 = arith.constant 0 : i32
        %dma_start3A_1392 = tpu.memref_slice %arg2[%select_n3A_1368, %dma_start3A_1390, %select_n3A_1384, %dma_start3A_1391] : memref<256x32x8x128xf32, #tpu.memory_space<hbm>> -> memref<1x32x1x128xf32, #tpu.memory_space<hbm>>
        %dma_start3A_1393 = tpu.memref_squeeze %dma_start3A_1392 : memref<1x32x1x128xf32, #tpu.memory_space<hbm>> -> memref<32x128xf32, #tpu.memory_space<hbm>>
        %dma_start3A_1394 = arith.constant 0 : i32
        %dma_start3A_1395 = arith.constant 0 : i32
        %dma_start3A_1396 = tpu.memref_slice %arg9[%dma_start3A_1385, %dma_start3A_1394, %dma_start3A_1395] : memref<4x32x128xf32, #tpu.memory_space<vmem>> -> memref<1x32x128xf32, #tpu.memory_space<vmem>>
        %dma_start3A_1397 = tpu.memref_squeeze %dma_start3A_1396 : memref<1x32x128xf32, #tpu.memory_space<vmem>> -> memref<32x128xf32, #tpu.memory_space<vmem>>
        %dma_start3A_1398 = arith.constant 0 : i32
        %dma_start3A_1399 = arith.constant 0 : i32
        %dma_start3A_1400 = tpu.memref_slice %arg2[%select_n3A_1368, %dma_start3A_1398, %select_n3A_1384, %dma_start3A_1399] : memref<256x32x8x128xf32, #tpu.memory_space<hbm>> -> memref<1x32x1x128xf32, #tpu.memory_space<hbm>>
        %dma_start3A_1401 = tpu.memref_squeeze %dma_start3A_1400 : memref<1x32x1x128xf32, #tpu.memory_space<hbm>> -> memref<32x128xf32, #tpu.memory_space<hbm>>
        tpu.enqueue_dma source(%dma_start3A_1401 : memref<32x128xf32, #tpu.memory_space<hbm>>) target(%dma_start3A_1397 : memref<32x128xf32, #tpu.memory_space<vmem>>) target_semaphore(%arg16 : memref<!tpu.dma_semaphore, #tpu.memory_space<semaphore_mem>>)
        %add3A_1402 = arith.constant 1 : i32
        %add3A_1403 = arith.addi %add3A_1342, %add3A_1402 : i32
        %jit3A_1404 = arith.constant 8 : i32
        %div3A_1405 = arith.divsi %add3A_1403, %jit3A_1404 : i32
        %sign3A_1406 = arith.constant 0 : i32
        %sign3A_1407 = arith.cmpi sgt, %add3A_1403, %sign3A_1406 : i32
        %sign3A_1408 = arith.extui %sign3A_1407 : i1 to i32
        %sign3A_1409 = arith.constant 0 : i32
        %sign3A_1410 = arith.cmpi slt, %add3A_1403, %sign3A_1409 : i32
        %sign3A_1411 = arith.extui %sign3A_1410 : i1 to i32
        %sign3A_1412 = arith.subi %sign3A_1408, %sign3A_1411 : i32
        %sign3A_1413 = arith.constant 0 : i32
        %sign3A_1414 = arith.cmpi sgt, %jit3A_1404, %sign3A_1413 : i32
        %sign3A_1415 = arith.extui %sign3A_1414 : i1 to i32
        %sign3A_1416 = arith.constant 0 : i32
        %sign3A_1417 = arith.cmpi slt, %jit3A_1404, %sign3A_1416 : i32
        %sign3A_1418 = arith.extui %sign3A_1417 : i1 to i32
        %sign3A_1419 = arith.subi %sign3A_1415, %sign3A_1418 : i32
        %ne3A_1420 = arith.cmpi ne, %sign3A_1412, %sign3A_1419 : i32
        %rem3A_1421 = arith.remsi %add3A_1403, %jit3A_1404 : i32
        %ne3A_1422 = arith.constant 0 : i32
        %ne3A_1423 = arith.cmpi ne, %rem3A_1421, %ne3A_1422 : i32
        %and3A_1424 = arith.andi %ne3A_1420, %ne3A_1423 : i1
        %sub3A_1425 = arith.constant 1 : i32
        %sub3A_1426 = arith.subi %div3A_1405, %sub3A_1425 : i32
        %select_n3A_1427 = arith.select %and3A_1424, %sub3A_1426, %div3A_1405 : i32
        %jit3A_1428 = arith.constant 8 : i32
        %eq3A_1429 = arith.constant 0 : i32
        %eq3A_1430 = arith.cmpi eq, %jit3A_1428, %eq3A_1429 : i32
        %jit3A_1431 = arith.constant 1 : i32
        %select_n3A_1432 = arith.select %eq3A_1430, %jit3A_1431, %jit3A_1428 : i32
        %rem3A_1433 = arith.remsi %add3A_1403, %select_n3A_1432 : i32
        %ne3A_1434 = arith.constant 0 : i32
        %ne3A_1435 = arith.cmpi ne, %rem3A_1433, %ne3A_1434 : i32
        %lt3A_1436 = arith.constant 0 : i32
        %lt3A_1437 = arith.cmpi slt, %rem3A_1433, %lt3A_1436 : i32
        %lt3A_1438 = arith.constant 0 : i32
        %lt3A_1439 = arith.cmpi slt, %select_n3A_1432, %lt3A_1438 : i32
        %ne3A_1440 = arith.xori %lt3A_1437, %lt3A_1439 : i1
        %and3A_1441 = arith.andi %ne3A_1440, %ne3A_1435 : i1
        %add3A_1442 = arith.addi %rem3A_1433, %select_n3A_1432 : i32
        %select_n3A_1443 = arith.select %and3A_1441, %add3A_1442, %rem3A_1433 : i32
        %dma_start3A_1444 = arith.constant 1 : i32
        %dma_start3A_1445 = arith.constant 0 : i32
        %dma_start3A_1446 = arith.constant 0 : i32
        %dma_start3A_1447 = tpu.memref_slice %arg9[%dma_start3A_1444, %dma_start3A_1445, %dma_start3A_1446] : memref<4x32x128xf32, #tpu.memory_space<vmem>> -> memref<1x32x128xf32, #tpu.memory_space<vmem>>
        %dma_start3A_1448 = tpu.memref_squeeze %dma_start3A_1447 : memref<1x32x128xf32, #tpu.memory_space<vmem>> -> memref<32x128xf32, #tpu.memory_space<vmem>>
        %dma_start3A_1449 = arith.constant 0 : i32
        %dma_start3A_1450 = arith.constant 0 : i32
        %dma_start3A_1451 = tpu.memref_slice %arg2[%select_n3A_1427, %dma_start3A_1449, %select_n3A_1443, %dma_start3A_1450] : memref<256x32x8x128xf32, #tpu.memory_space<hbm>> -> memref<1x32x1x128xf32, #tpu.memory_space<hbm>>
        %dma_start3A_1452 = tpu.memref_squeeze %dma_start3A_1451 : memref<1x32x1x128xf32, #tpu.memory_space<hbm>> -> memref<32x128xf32, #tpu.memory_space<hbm>>
        %dma_start3A_1453 = arith.constant 0 : i32
        %dma_start3A_1454 = arith.constant 0 : i32
        %dma_start3A_1455 = tpu.memref_slice %arg9[%dma_start3A_1444, %dma_start3A_1453, %dma_start3A_1454] : memref<4x32x128xf32, #tpu.memory_space<vmem>> -> memref<1x32x128xf32, #tpu.memory_space<vmem>>
        %dma_start3A_1456 = tpu.memref_squeeze %dma_start3A_1455 : memref<1x32x128xf32, #tpu.memory_space<vmem>> -> memref<32x128xf32, #tpu.memory_space<vmem>>
        %dma_start3A_1457 = arith.constant 0 : i32
        %dma_start3A_1458 = arith.constant 0 : i32
        %dma_start3A_1459 = tpu.memref_slice %arg2[%select_n3A_1427, %dma_start3A_1457, %select_n3A_1443, %dma_start3A_1458] : memref<256x32x8x128xf32, #tpu.memory_space<hbm>> -> memref<1x32x1x128xf32, #tpu.memory_space<hbm>>
        %dma_start3A_1460 = tpu.memref_squeeze %dma_start3A_1459 : memref<1x32x1x128xf32, #tpu.memory_space<hbm>> -> memref<32x128xf32, #tpu.memory_space<hbm>>
        tpu.enqueue_dma source(%dma_start3A_1460 : memref<32x128xf32, #tpu.memory_space<hbm>>) target(%dma_start3A_1456 : memref<32x128xf32, #tpu.memory_space<vmem>>) target_semaphore(%arg16 : memref<!tpu.dma_semaphore, #tpu.memory_space<semaphore_mem>>)
        %add3A_1461 = arith.constant 2 : i32
        %add3A_1462 = arith.addi %add3A_1342, %add3A_1461 : i32
        %jit3A_1463 = arith.constant 8 : i32
        %div3A_1464 = arith.divsi %add3A_1462, %jit3A_1463 : i32
        %sign3A_1465 = arith.constant 0 : i32
        %sign3A_1466 = arith.cmpi sgt, %add3A_1462, %sign3A_1465 : i32
        %sign3A_1467 = arith.extui %sign3A_1466 : i1 to i32
        %sign3A_1468 = arith.constant 0 : i32
        %sign3A_1469 = arith.cmpi slt, %add3A_1462, %sign3A_1468 : i32
        %sign3A_1470 = arith.extui %sign3A_1469 : i1 to i32
        %sign3A_1471 = arith.subi %sign3A_1467, %sign3A_1470 : i32
        %sign3A_1472 = arith.constant 0 : i32
        %sign3A_1473 = arith.cmpi sgt, %jit3A_1463, %sign3A_1472 : i32
        %sign3A_1474 = arith.extui %sign3A_1473 : i1 to i32
        %sign3A_1475 = arith.constant 0 : i32
        %sign3A_1476 = arith.cmpi slt, %jit3A_1463, %sign3A_1475 : i32
        %sign3A_1477 = arith.extui %sign3A_1476 : i1 to i32
        %sign3A_1478 = arith.subi %sign3A_1474, %sign3A_1477 : i32
        %ne3A_1479 = arith.cmpi ne, %sign3A_1471, %sign3A_1478 : i32
        %rem3A_1480 = arith.remsi %add3A_1462, %jit3A_1463 : i32
        %ne3A_1481 = arith.constant 0 : i32
        %ne3A_1482 = arith.cmpi ne, %rem3A_1480, %ne3A_1481 : i32
        %and3A_1483 = arith.andi %ne3A_1479, %ne3A_1482 : i1
        %sub3A_1484 = arith.constant 1 : i32
        %sub3A_1485 = arith.subi %div3A_1464, %sub3A_1484 : i32
        %select_n3A_1486 = arith.select %and3A_1483, %sub3A_1485, %div3A_1464 : i32
        %jit3A_1487 = arith.constant 8 : i32
        %eq3A_1488 = arith.constant 0 : i32
        %eq3A_1489 = arith.cmpi eq, %jit3A_1487, %eq3A_1488 : i32
        %jit3A_1490 = arith.constant 1 : i32
        %select_n3A_1491 = arith.select %eq3A_1489, %jit3A_1490, %jit3A_1487 : i32
        %rem3A_1492 = arith.remsi %add3A_1462, %select_n3A_1491 : i32
        %ne3A_1493 = arith.constant 0 : i32
        %ne3A_1494 = arith.cmpi ne, %rem3A_1492, %ne3A_1493 : i32
        %lt3A_1495 = arith.constant 0 : i32
        %lt3A_1496 = arith.cmpi slt, %rem3A_1492, %lt3A_1495 : i32
        %lt3A_1497 = arith.constant 0 : i32
        %lt3A_1498 = arith.cmpi slt, %select_n3A_1491, %lt3A_1497 : i32
        %ne3A_1499 = arith.xori %lt3A_1496, %lt3A_1498 : i1
        %and3A_1500 = arith.andi %ne3A_1499, %ne3A_1494 : i1
        %add3A_1501 = arith.addi %rem3A_1492, %select_n3A_1491 : i32
        %select_n3A_1502 = arith.select %and3A_1500, %add3A_1501, %rem3A_1492 : i32
        %dma_start3A_1503 = arith.constant 2 : i32
        %dma_start3A_1504 = arith.constant 0 : i32
        %dma_start3A_1505 = arith.constant 0 : i32
        %dma_start3A_1506 = tpu.memref_slice %arg9[%dma_start3A_1503, %dma_start3A_1504, %dma_start3A_1505] : memref<4x32x128xf32, #tpu.memory_space<vmem>> -> memref<1x32x128xf32, #tpu.memory_space<vmem>>
        %dma_start3A_1507 = tpu.memref_squeeze %dma_start3A_1506 : memref<1x32x128xf32, #tpu.memory_space<vmem>> -> memref<32x128xf32, #tpu.memory_space<vmem>>
        %dma_start3A_1508 = arith.constant 0 : i32
        %dma_start3A_1509 = arith.constant 0 : i32
        %dma_start3A_1510 = tpu.memref_slice %arg2[%select_n3A_1486, %dma_start3A_1508, %select_n3A_1502, %dma_start3A_1509] : memref<256x32x8x128xf32, #tpu.memory_space<hbm>> -> memref<1x32x1x128xf32, #tpu.memory_space<hbm>>
        %dma_start3A_1511 = tpu.memref_squeeze %dma_start3A_1510 : memref<1x32x1x128xf32, #tpu.memory_space<hbm>> -> memref<32x128xf32, #tpu.memory_space<hbm>>
        %dma_start3A_1512 = arith.constant 0 : i32
        %dma_start3A_1513 = arith.constant 0 : i32
        %dma_start3A_1514 = tpu.memref_slice %arg9[%dma_start3A_1503, %dma_start3A_1512, %dma_start3A_1513] : memref<4x32x128xf32, #tpu.memory_space<vmem>> -> memref<1x32x128xf32, #tpu.memory_space<vmem>>
        %dma_start3A_1515 = tpu.memref_squeeze %dma_start3A_1514 : memref<1x32x128xf32, #tpu.memory_space<vmem>> -> memref<32x128xf32, #tpu.memory_space<vmem>>
        %dma_start3A_1516 = arith.constant 0 : i32
        %dma_start3A_1517 = arith.constant 0 : i32
        %dma_start3A_1518 = tpu.memref_slice %arg2[%select_n3A_1486, %dma_start3A_1516, %select_n3A_1502, %dma_start3A_1517] : memref<256x32x8x128xf32, #tpu.memory_space<hbm>> -> memref<1x32x1x128xf32, #tpu.memory_space<hbm>>
        %dma_start3A_1519 = tpu.memref_squeeze %dma_start3A_1518 : memref<1x32x1x128xf32, #tpu.memory_space<hbm>> -> memref<32x128xf32, #tpu.memory_space<hbm>>
        tpu.enqueue_dma source(%dma_start3A_1519 : memref<32x128xf32, #tpu.memory_space<hbm>>) target(%dma_start3A_1515 : memref<32x128xf32, #tpu.memory_space<vmem>>) target_semaphore(%arg16 : memref<!tpu.dma_semaphore, #tpu.memory_space<semaphore_mem>>)
        %add3A_1520 = arith.constant 3 : i32
        %add3A_1521 = arith.addi %add3A_1342, %add3A_1520 : i32
        %jit3A_1522 = arith.constant 8 : i32
        %div3A_1523 = arith.divsi %add3A_1521, %jit3A_1522 : i32
        %sign3A_1524 = arith.constant 0 : i32
        %sign3A_1525 = arith.cmpi sgt, %add3A_1521, %sign3A_1524 : i32
        %sign3A_1526 = arith.extui %sign3A_1525 : i1 to i32
        %sign3A_1527 = arith.constant 0 : i32
        %sign3A_1528 = arith.cmpi slt, %add3A_1521, %sign3A_1527 : i32
        %sign3A_1529 = arith.extui %sign3A_1528 : i1 to i32
        %sign3A_1530 = arith.subi %sign3A_1526, %sign3A_1529 : i32
        %sign3A_1531 = arith.constant 0 : i32
        %sign3A_1532 = arith.cmpi sgt, %jit3A_1522, %sign3A_1531 : i32
        %sign3A_1533 = arith.extui %sign3A_1532 : i1 to i32
        %sign3A_1534 = arith.constant 0 : i32
        %sign3A_1535 = arith.cmpi slt, %jit3A_1522, %sign3A_1534 : i32
        %sign3A_1536 = arith.extui %sign3A_1535 : i1 to i32
        %sign3A_1537 = arith.subi %sign3A_1533, %sign3A_1536 : i32
        %ne3A_1538 = arith.cmpi ne, %sign3A_1530, %sign3A_1537 : i32
        %rem3A_1539 = arith.remsi %add3A_1521, %jit3A_1522 : i32
        %ne3A_1540 = arith.constant 0 : i32
        %ne3A_1541 = arith.cmpi ne, %rem3A_1539, %ne3A_1540 : i32
        %and3A_1542 = arith.andi %ne3A_1538, %ne3A_1541 : i1
        %sub3A_1543 = arith.constant 1 : i32
        %sub3A_1544 = arith.subi %div3A_1523, %sub3A_1543 : i32
        %select_n3A_1545 = arith.select %and3A_1542, %sub3A_1544, %div3A_1523 : i32
        %jit3A_1546 = arith.constant 8 : i32
        %eq3A_1547 = arith.constant 0 : i32
        %eq3A_1548 = arith.cmpi eq, %jit3A_1546, %eq3A_1547 : i32
        %jit3A_1549 = arith.constant 1 : i32
        %select_n3A_1550 = arith.select %eq3A_1548, %jit3A_1549, %jit3A_1546 : i32
        %rem3A_1551 = arith.remsi %add3A_1521, %select_n3A_1550 : i32
        %ne3A_1552 = arith.constant 0 : i32
        %ne3A_1553 = arith.cmpi ne, %rem3A_1551, %ne3A_1552 : i32
        %lt3A_1554 = arith.constant 0 : i32
        %lt3A_1555 = arith.cmpi slt, %rem3A_1551, %lt3A_1554 : i32
        %lt3A_1556 = arith.constant 0 : i32
        %lt3A_1557 = arith.cmpi slt, %select_n3A_1550, %lt3A_1556 : i32
        %ne3A_1558 = arith.xori %lt3A_1555, %lt3A_1557 : i1
        %and3A_1559 = arith.andi %ne3A_1558, %ne3A_1553 : i1
        %add3A_1560 = arith.addi %rem3A_1551, %select_n3A_1550 : i32
        %select_n3A_1561 = arith.select %and3A_1559, %add3A_1560, %rem3A_1551 : i32
        %dma_start3A_1562 = arith.constant 3 : i32
        %dma_start3A_1563 = arith.constant 0 : i32
        %dma_start3A_1564 = arith.constant 0 : i32
        %dma_start3A_1565 = tpu.memref_slice %arg9[%dma_start3A_1562, %dma_start3A_1563, %dma_start3A_1564] : memref<4x32x128xf32, #tpu.memory_space<vmem>> -> memref<1x32x128xf32, #tpu.memory_space<vmem>>
        %dma_start3A_1566 = tpu.memref_squeeze %dma_start3A_1565 : memref<1x32x128xf32, #tpu.memory_space<vmem>> -> memref<32x128xf32, #tpu.memory_space<vmem>>
        %dma_start3A_1567 = arith.constant 0 : i32
        %dma_start3A_1568 = arith.constant 0 : i32
        %dma_start3A_1569 = tpu.memref_slice %arg2[%select_n3A_1545, %dma_start3A_1567, %select_n3A_1561, %dma_start3A_1568] : memref<256x32x8x128xf32, #tpu.memory_space<hbm>> -> memref<1x32x1x128xf32, #tpu.memory_space<hbm>>
        %dma_start3A_1570 = tpu.memref_squeeze %dma_start3A_1569 : memref<1x32x1x128xf32, #tpu.memory_space<hbm>> -> memref<32x128xf32, #tpu.memory_space<hbm>>
        %dma_start3A_1571 = arith.constant 0 : i32
        %dma_start3A_1572 = arith.constant 0 : i32
        %dma_start3A_1573 = tpu.memref_slice %arg9[%dma_start3A_1562, %dma_start3A_1571, %dma_start3A_1572] : memref<4x32x128xf32, #tpu.memory_space<vmem>> -> memref<1x32x128xf32, #tpu.memory_space<vmem>>
        %dma_start3A_1574 = tpu.memref_squeeze %dma_start3A_1573 : memref<1x32x128xf32, #tpu.memory_space<vmem>> -> memref<32x128xf32, #tpu.memory_space<vmem>>
        %dma_start3A_1575 = arith.constant 0 : i32
        %dma_start3A_1576 = arith.constant 0 : i32
        %dma_start3A_1577 = tpu.memref_slice %arg2[%select_n3A_1545, %dma_start3A_1575, %select_n3A_1561, %dma_start3A_1576] : memref<256x32x8x128xf32, #tpu.memory_space<hbm>> -> memref<1x32x1x128xf32, #tpu.memory_space<hbm>>
        %dma_start3A_1578 = tpu.memref_squeeze %dma_start3A_1577 : memref<1x32x1x128xf32, #tpu.memory_space<hbm>> -> memref<32x128xf32, #tpu.memory_space<hbm>>
        tpu.enqueue_dma source(%dma_start3A_1578 : memref<32x128xf32, #tpu.memory_space<hbm>>) target(%dma_start3A_1574 : memref<32x128xf32, #tpu.memory_space<vmem>>) target_semaphore(%arg16 : memref<!tpu.dma_semaphore, #tpu.memory_space<semaphore_mem>>)
      } else {
      }
      %mul3A_1005 = arith.constant 2 : i32
      %mul3A_1006 = arith.muli %mul3A_1005, %scan3A_673 : i32
      %add3A_1007 = arith.constant 1 : i32
      %add3A_1008 = arith.addi %mul3A_1006, %add3A_1007 : i32
      %dma_wait3A_1009 = arith.constant 0 : i32
      %dma_wait3A_1010 = arith.constant 0 : i32
      %dma_wait3A_1011 = arith.constant 0 : i32
      %dma_wait3A_1012 = arith.constant 0 : i32
      %dma_wait3A_1013 = arith.constant 0 : i32
      %dma_wait3A_1014 = tpu.memref_slice %arg10[%dma_wait3A_1011, %dma_wait3A_1012, %dma_wait3A_1013] : memref<4x32x128xf32, #tpu.memory_space<vmem>> -> memref<1x32x128xf32, #tpu.memory_space<vmem>>
      %dma_wait3A_1015 = tpu.memref_squeeze %dma_wait3A_1014 : memref<1x32x128xf32, #tpu.memory_space<vmem>> -> memref<32x128xf32, #tpu.memory_space<vmem>>
      %dma_wait3A_1016 = arith.constant 0 : i32
      %dma_wait3A_1017 = arith.constant 0 : i32
      %dma_wait3A_1018 = tpu.memref_slice %arg2[%dma_wait3A_1009, %dma_wait3A_1016, %dma_wait3A_1010, %dma_wait3A_1017] : memref<256x32x8x128xf32, #tpu.memory_space<hbm>> -> memref<1x32x1x128xf32, #tpu.memory_space<hbm>>
      %dma_wait3A_1019 = tpu.memref_squeeze %dma_wait3A_1018 : memref<1x32x1x128xf32, #tpu.memory_space<hbm>> -> memref<32x128xf32, #tpu.memory_space<hbm>>
      %dma_wait3A_1020 = arith.constant 0 : i32
      %dma_wait3A_1021 = arith.constant 0 : i32
      %dma_wait3A_1022 = tpu.memref_slice %arg10[%dma_wait3A_1011, %dma_wait3A_1020, %dma_wait3A_1021] : memref<4x32x128xf32, #tpu.memory_space<vmem>> -> memref<1x32x128xf32, #tpu.memory_space<vmem>>
      %dma_wait3A_1023 = tpu.memref_squeeze %dma_wait3A_1022 : memref<1x32x128xf32, #tpu.memory_space<vmem>> -> memref<32x128xf32, #tpu.memory_space<vmem>>
      %dma_wait3A_1024 = arith.constant 0 : i32
      %dma_wait3A_1025 = arith.constant 0 : i32
      %dma_wait3A_1026 = tpu.memref_slice %arg2[%dma_wait3A_1009, %dma_wait3A_1024, %dma_wait3A_1010, %dma_wait3A_1025] : memref<256x32x8x128xf32, #tpu.memory_space<hbm>> -> memref<1x32x1x128xf32, #tpu.memory_space<hbm>>
      %dma_wait3A_1027 = tpu.memref_squeeze %dma_wait3A_1026 : memref<1x32x1x128xf32, #tpu.memory_space<hbm>> -> memref<32x128xf32, #tpu.memory_space<hbm>>
      tpu.wait_dma2 semaphore(%arg17 : memref<!tpu.dma_semaphore, #tpu.memory_space<semaphore_mem>>) src(%dma_wait3A_1027 : memref<32x128xf32, #tpu.memory_space<hbm>>) dst(%dma_wait3A_1023 : memref<32x128xf32, #tpu.memory_space<vmem>>)
      %dma_wait3A_1028 = arith.constant 0 : i32
      %dma_wait3A_1029 = arith.constant 0 : i32
      %dma_wait3A_1030 = arith.constant 1 : i32
      %dma_wait3A_1031 = arith.constant 0 : i32
      %dma_wait3A_1032 = arith.constant 0 : i32
      %dma_wait3A_1033 = tpu.memref_slice %arg10[%dma_wait3A_1030, %dma_wait3A_1031, %dma_wait3A_1032] : memref<4x32x128xf32, #tpu.memory_space<vmem>> -> memref<1x32x128xf32, #tpu.memory_space<vmem>>
      %dma_wait3A_1034 = tpu.memref_squeeze %dma_wait3A_1033 : memref<1x32x128xf32, #tpu.memory_space<vmem>> -> memref<32x128xf32, #tpu.memory_space<vmem>>
      %dma_wait3A_1035 = arith.constant 0 : i32
      %dma_wait3A_1036 = arith.constant 0 : i32
      %dma_wait3A_1037 = tpu.memref_slice %arg2[%dma_wait3A_1028, %dma_wait3A_1035, %dma_wait3A_1029, %dma_wait3A_1036] : memref<256x32x8x128xf32, #tpu.memory_space<hbm>> -> memref<1x32x1x128xf32, #tpu.memory_space<hbm>>
      %dma_wait3A_1038 = tpu.memref_squeeze %dma_wait3A_1037 : memref<1x32x1x128xf32, #tpu.memory_space<hbm>> -> memref<32x128xf32, #tpu.memory_space<hbm>>
      %dma_wait3A_1039 = arith.constant 0 : i32
      %dma_wait3A_1040 = arith.constant 0 : i32
      %dma_wait3A_1041 = tpu.memref_slice %arg10[%dma_wait3A_1030, %dma_wait3A_1039, %dma_wait3A_1040] : memref<4x32x128xf32, #tpu.memory_space<vmem>> -> memref<1x32x128xf32, #tpu.memory_space<vmem>>
      %dma_wait3A_1042 = tpu.memref_squeeze %dma_wait3A_1041 : memref<1x32x128xf32, #tpu.memory_space<vmem>> -> memref<32x128xf32, #tpu.memory_space<vmem>>
      %dma_wait3A_1043 = arith.constant 0 : i32
      %dma_wait3A_1044 = arith.constant 0 : i32
      %dma_wait3A_1045 = tpu.memref_slice %arg2[%dma_wait3A_1028, %dma_wait3A_1043, %dma_wait3A_1029, %dma_wait3A_1044] : memref<256x32x8x128xf32, #tpu.memory_space<hbm>> -> memref<1x32x1x128xf32, #tpu.memory_space<hbm>>
      %dma_wait3A_1046 = tpu.memref_squeeze %dma_wait3A_1045 : memref<1x32x1x128xf32, #tpu.memory_space<hbm>> -> memref<32x128xf32, #tpu.memory_space<hbm>>
      tpu.wait_dma2 semaphore(%arg17 : memref<!tpu.dma_semaphore, #tpu.memory_space<semaphore_mem>>) src(%dma_wait3A_1046 : memref<32x128xf32, #tpu.memory_space<hbm>>) dst(%dma_wait3A_1042 : memref<32x128xf32, #tpu.memory_space<vmem>>)
      %dma_wait3A_1047 = arith.constant 0 : i32
      %dma_wait3A_1048 = arith.constant 0 : i32
      %dma_wait3A_1049 = arith.constant 2 : i32
      %dma_wait3A_1050 = arith.constant 0 : i32
      %dma_wait3A_1051 = arith.constant 0 : i32
      %dma_wait3A_1052 = tpu.memref_slice %arg10[%dma_wait3A_1049, %dma_wait3A_1050, %dma_wait3A_1051] : memref<4x32x128xf32, #tpu.memory_space<vmem>> -> memref<1x32x128xf32, #tpu.memory_space<vmem>>
      %dma_wait3A_1053 = tpu.memref_squeeze %dma_wait3A_1052 : memref<1x32x128xf32, #tpu.memory_space<vmem>> -> memref<32x128xf32, #tpu.memory_space<vmem>>
      %dma_wait3A_1054 = arith.constant 0 : i32
      %dma_wait3A_1055 = arith.constant 0 : i32
      %dma_wait3A_1056 = tpu.memref_slice %arg2[%dma_wait3A_1047, %dma_wait3A_1054, %dma_wait3A_1048, %dma_wait3A_1055] : memref<256x32x8x128xf32, #tpu.memory_space<hbm>> -> memref<1x32x1x128xf32, #tpu.memory_space<hbm>>
      %dma_wait3A_1057 = tpu.memref_squeeze %dma_wait3A_1056 : memref<1x32x1x128xf32, #tpu.memory_space<hbm>> -> memref<32x128xf32, #tpu.memory_space<hbm>>
      %dma_wait3A_1058 = arith.constant 0 : i32
      %dma_wait3A_1059 = arith.constant 0 : i32
      %dma_wait3A_1060 = tpu.memref_slice %arg10[%dma_wait3A_1049, %dma_wait3A_1058, %dma_wait3A_1059] : memref<4x32x128xf32, #tpu.memory_space<vmem>> -> memref<1x32x128xf32, #tpu.memory_space<vmem>>
      %dma_wait3A_1061 = tpu.memref_squeeze %dma_wait3A_1060 : memref<1x32x128xf32, #tpu.memory_space<vmem>> -> memref<32x128xf32, #tpu.memory_space<vmem>>
      %dma_wait3A_1062 = arith.constant 0 : i32
      %dma_wait3A_1063 = arith.constant 0 : i32
      %dma_wait3A_1064 = tpu.memref_slice %arg2[%dma_wait3A_1047, %dma_wait3A_1062, %dma_wait3A_1048, %dma_wait3A_1063] : memref<256x32x8x128xf32, #tpu.memory_space<hbm>> -> memref<1x32x1x128xf32, #tpu.memory_space<hbm>>
      %dma_wait3A_1065 = tpu.memref_squeeze %dma_wait3A_1064 : memref<1x32x1x128xf32, #tpu.memory_space<hbm>> -> memref<32x128xf32, #tpu.memory_space<hbm>>
      tpu.wait_dma2 semaphore(%arg17 : memref<!tpu.dma_semaphore, #tpu.memory_space<semaphore_mem>>) src(%dma_wait3A_1065 : memref<32x128xf32, #tpu.memory_space<hbm>>) dst(%dma_wait3A_1061 : memref<32x128xf32, #tpu.memory_space<vmem>>)
      %dma_wait3A_1066 = arith.constant 0 : i32
      %dma_wait3A_1067 = arith.constant 0 : i32
      %dma_wait3A_1068 = arith.constant 3 : i32
      %dma_wait3A_1069 = arith.constant 0 : i32
      %dma_wait3A_1070 = arith.constant 0 : i32
      %dma_wait3A_1071 = tpu.memref_slice %arg10[%dma_wait3A_1068, %dma_wait3A_1069, %dma_wait3A_1070] : memref<4x32x128xf32, #tpu.memory_space<vmem>> -> memref<1x32x128xf32, #tpu.memory_space<vmem>>
      %dma_wait3A_1072 = tpu.memref_squeeze %dma_wait3A_1071 : memref<1x32x128xf32, #tpu.memory_space<vmem>> -> memref<32x128xf32, #tpu.memory_space<vmem>>
      %dma_wait3A_1073 = arith.constant 0 : i32
      %dma_wait3A_1074 = arith.constant 0 : i32
      %dma_wait3A_1075 = tpu.memref_slice %arg2[%dma_wait3A_1066, %dma_wait3A_1073, %dma_wait3A_1067, %dma_wait3A_1074] : memref<256x32x8x128xf32, #tpu.memory_space<hbm>> -> memref<1x32x1x128xf32, #tpu.memory_space<hbm>>
      %dma_wait3A_1076 = tpu.memref_squeeze %dma_wait3A_1075 : memref<1x32x1x128xf32, #tpu.memory_space<hbm>> -> memref<32x128xf32, #tpu.memory_space<hbm>>
      %dma_wait3A_1077 = arith.constant 0 : i32
      %dma_wait3A_1078 = arith.constant 0 : i32
      %dma_wait3A_1079 = tpu.memref_slice %arg10[%dma_wait3A_1068, %dma_wait3A_1077, %dma_wait3A_1078] : memref<4x32x128xf32, #tpu.memory_space<vmem>> -> memref<1x32x128xf32, #tpu.memory_space<vmem>>
      %dma_wait3A_1080 = tpu.memref_squeeze %dma_wait3A_1079 : memref<1x32x128xf32, #tpu.memory_space<vmem>> -> memref<32x128xf32, #tpu.memory_space<vmem>>
      %dma_wait3A_1081 = arith.constant 0 : i32
      %dma_wait3A_1082 = arith.constant 0 : i32
      %dma_wait3A_1083 = tpu.memref_slice %arg2[%dma_wait3A_1066, %dma_wait3A_1081, %dma_wait3A_1067, %dma_wait3A_1082] : memref<256x32x8x128xf32, #tpu.memory_space<hbm>> -> memref<1x32x1x128xf32, #tpu.memory_space<hbm>>
      %dma_wait3A_1084 = tpu.memref_squeeze %dma_wait3A_1083 : memref<1x32x1x128xf32, #tpu.memory_space<hbm>> -> memref<32x128xf32, #tpu.memory_space<hbm>>
      tpu.wait_dma2 semaphore(%arg17 : memref<!tpu.dma_semaphore, #tpu.memory_space<semaphore_mem>>) src(%dma_wait3A_1084 : memref<32x128xf32, #tpu.memory_space<hbm>>) dst(%dma_wait3A_1080 : memref<32x128xf32, #tpu.memory_space<vmem>>)
      %gt3A_1085 = arith.constant 0 : i32
      %gt3A_1086 = arith.cmpi sgt, %scan3A_673, %gt3A_1085 : i32
      %convert_element_type3A_1087 = arith.extui %gt3A_1086 : i1 to i32
      %cond3A_1088 = arith.constant 0 : i32
      %cond3A_1089 = arith.cmpi ne, %convert_element_type3A_1087, %cond3A_1088 : i32
      scf.if %cond3A_1089 {
        %dma_wait3A_1338 = arith.constant 0 : i32
        %dma_wait3A_1339 = arith.constant 0 : i32
        %dma_wait3A_1340 = arith.constant 0 : i32
        %dma_wait3A_1341 = arith.constant 0 : i32
        %dma_wait3A_1342 = arith.constant 0 : i32
        %dma_wait3A_1343 = tpu.memref_slice %arg12[%dma_wait3A_1338, %dma_wait3A_1341, %dma_wait3A_1342] : memref<4x32x128xf32, #tpu.memory_space<vmem>> -> memref<1x32x128xf32, #tpu.memory_space<vmem>>
        %dma_wait3A_1344 = tpu.memref_squeeze %dma_wait3A_1343 : memref<1x32x128xf32, #tpu.memory_space<vmem>> -> memref<32x128xf32, #tpu.memory_space<vmem>>
        %dma_wait3A_1345 = arith.constant 0 : i32
        %dma_wait3A_1346 = arith.constant 0 : i32
        %dma_wait3A_1347 = tpu.memref_slice %arg6[%dma_wait3A_1339, %dma_wait3A_1345, %dma_wait3A_1340, %dma_wait3A_1346] : memref<256x32x8x128xf32, #tpu.memory_space<hbm>> -> memref<1x32x1x128xf32, #tpu.memory_space<hbm>>
        %dma_wait3A_1348 = tpu.memref_squeeze %dma_wait3A_1347 : memref<1x32x1x128xf32, #tpu.memory_space<hbm>> -> memref<32x128xf32, #tpu.memory_space<hbm>>
        %dma_wait3A_1349 = arith.constant 0 : i32
        %dma_wait3A_1350 = arith.constant 0 : i32
        %dma_wait3A_1351 = tpu.memref_slice %arg6[%dma_wait3A_1339, %dma_wait3A_1349, %dma_wait3A_1340, %dma_wait3A_1350] : memref<256x32x8x128xf32, #tpu.memory_space<hbm>> -> memref<1x32x1x128xf32, #tpu.memory_space<hbm>>
        %dma_wait3A_1352 = tpu.memref_squeeze %dma_wait3A_1351 : memref<1x32x1x128xf32, #tpu.memory_space<hbm>> -> memref<32x128xf32, #tpu.memory_space<hbm>>
        %dma_wait3A_1353 = arith.constant 0 : i32
        %dma_wait3A_1354 = arith.constant 0 : i32
        %dma_wait3A_1355 = tpu.memref_slice %arg12[%dma_wait3A_1338, %dma_wait3A_1353, %dma_wait3A_1354] : memref<4x32x128xf32, #tpu.memory_space<vmem>> -> memref<1x32x128xf32, #tpu.memory_space<vmem>>
        %dma_wait3A_1356 = tpu.memref_squeeze %dma_wait3A_1355 : memref<1x32x128xf32, #tpu.memory_space<vmem>> -> memref<32x128xf32, #tpu.memory_space<vmem>>
        tpu.wait_dma2 semaphore(%arg19 : memref<!tpu.dma_semaphore, #tpu.memory_space<semaphore_mem>>) src(%dma_wait3A_1356 : memref<32x128xf32, #tpu.memory_space<vmem>>) dst(%dma_wait3A_1352 : memref<32x128xf32, #tpu.memory_space<hbm>>)
        %dma_wait3A_1357 = arith.constant 1 : i32
        %dma_wait3A_1358 = arith.constant 0 : i32
        %dma_wait3A_1359 = arith.constant 0 : i32
        %dma_wait3A_1360 = arith.constant 0 : i32
        %dma_wait3A_1361 = arith.constant 0 : i32
        %dma_wait3A_1362 = tpu.memref_slice %arg12[%dma_wait3A_1357, %dma_wait3A_1360, %dma_wait3A_1361] : memref<4x32x128xf32, #tpu.memory_space<vmem>> -> memref<1x32x128xf32, #tpu.memory_space<vmem>>
        %dma_wait3A_1363 = tpu.memref_squeeze %dma_wait3A_1362 : memref<1x32x128xf32, #tpu.memory_space<vmem>> -> memref<32x128xf32, #tpu.memory_space<vmem>>
        %dma_wait3A_1364 = arith.constant 0 : i32
        %dma_wait3A_1365 = arith.constant 0 : i32
        %dma_wait3A_1366 = tpu.memref_slice %arg6[%dma_wait3A_1358, %dma_wait3A_1364, %dma_wait3A_1359, %dma_wait3A_1365] : memref<256x32x8x128xf32, #tpu.memory_space<hbm>> -> memref<1x32x1x128xf32, #tpu.memory_space<hbm>>
        %dma_wait3A_1367 = tpu.memref_squeeze %dma_wait3A_1366 : memref<1x32x1x128xf32, #tpu.memory_space<hbm>> -> memref<32x128xf32, #tpu.memory_space<hbm>>
        %dma_wait3A_1368 = arith.constant 0 : i32
        %dma_wait3A_1369 = arith.constant 0 : i32
        %dma_wait3A_1370 = tpu.memref_slice %arg6[%dma_wait3A_1358, %dma_wait3A_1368, %dma_wait3A_1359, %dma_wait3A_1369] : memref<256x32x8x128xf32, #tpu.memory_space<hbm>> -> memref<1x32x1x128xf32, #tpu.memory_space<hbm>>
        %dma_wait3A_1371 = tpu.memref_squeeze %dma_wait3A_1370 : memref<1x32x1x128xf32, #tpu.memory_space<hbm>> -> memref<32x128xf32, #tpu.memory_space<hbm>>
        %dma_wait3A_1372 = arith.constant 0 : i32
        %dma_wait3A_1373 = arith.constant 0 : i32
        %dma_wait3A_1374 = tpu.memref_slice %arg12[%dma_wait3A_1357, %dma_wait3A_1372, %dma_wait3A_1373] : memref<4x32x128xf32, #tpu.memory_space<vmem>> -> memref<1x32x128xf32, #tpu.memory_space<vmem>>
        %dma_wait3A_1375 = tpu.memref_squeeze %dma_wait3A_1374 : memref<1x32x128xf32, #tpu.memory_space<vmem>> -> memref<32x128xf32, #tpu.memory_space<vmem>>
        tpu.wait_dma2 semaphore(%arg19 : memref<!tpu.dma_semaphore, #tpu.memory_space<semaphore_mem>>) src(%dma_wait3A_1375 : memref<32x128xf32, #tpu.memory_space<vmem>>) dst(%dma_wait3A_1371 : memref<32x128xf32, #tpu.memory_space<hbm>>)
        %dma_wait3A_1376 = arith.constant 2 : i32
        %dma_wait3A_1377 = arith.constant 0 : i32
        %dma_wait3A_1378 = arith.constant 0 : i32
        %dma_wait3A_1379 = arith.constant 0 : i32
        %dma_wait3A_1380 = arith.constant 0 : i32
        %dma_wait3A_1381 = tpu.memref_slice %arg12[%dma_wait3A_1376, %dma_wait3A_1379, %dma_wait3A_1380] : memref<4x32x128xf32, #tpu.memory_space<vmem>> -> memref<1x32x128xf32, #tpu.memory_space<vmem>>
        %dma_wait3A_1382 = tpu.memref_squeeze %dma_wait3A_1381 : memref<1x32x128xf32, #tpu.memory_space<vmem>> -> memref<32x128xf32, #tpu.memory_space<vmem>>
        %dma_wait3A_1383 = arith.constant 0 : i32
        %dma_wait3A_1384 = arith.constant 0 : i32
        %dma_wait3A_1385 = tpu.memref_slice %arg6[%dma_wait3A_1377, %dma_wait3A_1383, %dma_wait3A_1378, %dma_wait3A_1384] : memref<256x32x8x128xf32, #tpu.memory_space<hbm>> -> memref<1x32x1x128xf32, #tpu.memory_space<hbm>>
        %dma_wait3A_1386 = tpu.memref_squeeze %dma_wait3A_1385 : memref<1x32x1x128xf32, #tpu.memory_space<hbm>> -> memref<32x128xf32, #tpu.memory_space<hbm>>
        %dma_wait3A_1387 = arith.constant 0 : i32
        %dma_wait3A_1388 = arith.constant 0 : i32
        %dma_wait3A_1389 = tpu.memref_slice %arg6[%dma_wait3A_1377, %dma_wait3A_1387, %dma_wait3A_1378, %dma_wait3A_1388] : memref<256x32x8x128xf32, #tpu.memory_space<hbm>> -> memref<1x32x1x128xf32, #tpu.memory_space<hbm>>
        %dma_wait3A_1390 = tpu.memref_squeeze %dma_wait3A_1389 : memref<1x32x1x128xf32, #tpu.memory_space<hbm>> -> memref<32x128xf32, #tpu.memory_space<hbm>>
        %dma_wait3A_1391 = arith.constant 0 : i32
        %dma_wait3A_1392 = arith.constant 0 : i32
        %dma_wait3A_1393 = tpu.memref_slice %arg12[%dma_wait3A_1376, %dma_wait3A_1391, %dma_wait3A_1392] : memref<4x32x128xf32, #tpu.memory_space<vmem>> -> memref<1x32x128xf32, #tpu.memory_space<vmem>>
        %dma_wait3A_1394 = tpu.memref_squeeze %dma_wait3A_1393 : memref<1x32x128xf32, #tpu.memory_space<vmem>> -> memref<32x128xf32, #tpu.memory_space<vmem>>
        tpu.wait_dma2 semaphore(%arg19 : memref<!tpu.dma_semaphore, #tpu.memory_space<semaphore_mem>>) src(%dma_wait3A_1394 : memref<32x128xf32, #tpu.memory_space<vmem>>) dst(%dma_wait3A_1390 : memref<32x128xf32, #tpu.memory_space<hbm>>)
        %dma_wait3A_1395 = arith.constant 3 : i32
        %dma_wait3A_1396 = arith.constant 0 : i32
        %dma_wait3A_1397 = arith.constant 0 : i32
        %dma_wait3A_1398 = arith.constant 0 : i32
        %dma_wait3A_1399 = arith.constant 0 : i32
        %dma_wait3A_1400 = tpu.memref_slice %arg12[%dma_wait3A_1395, %dma_wait3A_1398, %dma_wait3A_1399] : memref<4x32x128xf32, #tpu.memory_space<vmem>> -> memref<1x32x128xf32, #tpu.memory_space<vmem>>
        %dma_wait3A_1401 = tpu.memref_squeeze %dma_wait3A_1400 : memref<1x32x128xf32, #tpu.memory_space<vmem>> -> memref<32x128xf32, #tpu.memory_space<vmem>>
        %dma_wait3A_1402 = arith.constant 0 : i32
        %dma_wait3A_1403 = arith.constant 0 : i32
        %dma_wait3A_1404 = tpu.memref_slice %arg6[%dma_wait3A_1396, %dma_wait3A_1402, %dma_wait3A_1397, %dma_wait3A_1403] : memref<256x32x8x128xf32, #tpu.memory_space<hbm>> -> memref<1x32x1x128xf32, #tpu.memory_space<hbm>>
        %dma_wait3A_1405 = tpu.memref_squeeze %dma_wait3A_1404 : memref<1x32x1x128xf32, #tpu.memory_space<hbm>> -> memref<32x128xf32, #tpu.memory_space<hbm>>
        %dma_wait3A_1406 = arith.constant 0 : i32
        %dma_wait3A_1407 = arith.constant 0 : i32
        %dma_wait3A_1408 = tpu.memref_slice %arg6[%dma_wait3A_1396, %dma_wait3A_1406, %dma_wait3A_1397, %dma_wait3A_1407] : memref<256x32x8x128xf32, #tpu.memory_space<hbm>> -> memref<1x32x1x128xf32, #tpu.memory_space<hbm>>
        %dma_wait3A_1409 = tpu.memref_squeeze %dma_wait3A_1408 : memref<1x32x1x128xf32, #tpu.memory_space<hbm>> -> memref<32x128xf32, #tpu.memory_space<hbm>>
        %dma_wait3A_1410 = arith.constant 0 : i32
        %dma_wait3A_1411 = arith.constant 0 : i32
        %dma_wait3A_1412 = tpu.memref_slice %arg12[%dma_wait3A_1395, %dma_wait3A_1410, %dma_wait3A_1411] : memref<4x32x128xf32, #tpu.memory_space<vmem>> -> memref<1x32x128xf32, #tpu.memory_space<vmem>>
        %dma_wait3A_1413 = tpu.memref_squeeze %dma_wait3A_1412 : memref<1x32x128xf32, #tpu.memory_space<vmem>> -> memref<32x128xf32, #tpu.memory_space<vmem>>
        tpu.wait_dma2 semaphore(%arg19 : memref<!tpu.dma_semaphore, #tpu.memory_space<semaphore_mem>>) src(%dma_wait3A_1413 : memref<32x128xf32, #tpu.memory_space<vmem>>) dst(%dma_wait3A_1409 : memref<32x128xf32, #tpu.memory_space<hbm>>)
      } else {
      }
      %parallel_loop3A_1090 = arith.constant 0 : i32
      %parallel_loop3A_1091 = arith.constant 256 : i32
      %parallel_loop3A_1092 = arith.constant 1 : i32
      scf.for %parallel_loop3A_1338 = %parallel_loop3A_1090 to %parallel_loop3A_1091 step %parallel_loop3A_1092  : i32 {
        %parallel_loop3A_1339 = arith.constant 16 : i32
        %parallel_loop3A_1340 = arith.muli %parallel_loop3A_1338, %parallel_loop3A_1339 : i32
        %parallel_loop3A_1341 = arith.index_cast %parallel_loop3A_1340 : i32 to index
        %parallel_loop3A_1342 = tpu.vector_load %arg8[%parallel_loop3A_1341] {strides = array<i32>} : memref<4096xf32, #tpu.memory_space<vmem>>, vector<16xf32>,
        %parallel_loop3A_1343 = arith.fptosi %parallel_loop3A_1342 : vector<16xf32> to vector<16xi32>
        %parallel_loop3A_1344 = arith.sitofp %parallel_loop3A_1343 : vector<16xi32> to vector<16xf32>
        %parallel_loop3A_1345 = arith.subf %parallel_loop3A_1342, %parallel_loop3A_1344 : vector<16xf32>
        %parallel_loop3A_1346 = arith.constant 1 : i32
        %parallel_loop3A_1347 = vector.broadcast %parallel_loop3A_1346 : i32 to vector<16xi32>
        %parallel_loop3A_1348 = arith.addi %parallel_loop3A_1343, %parallel_loop3A_1347 : vector<16xi32>
        %parallel_loop3A_1349 = arith.constant 4095 : i32
        %parallel_loop3A_1350 = vector.broadcast %parallel_loop3A_1349 : i32 to vector<16xi32>
        %parallel_loop3A_1351 = arith.minsi %parallel_loop3A_1348, %parallel_loop3A_1350 : vector<16xi32>
        %parallel_loop3A_1352 = arith.constant 7 : i32
        %parallel_loop3A_1353 = vector.broadcast %parallel_loop3A_1352 : i32 to vector<16xi32>
        %parallel_loop3A_1354 = arith.shrui %parallel_loop3A_1343, %parallel_loop3A_1353 : vector<16xi32>
        %parallel_loop3A_1355 = arith.constant 127 : i32
        %parallel_loop3A_1356 = vector.broadcast %parallel_loop3A_1355 : i32 to vector<16xi32>
        %parallel_loop3A_1357 = arith.andi %parallel_loop3A_1343, %parallel_loop3A_1356 : vector<16xi32>
        %parallel_loop3A_1358 = arith.constant 7 : i32
        %parallel_loop3A_1359 = vector.broadcast %parallel_loop3A_1358 : i32 to vector<16xi32>
        %parallel_loop3A_1360 = arith.shrui %parallel_loop3A_1351, %parallel_loop3A_1359 : vector<16xi32>
        %parallel_loop3A_1361 = arith.constant 127 : i32
        %parallel_loop3A_1362 = vector.broadcast %parallel_loop3A_1361 : i32 to vector<16xi32>
        %parallel_loop3A_1363 = arith.andi %parallel_loop3A_1351, %parallel_loop3A_1362 : vector<16xi32>
        %parallel_loop3A_1364 = arith.constant 8 : i32
        %parallel_loop3A_1365 = arith.divsi %parallel_loop3A_1338, %parallel_loop3A_1364 : i32
        %parallel_loop3A_1366 = arith.constant 0 : i32
        %parallel_loop3A_1367 = arith.cmpi sgt, %parallel_loop3A_1338, %parallel_loop3A_1366 : i32
        %parallel_loop3A_1368 = arith.extui %parallel_loop3A_1367 : i1 to i32
        %parallel_loop3A_1369 = arith.constant 0 : i32
        %parallel_loop3A_1370 = arith.cmpi slt, %parallel_loop3A_1338, %parallel_loop3A_1369 : i32
        %parallel_loop3A_1371 = arith.extui %parallel_loop3A_1370 : i1 to i32
        %parallel_loop3A_1372 = arith.subi %parallel_loop3A_1368, %parallel_loop3A_1371 : i32
        %parallel_loop3A_1373 = arith.constant 0 : i32
        %parallel_loop3A_1374 = arith.cmpi sgt, %parallel_loop3A_1364, %parallel_loop3A_1373 : i32
        %parallel_loop3A_1375 = arith.extui %parallel_loop3A_1374 : i1 to i32
        %parallel_loop3A_1376 = arith.constant 0 : i32
        %parallel_loop3A_1377 = arith.cmpi slt, %parallel_loop3A_1364, %parallel_loop3A_1376 : i32
        %parallel_loop3A_1378 = arith.extui %parallel_loop3A_1377 : i1 to i32
        %parallel_loop3A_1379 = arith.subi %parallel_loop3A_1375, %parallel_loop3A_1378 : i32
        %parallel_loop3A_1380 = arith.cmpi ne, %parallel_loop3A_1372, %parallel_loop3A_1379 : i32
        %parallel_loop3A_1381 = arith.remsi %parallel_loop3A_1338, %parallel_loop3A_1364 : i32
        %parallel_loop3A_1382 = arith.constant 0 : i32
        %parallel_loop3A_1383 = arith.cmpi ne, %parallel_loop3A_1381, %parallel_loop3A_1382 : i32
        %parallel_loop3A_1384 = arith.andi %parallel_loop3A_1380, %parallel_loop3A_1383 : i1
        %parallel_loop3A_1385 = arith.constant 1 : i32
        %parallel_loop3A_1386 = arith.subi %parallel_loop3A_1365, %parallel_loop3A_1385 : i32
        %parallel_loop3A_1387 = arith.select %parallel_loop3A_1384, %parallel_loop3A_1386, %parallel_loop3A_1365 : i32
        %parallel_loop3A_1388 = arith.constant 8 : i32
        %parallel_loop3A_1389 = arith.constant 0 : i32
        %parallel_loop3A_1390 = arith.cmpi eq, %parallel_loop3A_1388, %parallel_loop3A_1389 : i32
        %parallel_loop3A_1391 = arith.constant 1 : i32
        %parallel_loop3A_1392 = arith.select %parallel_loop3A_1390, %parallel_loop3A_1391, %parallel_loop3A_1388 : i32
        %parallel_loop3A_1393 = arith.remsi %parallel_loop3A_1338, %parallel_loop3A_1392 : i32
        %parallel_loop3A_1394 = arith.constant 0 : i32
        %parallel_loop3A_1395 = arith.cmpi ne, %parallel_loop3A_1393, %parallel_loop3A_1394 : i32
        %parallel_loop3A_1396 = arith.constant 0 : i32
        %parallel_loop3A_1397 = arith.cmpi slt, %parallel_loop3A_1393, %parallel_loop3A_1396 : i32
        %parallel_loop3A_1398 = arith.constant 0 : i32
        %parallel_loop3A_1399 = arith.cmpi slt, %parallel_loop3A_1392, %parallel_loop3A_1398 : i32
        %parallel_loop3A_1400 = arith.xori %parallel_loop3A_1397, %parallel_loop3A_1399 : i1
        %parallel_loop3A_1401 = arith.andi %parallel_loop3A_1400, %parallel_loop3A_1395 : i1
        %parallel_loop3A_1402 = arith.addi %parallel_loop3A_1393, %parallel_loop3A_1392 : i32
        %parallel_loop3A_1403 = arith.select %parallel_loop3A_1401, %parallel_loop3A_1402, %parallel_loop3A_1393 : i32
        %parallel_loop3A_1404 = arith.constant 16 : i32
        %parallel_loop3A_1405 = arith.muli %parallel_loop3A_1403, %parallel_loop3A_1404 : i32
        %parallel_loop3A_1406 = arith.constant 0 : i32
        %parallel_loop3A_1407 = vector.broadcast %parallel_loop3A_1406 : i32 to vector<16xi32>
        %parallel_loop3A_1408 = tpu.vector_load_idx %arg10[%parallel_loop3A_1407, %parallel_loop3A_1354, %parallel_loop3A_1357] : memref<4x32x128xf32, #tpu.memory_space<vmem>>[vector<16xi32>, vector<16xi32>, vector<16xi32>], vector<16xf32>,
        %parallel_loop3A_1409 = tpu.vector_load_idx %arg10[%parallel_loop3A_1407, %parallel_loop3A_1360, %parallel_loop3A_1363] : memref<4x32x128xf32, #tpu.memory_space<vmem>>[vector<16xi32>, vector<16xi32>, vector<16xi32>], vector<16xf32>,
        %parallel_loop3A_1410 = arith.subf %parallel_loop3A_1409, %parallel_loop3A_1408 : vector<16xf32>
        %parallel_loop3A_1411 = arith.mulf %parallel_loop3A_1345, %parallel_loop3A_1410 : vector<16xf32>
        %parallel_loop3A_1412 = arith.addf %parallel_loop3A_1408, %parallel_loop3A_1411 : vector<16xf32>
        %parallel_loop3A_1413 = arith.constant 0 : i32
        %parallel_loop3A_1414 = arith.index_cast %parallel_loop3A_1413 : i32 to index
        %parallel_loop3A_1415 = arith.index_cast %parallel_loop3A_1387 : i32 to index
        %parallel_loop3A_1416 = arith.index_cast %parallel_loop3A_1405 : i32 to index
        %parallel_loop3A_1417 = tpu.vector_load %arg12[%parallel_loop3A_1414, %parallel_loop3A_1415, %parallel_loop3A_1416] {strides = array<i32>} : memref<4x32x128xf32, #tpu.memory_space<vmem>>, vector<16xf32>,
        tpu.vector_store %arg12[%parallel_loop3A_1414, %parallel_loop3A_1415, %parallel_loop3A_1416], %parallel_loop3A_1412 {strides = array<i32>} : memref<4x32x128xf32, #tpu.memory_space<vmem>>, vector<16xf32>,
        %parallel_loop3A_1418 = arith.constant 1 : i32
        %parallel_loop3A_1419 = vector.broadcast %parallel_loop3A_1418 : i32 to vector<16xi32>
        %parallel_loop3A_1420 = tpu.vector_load_idx %arg10[%parallel_loop3A_1419, %parallel_loop3A_1354, %parallel_loop3A_1357] : memref<4x32x128xf32, #tpu.memory_space<vmem>>[vector<16xi32>, vector<16xi32>, vector<16xi32>], vector<16xf32>,
        %parallel_loop3A_1421 = tpu.vector_load_idx %arg10[%parallel_loop3A_1419, %parallel_loop3A_1360, %parallel_loop3A_1363] : memref<4x32x128xf32, #tpu.memory_space<vmem>>[vector<16xi32>, vector<16xi32>, vector<16xi32>], vector<16xf32>,
        %parallel_loop3A_1422 = arith.subf %parallel_loop3A_1421, %parallel_loop3A_1420 : vector<16xf32>
        %parallel_loop3A_1423 = arith.mulf %parallel_loop3A_1345, %parallel_loop3A_1422 : vector<16xf32>
        %parallel_loop3A_1424 = arith.addf %parallel_loop3A_1420, %parallel_loop3A_1423 : vector<16xf32>
        %parallel_loop3A_1425 = arith.constant 1 : i32
        %parallel_loop3A_1426 = arith.index_cast %parallel_loop3A_1425 : i32 to index
        %parallel_loop3A_1427 = arith.index_cast %parallel_loop3A_1387 : i32 to index
        %parallel_loop3A_1428 = arith.index_cast %parallel_loop3A_1405 : i32 to index
        %parallel_loop3A_1429 = tpu.vector_load %arg12[%parallel_loop3A_1426, %parallel_loop3A_1427, %parallel_loop3A_1428] {strides = array<i32>} : memref<4x32x128xf32, #tpu.memory_space<vmem>>, vector<16xf32>,
        tpu.vector_store %arg12[%parallel_loop3A_1426, %parallel_loop3A_1427, %parallel_loop3A_1428], %parallel_loop3A_1424 {strides = array<i32>} : memref<4x32x128xf32, #tpu.memory_space<vmem>>, vector<16xf32>,
        %parallel_loop3A_1430 = arith.constant 2 : i32
        %parallel_loop3A_1431 = vector.broadcast %parallel_loop3A_1430 : i32 to vector<16xi32>
        %parallel_loop3A_1432 = tpu.vector_load_idx %arg10[%parallel_loop3A_1431, %parallel_loop3A_1354, %parallel_loop3A_1357] : memref<4x32x128xf32, #tpu.memory_space<vmem>>[vector<16xi32>, vector<16xi32>, vector<16xi32>], vector<16xf32>,
        %parallel_loop3A_1433 = tpu.vector_load_idx %arg10[%parallel_loop3A_1431, %parallel_loop3A_1360, %parallel_loop3A_1363] : memref<4x32x128xf32, #tpu.memory_space<vmem>>[vector<16xi32>, vector<16xi32>, vector<16xi32>], vector<16xf32>,
        %parallel_loop3A_1434 = arith.subf %parallel_loop3A_1433, %parallel_loop3A_1432 : vector<16xf32>
        %parallel_loop3A_1435 = arith.mulf %parallel_loop3A_1345, %parallel_loop3A_1434 : vector<16xf32>
        %parallel_loop3A_1436 = arith.addf %parallel_loop3A_1432, %parallel_loop3A_1435 : vector<16xf32>
        %parallel_loop3A_1437 = arith.constant 2 : i32
        %parallel_loop3A_1438 = arith.index_cast %parallel_loop3A_1437 : i32 to index
        %parallel_loop3A_1439 = arith.index_cast %parallel_loop3A_1387 : i32 to index
        %parallel_loop3A_1440 = arith.index_cast %parallel_loop3A_1405 : i32 to index
        %parallel_loop3A_1441 = tpu.vector_load %arg12[%parallel_loop3A_1438, %parallel_loop3A_1439, %parallel_loop3A_1440] {strides = array<i32>} : memref<4x32x128xf32, #tpu.memory_space<vmem>>, vector<16xf32>,
        tpu.vector_store %arg12[%parallel_loop3A_1438, %parallel_loop3A_1439, %parallel_loop3A_1440], %parallel_loop3A_1436 {strides = array<i32>} : memref<4x32x128xf32, #tpu.memory_space<vmem>>, vector<16xf32>,
        %parallel_loop3A_1442 = arith.constant 3 : i32
        %parallel_loop3A_1443 = vector.broadcast %parallel_loop3A_1442 : i32 to vector<16xi32>
        %parallel_loop3A_1444 = tpu.vector_load_idx %arg10[%parallel_loop3A_1443, %parallel_loop3A_1354, %parallel_loop3A_1357] : memref<4x32x128xf32, #tpu.memory_space<vmem>>[vector<16xi32>, vector<16xi32>, vector<16xi32>], vector<16xf32>,
        %parallel_loop3A_1445 = tpu.vector_load_idx %arg10[%parallel_loop3A_1443, %parallel_loop3A_1360, %parallel_loop3A_1363] : memref<4x32x128xf32, #tpu.memory_space<vmem>>[vector<16xi32>, vector<16xi32>, vector<16xi32>], vector<16xf32>,
        %parallel_loop3A_1446 = arith.subf %parallel_loop3A_1445, %parallel_loop3A_1444 : vector<16xf32>
        %parallel_loop3A_1447 = arith.mulf %parallel_loop3A_1345, %parallel_loop3A_1446 : vector<16xf32>
        %parallel_loop3A_1448 = arith.addf %parallel_loop3A_1444, %parallel_loop3A_1447 : vector<16xf32>
        %parallel_loop3A_1449 = arith.constant 3 : i32
        %parallel_loop3A_1450 = arith.index_cast %parallel_loop3A_1449 : i32 to index
        %parallel_loop3A_1451 = arith.index_cast %parallel_loop3A_1387 : i32 to index
        %parallel_loop3A_1452 = arith.index_cast %parallel_loop3A_1405 : i32 to index
        %parallel_loop3A_1453 = tpu.vector_load %arg12[%parallel_loop3A_1450, %parallel_loop3A_1451, %parallel_loop3A_1452] {strides = array<i32>} : memref<4x32x128xf32, #tpu.memory_space<vmem>>, vector<16xf32>,
        tpu.vector_store %arg12[%parallel_loop3A_1450, %parallel_loop3A_1451, %parallel_loop3A_1452], %parallel_loop3A_1448 {strides = array<i32>} : memref<4x32x128xf32, #tpu.memory_space<vmem>>, vector<16xf32>,
      } {sc.loop_unroll_factor = 4 : i64, sc.parallel_access}
      %mul3A_1093 = arith.constant 4 : i32
      %mul3A_1094 = arith.muli %add3A_1008, %mul3A_1093 : i32
      %add3A_1095 = arith.addi %add3A_35, %mul3A_1094 : i32
      %add3A_1096 = arith.constant 0 : i32
      %add3A_1097 = arith.addi %add3A_1095, %add3A_1096 : i32
      %jit3A_1098 = arith.constant 8 : i32
      %div3A_1099 = arith.divsi %add3A_1097, %jit3A_1098 : i32
      %sign3A_1100 = arith.constant 0 : i32
      %sign3A_1101 = arith.cmpi sgt, %add3A_1097, %sign3A_1100 : i32
      %sign3A_1102 = arith.extui %sign3A_1101 : i1 to i32
      %sign3A_1103 = arith.constant 0 : i32
      %sign3A_1104 = arith.cmpi slt, %add3A_1097, %sign3A_1103 : i32
      %sign3A_1105 = arith.extui %sign3A_1104 : i1 to i32
      %sign3A_1106 = arith.subi %sign3A_1102, %sign3A_1105 : i32
      %sign3A_1107 = arith.constant 0 : i32
      %sign3A_1108 = arith.cmpi sgt, %jit3A_1098, %sign3A_1107 : i32
      %sign3A_1109 = arith.extui %sign3A_1108 : i1 to i32
      %sign3A_1110 = arith.constant 0 : i32
      %sign3A_1111 = arith.cmpi slt, %jit3A_1098, %sign3A_1110 : i32
      %sign3A_1112 = arith.extui %sign3A_1111 : i1 to i32
      %sign3A_1113 = arith.subi %sign3A_1109, %sign3A_1112 : i32
      %ne3A_1114 = arith.cmpi ne, %sign3A_1106, %sign3A_1113 : i32
      %rem3A_1115 = arith.remsi %add3A_1097, %jit3A_1098 : i32
      %ne3A_1116 = arith.constant 0 : i32
      %ne3A_1117 = arith.cmpi ne, %rem3A_1115, %ne3A_1116 : i32
      %and3A_1118 = arith.andi %ne3A_1114, %ne3A_1117 : i1
      %sub3A_1119 = arith.constant 1 : i32
      %sub3A_1120 = arith.subi %div3A_1099, %sub3A_1119 : i32
      %select_n3A_1121 = arith.select %and3A_1118, %sub3A_1120, %div3A_1099 : i32
      %jit3A_1122 = arith.constant 8 : i32
      %eq3A_1123 = arith.constant 0 : i32
      %eq3A_1124 = arith.cmpi eq, %jit3A_1122, %eq3A_1123 : i32
      %jit3A_1125 = arith.constant 1 : i32
      %select_n3A_1126 = arith.select %eq3A_1124, %jit3A_1125, %jit3A_1122 : i32
      %rem3A_1127 = arith.remsi %add3A_1097, %select_n3A_1126 : i32
      %ne3A_1128 = arith.constant 0 : i32
      %ne3A_1129 = arith.cmpi ne, %rem3A_1127, %ne3A_1128 : i32
      %lt3A_1130 = arith.constant 0 : i32
      %lt3A_1131 = arith.cmpi slt, %rem3A_1127, %lt3A_1130 : i32
      %lt3A_1132 = arith.constant 0 : i32
      %lt3A_1133 = arith.cmpi slt, %select_n3A_1126, %lt3A_1132 : i32
      %ne3A_1134 = arith.xori %lt3A_1131, %lt3A_1133 : i1
      %and3A_1135 = arith.andi %ne3A_1134, %ne3A_1129 : i1
      %add3A_1136 = arith.addi %rem3A_1127, %select_n3A_1126 : i32
      %select_n3A_1137 = arith.select %and3A_1135, %add3A_1136, %rem3A_1127 : i32
      %dma_start3A_1138 = arith.constant 0 : i32
      %dma_start3A_1139 = arith.constant 0 : i32
      %dma_start3A_1140 = arith.constant 0 : i32
      %dma_start3A_1141 = tpu.memref_slice %arg12[%dma_start3A_1138, %dma_start3A_1139, %dma_start3A_1140] : memref<4x32x128xf32, #tpu.memory_space<vmem>> -> memref<1x32x128xf32, #tpu.memory_space<vmem>>
      %dma_start3A_1142 = tpu.memref_squeeze %dma_start3A_1141 : memref<1x32x128xf32, #tpu.memory_space<vmem>> -> memref<32x128xf32, #tpu.memory_space<vmem>>
      %dma_start3A_1143 = arith.constant 0 : i32
      %dma_start3A_1144 = arith.constant 0 : i32
      %dma_start3A_1145 = tpu.memref_slice %arg6[%select_n3A_1121, %dma_start3A_1143, %select_n3A_1137, %dma_start3A_1144] : memref<256x32x8x128xf32, #tpu.memory_space<hbm>> -> memref<1x32x1x128xf32, #tpu.memory_space<hbm>>
      %dma_start3A_1146 = tpu.memref_squeeze %dma_start3A_1145 : memref<1x32x1x128xf32, #tpu.memory_space<hbm>> -> memref<32x128xf32, #tpu.memory_space<hbm>>
      %dma_start3A_1147 = arith.constant 0 : i32
      %dma_start3A_1148 = arith.constant 0 : i32
      %dma_start3A_1149 = tpu.memref_slice %arg6[%select_n3A_1121, %dma_start3A_1147, %select_n3A_1137, %dma_start3A_1148] : memref<256x32x8x128xf32, #tpu.memory_space<hbm>> -> memref<1x32x1x128xf32, #tpu.memory_space<hbm>>
      %dma_start3A_1150 = tpu.memref_squeeze %dma_start3A_1149 : memref<1x32x1x128xf32, #tpu.memory_space<hbm>> -> memref<32x128xf32, #tpu.memory_space<hbm>>
      %dma_start3A_1151 = arith.constant 0 : i32
      %dma_start3A_1152 = arith.constant 0 : i32
      %dma_start3A_1153 = tpu.memref_slice %arg12[%dma_start3A_1138, %dma_start3A_1151, %dma_start3A_1152] : memref<4x32x128xf32, #tpu.memory_space<vmem>> -> memref<1x32x128xf32, #tpu.memory_space<vmem>>
      %dma_start3A_1154 = tpu.memref_squeeze %dma_start3A_1153 : memref<1x32x128xf32, #tpu.memory_space<vmem>> -> memref<32x128xf32, #tpu.memory_space<vmem>>
      tpu.enqueue_dma source(%dma_start3A_1154 : memref<32x128xf32, #tpu.memory_space<vmem>>) target(%dma_start3A_1150 : memref<32x128xf32, #tpu.memory_space<hbm>>) target_semaphore(%arg19 : memref<!tpu.dma_semaphore, #tpu.memory_space<semaphore_mem>>)
      %add3A_1155 = arith.constant 1 : i32
      %add3A_1156 = arith.addi %add3A_1095, %add3A_1155 : i32
      %jit3A_1157 = arith.constant 8 : i32
      %div3A_1158 = arith.divsi %add3A_1156, %jit3A_1157 : i32
      %sign3A_1159 = arith.constant 0 : i32
      %sign3A_1160 = arith.cmpi sgt, %add3A_1156, %sign3A_1159 : i32
      %sign3A_1161 = arith.extui %sign3A_1160 : i1 to i32
      %sign3A_1162 = arith.constant 0 : i32
      %sign3A_1163 = arith.cmpi slt, %add3A_1156, %sign3A_1162 : i32
      %sign3A_1164 = arith.extui %sign3A_1163 : i1 to i32
      %sign3A_1165 = arith.subi %sign3A_1161, %sign3A_1164 : i32
      %sign3A_1166 = arith.constant 0 : i32
      %sign3A_1167 = arith.cmpi sgt, %jit3A_1157, %sign3A_1166 : i32
      %sign3A_1168 = arith.extui %sign3A_1167 : i1 to i32
      %sign3A_1169 = arith.constant 0 : i32
      %sign3A_1170 = arith.cmpi slt, %jit3A_1157, %sign3A_1169 : i32
      %sign3A_1171 = arith.extui %sign3A_1170 : i1 to i32
      %sign3A_1172 = arith.subi %sign3A_1168, %sign3A_1171 : i32
      %ne3A_1173 = arith.cmpi ne, %sign3A_1165, %sign3A_1172 : i32
      %rem3A_1174 = arith.remsi %add3A_1156, %jit3A_1157 : i32
      %ne3A_1175 = arith.constant 0 : i32
      %ne3A_1176 = arith.cmpi ne, %rem3A_1174, %ne3A_1175 : i32
      %and3A_1177 = arith.andi %ne3A_1173, %ne3A_1176 : i1
      %sub3A_1178 = arith.constant 1 : i32
      %sub3A_1179 = arith.subi %div3A_1158, %sub3A_1178 : i32
      %select_n3A_1180 = arith.select %and3A_1177, %sub3A_1179, %div3A_1158 : i32
      %jit3A_1181 = arith.constant 8 : i32
      %eq3A_1182 = arith.constant 0 : i32
      %eq3A_1183 = arith.cmpi eq, %jit3A_1181, %eq3A_1182 : i32
      %jit3A_1184 = arith.constant 1 : i32
      %select_n3A_1185 = arith.select %eq3A_1183, %jit3A_1184, %jit3A_1181 : i32
      %rem3A_1186 = arith.remsi %add3A_1156, %select_n3A_1185 : i32
      %ne3A_1187 = arith.constant 0 : i32
      %ne3A_1188 = arith.cmpi ne, %rem3A_1186, %ne3A_1187 : i32
      %lt3A_1189 = arith.constant 0 : i32
      %lt3A_1190 = arith.cmpi slt, %rem3A_1186, %lt3A_1189 : i32
      %lt3A_1191 = arith.constant 0 : i32
      %lt3A_1192 = arith.cmpi slt, %select_n3A_1185, %lt3A_1191 : i32
      %ne3A_1193 = arith.xori %lt3A_1190, %lt3A_1192 : i1
      %and3A_1194 = arith.andi %ne3A_1193, %ne3A_1188 : i1
      %add3A_1195 = arith.addi %rem3A_1186, %select_n3A_1185 : i32
      %select_n3A_1196 = arith.select %and3A_1194, %add3A_1195, %rem3A_1186 : i32
      %dma_start3A_1197 = arith.constant 1 : i32
      %dma_start3A_1198 = arith.constant 0 : i32
      %dma_start3A_1199 = arith.constant 0 : i32
      %dma_start3A_1200 = tpu.memref_slice %arg12[%dma_start3A_1197, %dma_start3A_1198, %dma_start3A_1199] : memref<4x32x128xf32, #tpu.memory_space<vmem>> -> memref<1x32x128xf32, #tpu.memory_space<vmem>>
      %dma_start3A_1201 = tpu.memref_squeeze %dma_start3A_1200 : memref<1x32x128xf32, #tpu.memory_space<vmem>> -> memref<32x128xf32, #tpu.memory_space<vmem>>
      %dma_start3A_1202 = arith.constant 0 : i32
      %dma_start3A_1203 = arith.constant 0 : i32
      %dma_start3A_1204 = tpu.memref_slice %arg6[%select_n3A_1180, %dma_start3A_1202, %select_n3A_1196, %dma_start3A_1203] : memref<256x32x8x128xf32, #tpu.memory_space<hbm>> -> memref<1x32x1x128xf32, #tpu.memory_space<hbm>>
      %dma_start3A_1205 = tpu.memref_squeeze %dma_start3A_1204 : memref<1x32x1x128xf32, #tpu.memory_space<hbm>> -> memref<32x128xf32, #tpu.memory_space<hbm>>
      %dma_start3A_1206 = arith.constant 0 : i32
      %dma_start3A_1207 = arith.constant 0 : i32
      %dma_start3A_1208 = tpu.memref_slice %arg6[%select_n3A_1180, %dma_start3A_1206, %select_n3A_1196, %dma_start3A_1207] : memref<256x32x8x128xf32, #tpu.memory_space<hbm>> -> memref<1x32x1x128xf32, #tpu.memory_space<hbm>>
      %dma_start3A_1209 = tpu.memref_squeeze %dma_start3A_1208 : memref<1x32x1x128xf32, #tpu.memory_space<hbm>> -> memref<32x128xf32, #tpu.memory_space<hbm>>
      %dma_start3A_1210 = arith.constant 0 : i32
      %dma_start3A_1211 = arith.constant 0 : i32
      %dma_start3A_1212 = tpu.memref_slice %arg12[%dma_start3A_1197, %dma_start3A_1210, %dma_start3A_1211] : memref<4x32x128xf32, #tpu.memory_space<vmem>> -> memref<1x32x128xf32, #tpu.memory_space<vmem>>
      %dma_start3A_1213 = tpu.memref_squeeze %dma_start3A_1212 : memref<1x32x128xf32, #tpu.memory_space<vmem>> -> memref<32x128xf32, #tpu.memory_space<vmem>>
      tpu.enqueue_dma source(%dma_start3A_1213 : memref<32x128xf32, #tpu.memory_space<vmem>>) target(%dma_start3A_1209 : memref<32x128xf32, #tpu.memory_space<hbm>>) target_semaphore(%arg19 : memref<!tpu.dma_semaphore, #tpu.memory_space<semaphore_mem>>)
      %add3A_1214 = arith.constant 2 : i32
      %add3A_1215 = arith.addi %add3A_1095, %add3A_1214 : i32
      %jit3A_1216 = arith.constant 8 : i32
      %div3A_1217 = arith.divsi %add3A_1215, %jit3A_1216 : i32
      %sign3A_1218 = arith.constant 0 : i32
      %sign3A_1219 = arith.cmpi sgt, %add3A_1215, %sign3A_1218 : i32
      %sign3A_1220 = arith.extui %sign3A_1219 : i1 to i32
      %sign3A_1221 = arith.constant 0 : i32
      %sign3A_1222 = arith.cmpi slt, %add3A_1215, %sign3A_1221 : i32
      %sign3A_1223 = arith.extui %sign3A_1222 : i1 to i32
      %sign3A_1224 = arith.subi %sign3A_1220, %sign3A_1223 : i32
      %sign3A_1225 = arith.constant 0 : i32
      %sign3A_1226 = arith.cmpi sgt, %jit3A_1216, %sign3A_1225 : i32
      %sign3A_1227 = arith.extui %sign3A_1226 : i1 to i32
      %sign3A_1228 = arith.constant 0 : i32
      %sign3A_1229 = arith.cmpi slt, %jit3A_1216, %sign3A_1228 : i32
      %sign3A_1230 = arith.extui %sign3A_1229 : i1 to i32
      %sign3A_1231 = arith.subi %sign3A_1227, %sign3A_1230 : i32
      %ne3A_1232 = arith.cmpi ne, %sign3A_1224, %sign3A_1231 : i32
      %rem3A_1233 = arith.remsi %add3A_1215, %jit3A_1216 : i32
      %ne3A_1234 = arith.constant 0 : i32
      %ne3A_1235 = arith.cmpi ne, %rem3A_1233, %ne3A_1234 : i32
      %and3A_1236 = arith.andi %ne3A_1232, %ne3A_1235 : i1
      %sub3A_1237 = arith.constant 1 : i32
      %sub3A_1238 = arith.subi %div3A_1217, %sub3A_1237 : i32
      %select_n3A_1239 = arith.select %and3A_1236, %sub3A_1238, %div3A_1217 : i32
      %jit3A_1240 = arith.constant 8 : i32
      %eq3A_1241 = arith.constant 0 : i32
      %eq3A_1242 = arith.cmpi eq, %jit3A_1240, %eq3A_1241 : i32
      %jit3A_1243 = arith.constant 1 : i32
      %select_n3A_1244 = arith.select %eq3A_1242, %jit3A_1243, %jit3A_1240 : i32
      %rem3A_1245 = arith.remsi %add3A_1215, %select_n3A_1244 : i32
      %ne3A_1246 = arith.constant 0 : i32
      %ne3A_1247 = arith.cmpi ne, %rem3A_1245, %ne3A_1246 : i32
      %lt3A_1248 = arith.constant 0 : i32
      %lt3A_1249 = arith.cmpi slt, %rem3A_1245, %lt3A_1248 : i32
      %lt3A_1250 = arith.constant 0 : i32
      %lt3A_1251 = arith.cmpi slt, %select_n3A_1244, %lt3A_1250 : i32
      %ne3A_1252 = arith.xori %lt3A_1249, %lt3A_1251 : i1
      %and3A_1253 = arith.andi %ne3A_1252, %ne3A_1247 : i1
      %add3A_1254 = arith.addi %rem3A_1245, %select_n3A_1244 : i32
      %select_n3A_1255 = arith.select %and3A_1253, %add3A_1254, %rem3A_1245 : i32
      %dma_start3A_1256 = arith.constant 2 : i32
      %dma_start3A_1257 = arith.constant 0 : i32
      %dma_start3A_1258 = arith.constant 0 : i32
      %dma_start3A_1259 = tpu.memref_slice %arg12[%dma_start3A_1256, %dma_start3A_1257, %dma_start3A_1258] : memref<4x32x128xf32, #tpu.memory_space<vmem>> -> memref<1x32x128xf32, #tpu.memory_space<vmem>>
      %dma_start3A_1260 = tpu.memref_squeeze %dma_start3A_1259 : memref<1x32x128xf32, #tpu.memory_space<vmem>> -> memref<32x128xf32, #tpu.memory_space<vmem>>
      %dma_start3A_1261 = arith.constant 0 : i32
      %dma_start3A_1262 = arith.constant 0 : i32
      %dma_start3A_1263 = tpu.memref_slice %arg6[%select_n3A_1239, %dma_start3A_1261, %select_n3A_1255, %dma_start3A_1262] : memref<256x32x8x128xf32, #tpu.memory_space<hbm>> -> memref<1x32x1x128xf32, #tpu.memory_space<hbm>>
      %dma_start3A_1264 = tpu.memref_squeeze %dma_start3A_1263 : memref<1x32x1x128xf32, #tpu.memory_space<hbm>> -> memref<32x128xf32, #tpu.memory_space<hbm>>
      %dma_start3A_1265 = arith.constant 0 : i32
      %dma_start3A_1266 = arith.constant 0 : i32
      %dma_start3A_1267 = tpu.memref_slice %arg6[%select_n3A_1239, %dma_start3A_1265, %select_n3A_1255, %dma_start3A_1266] : memref<256x32x8x128xf32, #tpu.memory_space<hbm>> -> memref<1x32x1x128xf32, #tpu.memory_space<hbm>>
      %dma_start3A_1268 = tpu.memref_squeeze %dma_start3A_1267 : memref<1x32x1x128xf32, #tpu.memory_space<hbm>> -> memref<32x128xf32, #tpu.memory_space<hbm>>
      %dma_start3A_1269 = arith.constant 0 : i32
      %dma_start3A_1270 = arith.constant 0 : i32
      %dma_start3A_1271 = tpu.memref_slice %arg12[%dma_start3A_1256, %dma_start3A_1269, %dma_start3A_1270] : memref<4x32x128xf32, #tpu.memory_space<vmem>> -> memref<1x32x128xf32, #tpu.memory_space<vmem>>
      %dma_start3A_1272 = tpu.memref_squeeze %dma_start3A_1271 : memref<1x32x128xf32, #tpu.memory_space<vmem>> -> memref<32x128xf32, #tpu.memory_space<vmem>>
      tpu.enqueue_dma source(%dma_start3A_1272 : memref<32x128xf32, #tpu.memory_space<vmem>>) target(%dma_start3A_1268 : memref<32x128xf32, #tpu.memory_space<hbm>>) target_semaphore(%arg19 : memref<!tpu.dma_semaphore, #tpu.memory_space<semaphore_mem>>)
      %add3A_1273 = arith.constant 3 : i32
      %add3A_1274 = arith.addi %add3A_1095, %add3A_1273 : i32
      %jit3A_1275 = arith.constant 8 : i32
      %div3A_1276 = arith.divsi %add3A_1274, %jit3A_1275 : i32
      %sign3A_1277 = arith.constant 0 : i32
      %sign3A_1278 = arith.cmpi sgt, %add3A_1274, %sign3A_1277 : i32
      %sign3A_1279 = arith.extui %sign3A_1278 : i1 to i32
      %sign3A_1280 = arith.constant 0 : i32
      %sign3A_1281 = arith.cmpi slt, %add3A_1274, %sign3A_1280 : i32
      %sign3A_1282 = arith.extui %sign3A_1281 : i1 to i32
      %sign3A_1283 = arith.subi %sign3A_1279, %sign3A_1282 : i32
      %sign3A_1284 = arith.constant 0 : i32
      %sign3A_1285 = arith.cmpi sgt, %jit3A_1275, %sign3A_1284 : i32
      %sign3A_1286 = arith.extui %sign3A_1285 : i1 to i32
      %sign3A_1287 = arith.constant 0 : i32
      %sign3A_1288 = arith.cmpi slt, %jit3A_1275, %sign3A_1287 : i32
      %sign3A_1289 = arith.extui %sign3A_1288 : i1 to i32
      %sign3A_1290 = arith.subi %sign3A_1286, %sign3A_1289 : i32
      %ne3A_1291 = arith.cmpi ne, %sign3A_1283, %sign3A_1290 : i32
      %rem3A_1292 = arith.remsi %add3A_1274, %jit3A_1275 : i32
      %ne3A_1293 = arith.constant 0 : i32
      %ne3A_1294 = arith.cmpi ne, %rem3A_1292, %ne3A_1293 : i32
      %and3A_1295 = arith.andi %ne3A_1291, %ne3A_1294 : i1
      %sub3A_1296 = arith.constant 1 : i32
      %sub3A_1297 = arith.subi %div3A_1276, %sub3A_1296 : i32
      %select_n3A_1298 = arith.select %and3A_1295, %sub3A_1297, %div3A_1276 : i32
      %jit3A_1299 = arith.constant 8 : i32
      %eq3A_1300 = arith.constant 0 : i32
      %eq3A_1301 = arith.cmpi eq, %jit3A_1299, %eq3A_1300 : i32
      %jit3A_1302 = arith.constant 1 : i32
      %select_n3A_1303 = arith.select %eq3A_1301, %jit3A_1302, %jit3A_1299 : i32
      %rem3A_1304 = arith.remsi %add3A_1274, %select_n3A_1303 : i32
      %ne3A_1305 = arith.constant 0 : i32
      %ne3A_1306 = arith.cmpi ne, %rem3A_1304, %ne3A_1305 : i32
      %lt3A_1307 = arith.constant 0 : i32
      %lt3A_1308 = arith.cmpi slt, %rem3A_1304, %lt3A_1307 : i32
      %lt3A_1309 = arith.constant 0 : i32
      %lt3A_1310 = arith.cmpi slt, %select_n3A_1303, %lt3A_1309 : i32
      %ne3A_1311 = arith.xori %lt3A_1308, %lt3A_1310 : i1
      %and3A_1312 = arith.andi %ne3A_1311, %ne3A_1306 : i1
      %add3A_1313 = arith.addi %rem3A_1304, %select_n3A_1303 : i32
      %select_n3A_1314 = arith.select %and3A_1312, %add3A_1313, %rem3A_1304 : i32
      %dma_start3A_1315 = arith.constant 3 : i32
      %dma_start3A_1316 = arith.constant 0 : i32
      %dma_start3A_1317 = arith.constant 0 : i32
      %dma_start3A_1318 = tpu.memref_slice %arg12[%dma_start3A_1315, %dma_start3A_1316, %dma_start3A_1317] : memref<4x32x128xf32, #tpu.memory_space<vmem>> -> memref<1x32x128xf32, #tpu.memory_space<vmem>>
      %dma_start3A_1319 = tpu.memref_squeeze %dma_start3A_1318 : memref<1x32x128xf32, #tpu.memory_space<vmem>> -> memref<32x128xf32, #tpu.memory_space<vmem>>
      %dma_start3A_1320 = arith.constant 0 : i32
      %dma_start3A_1321 = arith.constant 0 : i32
      %dma_start3A_1322 = tpu.memref_slice %arg6[%select_n3A_1298, %dma_start3A_1320, %select_n3A_1314, %dma_start3A_1321] : memref<256x32x8x128xf32, #tpu.memory_space<hbm>> -> memref<1x32x1x128xf32, #tpu.memory_space<hbm>>
      %dma_start3A_1323 = tpu.memref_squeeze %dma_start3A_1322 : memref<1x32x1x128xf32, #tpu.memory_space<hbm>> -> memref<32x128xf32, #tpu.memory_space<hbm>>
      %dma_start3A_1324 = arith.constant 0 : i32
      %dma_start3A_1325 = arith.constant 0 : i32
      %dma_start3A_1326 = tpu.memref_slice %arg6[%select_n3A_1298, %dma_start3A_1324, %select_n3A_1314, %dma_start3A_1325] : memref<256x32x8x128xf32, #tpu.memory_space<hbm>> -> memref<1x32x1x128xf32, #tpu.memory_space<hbm>>
      %dma_start3A_1327 = tpu.memref_squeeze %dma_start3A_1326 : memref<1x32x1x128xf32, #tpu.memory_space<hbm>> -> memref<32x128xf32, #tpu.memory_space<hbm>>
      %dma_start3A_1328 = arith.constant 0 : i32
      %dma_start3A_1329 = arith.constant 0 : i32
      %dma_start3A_1330 = tpu.memref_slice %arg12[%dma_start3A_1315, %dma_start3A_1328, %dma_start3A_1329] : memref<4x32x128xf32, #tpu.memory_space<vmem>> -> memref<1x32x128xf32, #tpu.memory_space<vmem>>
      %dma_start3A_1331 = tpu.memref_squeeze %dma_start3A_1330 : memref<1x32x128xf32, #tpu.memory_space<vmem>> -> memref<32x128xf32, #tpu.memory_space<vmem>>
      tpu.enqueue_dma source(%dma_start3A_1331 : memref<32x128xf32, #tpu.memory_space<vmem>>) target(%dma_start3A_1327 : memref<32x128xf32, #tpu.memory_space<hbm>>) target_semaphore(%arg19 : memref<!tpu.dma_semaphore, #tpu.memory_space<semaphore_mem>>)
      %lt3A_1332 = arith.constant 7 : i32
      %lt3A_1333 = arith.cmpi slt, %scan3A_673, %lt3A_1332 : i32
      %convert_element_type3A_1334 = arith.extui %lt3A_1333 : i1 to i32
      %cond3A_1335 = arith.constant 0 : i32
      %cond3A_1336 = arith.cmpi ne, %convert_element_type3A_1334, %cond3A_1335 : i32
      scf.if %cond3A_1336 {
        %add3A_1338 = arith.constant 2 : i32
        %add3A_1339 = arith.addi %add3A_1008, %add3A_1338 : i32
        %mul3A_1340 = arith.constant 4 : i32
        %mul3A_1341 = arith.muli %add3A_1339, %mul3A_1340 : i32
        %add3A_1342 = arith.addi %add3A_35, %mul3A_1341 : i32
        %add3A_1343 = arith.constant 0 : i32
        %add3A_1344 = arith.addi %add3A_1342, %add3A_1343 : i32
        %jit3A_1345 = arith.constant 8 : i32
        %div3A_1346 = arith.divsi %add3A_1344, %jit3A_1345 : i32
        %sign3A_1347 = arith.constant 0 : i32
        %sign3A_1348 = arith.cmpi sgt, %add3A_1344, %sign3A_1347 : i32
        %sign3A_1349 = arith.extui %sign3A_1348 : i1 to i32
        %sign3A_1350 = arith.constant 0 : i32
        %sign3A_1351 = arith.cmpi slt, %add3A_1344, %sign3A_1350 : i32
        %sign3A_1352 = arith.extui %sign3A_1351 : i1 to i32
        %sign3A_1353 = arith.subi %sign3A_1349, %sign3A_1352 : i32
        %sign3A_1354 = arith.constant 0 : i32
        %sign3A_1355 = arith.cmpi sgt, %jit3A_1345, %sign3A_1354 : i32
        %sign3A_1356 = arith.extui %sign3A_1355 : i1 to i32
        %sign3A_1357 = arith.constant 0 : i32
        %sign3A_1358 = arith.cmpi slt, %jit3A_1345, %sign3A_1357 : i32
        %sign3A_1359 = arith.extui %sign3A_1358 : i1 to i32
        %sign3A_1360 = arith.subi %sign3A_1356, %sign3A_1359 : i32
        %ne3A_1361 = arith.cmpi ne, %sign3A_1353, %sign3A_1360 : i32
        %rem3A_1362 = arith.remsi %add3A_1344, %jit3A_1345 : i32
        %ne3A_1363 = arith.constant 0 : i32
        %ne3A_1364 = arith.cmpi ne, %rem3A_1362, %ne3A_1363 : i32
        %and3A_1365 = arith.andi %ne3A_1361, %ne3A_1364 : i1
        %sub3A_1366 = arith.constant 1 : i32
        %sub3A_1367 = arith.subi %div3A_1346, %sub3A_1366 : i32
        %select_n3A_1368 = arith.select %and3A_1365, %sub3A_1367, %div3A_1346 : i32
        %jit3A_1369 = arith.constant 8 : i32
        %eq3A_1370 = arith.constant 0 : i32
        %eq3A_1371 = arith.cmpi eq, %jit3A_1369, %eq3A_1370 : i32
        %jit3A_1372 = arith.constant 1 : i32
        %select_n3A_1373 = arith.select %eq3A_1371, %jit3A_1372, %jit3A_1369 : i32
        %rem3A_1374 = arith.remsi %add3A_1344, %select_n3A_1373 : i32
        %ne3A_1375 = arith.constant 0 : i32
        %ne3A_1376 = arith.cmpi ne, %rem3A_1374, %ne3A_1375 : i32
        %lt3A_1377 = arith.constant 0 : i32
        %lt3A_1378 = arith.cmpi slt, %rem3A_1374, %lt3A_1377 : i32
        %lt3A_1379 = arith.constant 0 : i32
        %lt3A_1380 = arith.cmpi slt, %select_n3A_1373, %lt3A_1379 : i32
        %ne3A_1381 = arith.xori %lt3A_1378, %lt3A_1380 : i1
        %and3A_1382 = arith.andi %ne3A_1381, %ne3A_1376 : i1
        %add3A_1383 = arith.addi %rem3A_1374, %select_n3A_1373 : i32
        %select_n3A_1384 = arith.select %and3A_1382, %add3A_1383, %rem3A_1374 : i32
        %dma_start3A_1385 = arith.constant 0 : i32
        %dma_start3A_1386 = arith.constant 0 : i32
        %dma_start3A_1387 = arith.constant 0 : i32
        %dma_start3A_1388 = tpu.memref_slice %arg10[%dma_start3A_1385, %dma_start3A_1386, %dma_start3A_1387] : memref<4x32x128xf32, #tpu.memory_space<vmem>> -> memref<1x32x128xf32, #tpu.memory_space<vmem>>
        %dma_start3A_1389 = tpu.memref_squeeze %dma_start3A_1388 : memref<1x32x128xf32, #tpu.memory_space<vmem>> -> memref<32x128xf32, #tpu.memory_space<vmem>>
        %dma_start3A_1390 = arith.constant 0 : i32
        %dma_start3A_1391 = arith.constant 0 : i32
        %dma_start3A_1392 = tpu.memref_slice %arg2[%select_n3A_1368, %dma_start3A_1390, %select_n3A_1384, %dma_start3A_1391] : memref<256x32x8x128xf32, #tpu.memory_space<hbm>> -> memref<1x32x1x128xf32, #tpu.memory_space<hbm>>
        %dma_start3A_1393 = tpu.memref_squeeze %dma_start3A_1392 : memref<1x32x1x128xf32, #tpu.memory_space<hbm>> -> memref<32x128xf32, #tpu.memory_space<hbm>>
        %dma_start3A_1394 = arith.constant 0 : i32
        %dma_start3A_1395 = arith.constant 0 : i32
        %dma_start3A_1396 = tpu.memref_slice %arg10[%dma_start3A_1385, %dma_start3A_1394, %dma_start3A_1395] : memref<4x32x128xf32, #tpu.memory_space<vmem>> -> memref<1x32x128xf32, #tpu.memory_space<vmem>>
        %dma_start3A_1397 = tpu.memref_squeeze %dma_start3A_1396 : memref<1x32x128xf32, #tpu.memory_space<vmem>> -> memref<32x128xf32, #tpu.memory_space<vmem>>
        %dma_start3A_1398 = arith.constant 0 : i32
        %dma_start3A_1399 = arith.constant 0 : i32
        %dma_start3A_1400 = tpu.memref_slice %arg2[%select_n3A_1368, %dma_start3A_1398, %select_n3A_1384, %dma_start3A_1399] : memref<256x32x8x128xf32, #tpu.memory_space<hbm>> -> memref<1x32x1x128xf32, #tpu.memory_space<hbm>>
        %dma_start3A_1401 = tpu.memref_squeeze %dma_start3A_1400 : memref<1x32x1x128xf32, #tpu.memory_space<hbm>> -> memref<32x128xf32, #tpu.memory_space<hbm>>
        tpu.enqueue_dma source(%dma_start3A_1401 : memref<32x128xf32, #tpu.memory_space<hbm>>) target(%dma_start3A_1397 : memref<32x128xf32, #tpu.memory_space<vmem>>) target_semaphore(%arg17 : memref<!tpu.dma_semaphore, #tpu.memory_space<semaphore_mem>>)
        %add3A_1402 = arith.constant 1 : i32
        %add3A_1403 = arith.addi %add3A_1342, %add3A_1402 : i32
        %jit3A_1404 = arith.constant 8 : i32
        %div3A_1405 = arith.divsi %add3A_1403, %jit3A_1404 : i32
        %sign3A_1406 = arith.constant 0 : i32
        %sign3A_1407 = arith.cmpi sgt, %add3A_1403, %sign3A_1406 : i32
        %sign3A_1408 = arith.extui %sign3A_1407 : i1 to i32
        %sign3A_1409 = arith.constant 0 : i32
        %sign3A_1410 = arith.cmpi slt, %add3A_1403, %sign3A_1409 : i32
        %sign3A_1411 = arith.extui %sign3A_1410 : i1 to i32
        %sign3A_1412 = arith.subi %sign3A_1408, %sign3A_1411 : i32
        %sign3A_1413 = arith.constant 0 : i32
        %sign3A_1414 = arith.cmpi sgt, %jit3A_1404, %sign3A_1413 : i32
        %sign3A_1415 = arith.extui %sign3A_1414 : i1 to i32
        %sign3A_1416 = arith.constant 0 : i32
        %sign3A_1417 = arith.cmpi slt, %jit3A_1404, %sign3A_1416 : i32
        %sign3A_1418 = arith.extui %sign3A_1417 : i1 to i32
        %sign3A_1419 = arith.subi %sign3A_1415, %sign3A_1418 : i32
        %ne3A_1420 = arith.cmpi ne, %sign3A_1412, %sign3A_1419 : i32
        %rem3A_1421 = arith.remsi %add3A_1403, %jit3A_1404 : i32
        %ne3A_1422 = arith.constant 0 : i32
        %ne3A_1423 = arith.cmpi ne, %rem3A_1421, %ne3A_1422 : i32
        %and3A_1424 = arith.andi %ne3A_1420, %ne3A_1423 : i1
        %sub3A_1425 = arith.constant 1 : i32
        %sub3A_1426 = arith.subi %div3A_1405, %sub3A_1425 : i32
        %select_n3A_1427 = arith.select %and3A_1424, %sub3A_1426, %div3A_1405 : i32
        %jit3A_1428 = arith.constant 8 : i32
        %eq3A_1429 = arith.constant 0 : i32
        %eq3A_1430 = arith.cmpi eq, %jit3A_1428, %eq3A_1429 : i32
        %jit3A_1431 = arith.constant 1 : i32
        %select_n3A_1432 = arith.select %eq3A_1430, %jit3A_1431, %jit3A_1428 : i32
        %rem3A_1433 = arith.remsi %add3A_1403, %select_n3A_1432 : i32
        %ne3A_1434 = arith.constant 0 : i32
        %ne3A_1435 = arith.cmpi ne, %rem3A_1433, %ne3A_1434 : i32
        %lt3A_1436 = arith.constant 0 : i32
        %lt3A_1437 = arith.cmpi slt, %rem3A_1433, %lt3A_1436 : i32
        %lt3A_1438 = arith.constant 0 : i32
        %lt3A_1439 = arith.cmpi slt, %select_n3A_1432, %lt3A_1438 : i32
        %ne3A_1440 = arith.xori %lt3A_1437, %lt3A_1439 : i1
        %and3A_1441 = arith.andi %ne3A_1440, %ne3A_1435 : i1
        %add3A_1442 = arith.addi %rem3A_1433, %select_n3A_1432 : i32
        %select_n3A_1443 = arith.select %and3A_1441, %add3A_1442, %rem3A_1433 : i32
        %dma_start3A_1444 = arith.constant 1 : i32
        %dma_start3A_1445 = arith.constant 0 : i32
        %dma_start3A_1446 = arith.constant 0 : i32
        %dma_start3A_1447 = tpu.memref_slice %arg10[%dma_start3A_1444, %dma_start3A_1445, %dma_start3A_1446] : memref<4x32x128xf32, #tpu.memory_space<vmem>> -> memref<1x32x128xf32, #tpu.memory_space<vmem>>
        %dma_start3A_1448 = tpu.memref_squeeze %dma_start3A_1447 : memref<1x32x128xf32, #tpu.memory_space<vmem>> -> memref<32x128xf32, #tpu.memory_space<vmem>>
        %dma_start3A_1449 = arith.constant 0 : i32
        %dma_start3A_1450 = arith.constant 0 : i32
        %dma_start3A_1451 = tpu.memref_slice %arg2[%select_n3A_1427, %dma_start3A_1449, %select_n3A_1443, %dma_start3A_1450] : memref<256x32x8x128xf32, #tpu.memory_space<hbm>> -> memref<1x32x1x128xf32, #tpu.memory_space<hbm>>
        %dma_start3A_1452 = tpu.memref_squeeze %dma_start3A_1451 : memref<1x32x1x128xf32, #tpu.memory_space<hbm>> -> memref<32x128xf32, #tpu.memory_space<hbm>>
        %dma_start3A_1453 = arith.constant 0 : i32
        %dma_start3A_1454 = arith.constant 0 : i32
        %dma_start3A_1455 = tpu.memref_slice %arg10[%dma_start3A_1444, %dma_start3A_1453, %dma_start3A_1454] : memref<4x32x128xf32, #tpu.memory_space<vmem>> -> memref<1x32x128xf32, #tpu.memory_space<vmem>>
        %dma_start3A_1456 = tpu.memref_squeeze %dma_start3A_1455 : memref<1x32x128xf32, #tpu.memory_space<vmem>> -> memref<32x128xf32, #tpu.memory_space<vmem>>
        %dma_start3A_1457 = arith.constant 0 : i32
        %dma_start3A_1458 = arith.constant 0 : i32
        %dma_start3A_1459 = tpu.memref_slice %arg2[%select_n3A_1427, %dma_start3A_1457, %select_n3A_1443, %dma_start3A_1458] : memref<256x32x8x128xf32, #tpu.memory_space<hbm>> -> memref<1x32x1x128xf32, #tpu.memory_space<hbm>>
        %dma_start3A_1460 = tpu.memref_squeeze %dma_start3A_1459 : memref<1x32x1x128xf32, #tpu.memory_space<hbm>> -> memref<32x128xf32, #tpu.memory_space<hbm>>
        tpu.enqueue_dma source(%dma_start3A_1460 : memref<32x128xf32, #tpu.memory_space<hbm>>) target(%dma_start3A_1456 : memref<32x128xf32, #tpu.memory_space<vmem>>) target_semaphore(%arg17 : memref<!tpu.dma_semaphore, #tpu.memory_space<semaphore_mem>>)
        %add3A_1461 = arith.constant 2 : i32
        %add3A_1462 = arith.addi %add3A_1342, %add3A_1461 : i32
        %jit3A_1463 = arith.constant 8 : i32
        %div3A_1464 = arith.divsi %add3A_1462, %jit3A_1463 : i32
        %sign3A_1465 = arith.constant 0 : i32
        %sign3A_1466 = arith.cmpi sgt, %add3A_1462, %sign3A_1465 : i32
        %sign3A_1467 = arith.extui %sign3A_1466 : i1 to i32
        %sign3A_1468 = arith.constant 0 : i32
        %sign3A_1469 = arith.cmpi slt, %add3A_1462, %sign3A_1468 : i32
        %sign3A_1470 = arith.extui %sign3A_1469 : i1 to i32
        %sign3A_1471 = arith.subi %sign3A_1467, %sign3A_1470 : i32
        %sign3A_1472 = arith.constant 0 : i32
        %sign3A_1473 = arith.cmpi sgt, %jit3A_1463, %sign3A_1472 : i32
        %sign3A_1474 = arith.extui %sign3A_1473 : i1 to i32
        %sign3A_1475 = arith.constant 0 : i32
        %sign3A_1476 = arith.cmpi slt, %jit3A_1463, %sign3A_1475 : i32
        %sign3A_1477 = arith.extui %sign3A_1476 : i1 to i32
        %sign3A_1478 = arith.subi %sign3A_1474, %sign3A_1477 : i32
        %ne3A_1479 = arith.cmpi ne, %sign3A_1471, %sign3A_1478 : i32
        %rem3A_1480 = arith.remsi %add3A_1462, %jit3A_1463 : i32
        %ne3A_1481 = arith.constant 0 : i32
        %ne3A_1482 = arith.cmpi ne, %rem3A_1480, %ne3A_1481 : i32
        %and3A_1483 = arith.andi %ne3A_1479, %ne3A_1482 : i1
        %sub3A_1484 = arith.constant 1 : i32
        %sub3A_1485 = arith.subi %div3A_1464, %sub3A_1484 : i32
        %select_n3A_1486 = arith.select %and3A_1483, %sub3A_1485, %div3A_1464 : i32
        %jit3A_1487 = arith.constant 8 : i32
        %eq3A_1488 = arith.constant 0 : i32
        %eq3A_1489 = arith.cmpi eq, %jit3A_1487, %eq3A_1488 : i32
        %jit3A_1490 = arith.constant 1 : i32
        %select_n3A_1491 = arith.select %eq3A_1489, %jit3A_1490, %jit3A_1487 : i32
        %rem3A_1492 = arith.remsi %add3A_1462, %select_n3A_1491 : i32
        %ne3A_1493 = arith.constant 0 : i32
        %ne3A_1494 = arith.cmpi ne, %rem3A_1492, %ne3A_1493 : i32
        %lt3A_1495 = arith.constant 0 : i32
        %lt3A_1496 = arith.cmpi slt, %rem3A_1492, %lt3A_1495 : i32
        %lt3A_1497 = arith.constant 0 : i32
        %lt3A_1498 = arith.cmpi slt, %select_n3A_1491, %lt3A_1497 : i32
        %ne3A_1499 = arith.xori %lt3A_1496, %lt3A_1498 : i1
        %and3A_1500 = arith.andi %ne3A_1499, %ne3A_1494 : i1
        %add3A_1501 = arith.addi %rem3A_1492, %select_n3A_1491 : i32
        %select_n3A_1502 = arith.select %and3A_1500, %add3A_1501, %rem3A_1492 : i32
        %dma_start3A_1503 = arith.constant 2 : i32
        %dma_start3A_1504 = arith.constant 0 : i32
        %dma_start3A_1505 = arith.constant 0 : i32
        %dma_start3A_1506 = tpu.memref_slice %arg10[%dma_start3A_1503, %dma_start3A_1504, %dma_start3A_1505] : memref<4x32x128xf32, #tpu.memory_space<vmem>> -> memref<1x32x128xf32, #tpu.memory_space<vmem>>
        %dma_start3A_1507 = tpu.memref_squeeze %dma_start3A_1506 : memref<1x32x128xf32, #tpu.memory_space<vmem>> -> memref<32x128xf32, #tpu.memory_space<vmem>>
        %dma_start3A_1508 = arith.constant 0 : i32
        %dma_start3A_1509 = arith.constant 0 : i32
        %dma_start3A_1510 = tpu.memref_slice %arg2[%select_n3A_1486, %dma_start3A_1508, %select_n3A_1502, %dma_start3A_1509] : memref<256x32x8x128xf32, #tpu.memory_space<hbm>> -> memref<1x32x1x128xf32, #tpu.memory_space<hbm>>
        %dma_start3A_1511 = tpu.memref_squeeze %dma_start3A_1510 : memref<1x32x1x128xf32, #tpu.memory_space<hbm>> -> memref<32x128xf32, #tpu.memory_space<hbm>>
        %dma_start3A_1512 = arith.constant 0 : i32
        %dma_start3A_1513 = arith.constant 0 : i32
        %dma_start3A_1514 = tpu.memref_slice %arg10[%dma_start3A_1503, %dma_start3A_1512, %dma_start3A_1513] : memref<4x32x128xf32, #tpu.memory_space<vmem>> -> memref<1x32x128xf32, #tpu.memory_space<vmem>>
        %dma_start3A_1515 = tpu.memref_squeeze %dma_start3A_1514 : memref<1x32x128xf32, #tpu.memory_space<vmem>> -> memref<32x128xf32, #tpu.memory_space<vmem>>
        %dma_start3A_1516 = arith.constant 0 : i32
        %dma_start3A_1517 = arith.constant 0 : i32
        %dma_start3A_1518 = tpu.memref_slice %arg2[%select_n3A_1486, %dma_start3A_1516, %select_n3A_1502, %dma_start3A_1517] : memref<256x32x8x128xf32, #tpu.memory_space<hbm>> -> memref<1x32x1x128xf32, #tpu.memory_space<hbm>>
        %dma_start3A_1519 = tpu.memref_squeeze %dma_start3A_1518 : memref<1x32x1x128xf32, #tpu.memory_space<hbm>> -> memref<32x128xf32, #tpu.memory_space<hbm>>
        tpu.enqueue_dma source(%dma_start3A_1519 : memref<32x128xf32, #tpu.memory_space<hbm>>) target(%dma_start3A_1515 : memref<32x128xf32, #tpu.memory_space<vmem>>) target_semaphore(%arg17 : memref<!tpu.dma_semaphore, #tpu.memory_space<semaphore_mem>>)
        %add3A_1520 = arith.constant 3 : i32
        %add3A_1521 = arith.addi %add3A_1342, %add3A_1520 : i32
        %jit3A_1522 = arith.constant 8 : i32
        %div3A_1523 = arith.divsi %add3A_1521, %jit3A_1522 : i32
        %sign3A_1524 = arith.constant 0 : i32
        %sign3A_1525 = arith.cmpi sgt, %add3A_1521, %sign3A_1524 : i32
        %sign3A_1526 = arith.extui %sign3A_1525 : i1 to i32
        %sign3A_1527 = arith.constant 0 : i32
        %sign3A_1528 = arith.cmpi slt, %add3A_1521, %sign3A_1527 : i32
        %sign3A_1529 = arith.extui %sign3A_1528 : i1 to i32
        %sign3A_1530 = arith.subi %sign3A_1526, %sign3A_1529 : i32
        %sign3A_1531 = arith.constant 0 : i32
        %sign3A_1532 = arith.cmpi sgt, %jit3A_1522, %sign3A_1531 : i32
        %sign3A_1533 = arith.extui %sign3A_1532 : i1 to i32
        %sign3A_1534 = arith.constant 0 : i32
        %sign3A_1535 = arith.cmpi slt, %jit3A_1522, %sign3A_1534 : i32
        %sign3A_1536 = arith.extui %sign3A_1535 : i1 to i32
        %sign3A_1537 = arith.subi %sign3A_1533, %sign3A_1536 : i32
        %ne3A_1538 = arith.cmpi ne, %sign3A_1530, %sign3A_1537 : i32
        %rem3A_1539 = arith.remsi %add3A_1521, %jit3A_1522 : i32
        %ne3A_1540 = arith.constant 0 : i32
        %ne3A_1541 = arith.cmpi ne, %rem3A_1539, %ne3A_1540 : i32
        %and3A_1542 = arith.andi %ne3A_1538, %ne3A_1541 : i1
        %sub3A_1543 = arith.constant 1 : i32
        %sub3A_1544 = arith.subi %div3A_1523, %sub3A_1543 : i32
        %select_n3A_1545 = arith.select %and3A_1542, %sub3A_1544, %div3A_1523 : i32
        %jit3A_1546 = arith.constant 8 : i32
        %eq3A_1547 = arith.constant 0 : i32
        %eq3A_1548 = arith.cmpi eq, %jit3A_1546, %eq3A_1547 : i32
        %jit3A_1549 = arith.constant 1 : i32
        %select_n3A_1550 = arith.select %eq3A_1548, %jit3A_1549, %jit3A_1546 : i32
        %rem3A_1551 = arith.remsi %add3A_1521, %select_n3A_1550 : i32
        %ne3A_1552 = arith.constant 0 : i32
        %ne3A_1553 = arith.cmpi ne, %rem3A_1551, %ne3A_1552 : i32
        %lt3A_1554 = arith.constant 0 : i32
        %lt3A_1555 = arith.cmpi slt, %rem3A_1551, %lt3A_1554 : i32
        %lt3A_1556 = arith.constant 0 : i32
        %lt3A_1557 = arith.cmpi slt, %select_n3A_1550, %lt3A_1556 : i32
        %ne3A_1558 = arith.xori %lt3A_1555, %lt3A_1557 : i1
        %and3A_1559 = arith.andi %ne3A_1558, %ne3A_1553 : i1
        %add3A_1560 = arith.addi %rem3A_1551, %select_n3A_1550 : i32
        %select_n3A_1561 = arith.select %and3A_1559, %add3A_1560, %rem3A_1551 : i32
        %dma_start3A_1562 = arith.constant 3 : i32
        %dma_start3A_1563 = arith.constant 0 : i32
        %dma_start3A_1564 = arith.constant 0 : i32
        %dma_start3A_1565 = tpu.memref_slice %arg10[%dma_start3A_1562, %dma_start3A_1563, %dma_start3A_1564] : memref<4x32x128xf32, #tpu.memory_space<vmem>> -> memref<1x32x128xf32, #tpu.memory_space<vmem>>
        %dma_start3A_1566 = tpu.memref_squeeze %dma_start3A_1565 : memref<1x32x128xf32, #tpu.memory_space<vmem>> -> memref<32x128xf32, #tpu.memory_space<vmem>>
        %dma_start3A_1567 = arith.constant 0 : i32
        %dma_start3A_1568 = arith.constant 0 : i32
        %dma_start3A_1569 = tpu.memref_slice %arg2[%select_n3A_1545, %dma_start3A_1567, %select_n3A_1561, %dma_start3A_1568] : memref<256x32x8x128xf32, #tpu.memory_space<hbm>> -> memref<1x32x1x128xf32, #tpu.memory_space<hbm>>
        %dma_start3A_1570 = tpu.memref_squeeze %dma_start3A_1569 : memref<1x32x1x128xf32, #tpu.memory_space<hbm>> -> memref<32x128xf32, #tpu.memory_space<hbm>>
        %dma_start3A_1571 = arith.constant 0 : i32
        %dma_start3A_1572 = arith.constant 0 : i32
        %dma_start3A_1573 = tpu.memref_slice %arg10[%dma_start3A_1562, %dma_start3A_1571, %dma_start3A_1572] : memref<4x32x128xf32, #tpu.memory_space<vmem>> -> memref<1x32x128xf32, #tpu.memory_space<vmem>>
        %dma_start3A_1574 = tpu.memref_squeeze %dma_start3A_1573 : memref<1x32x128xf32, #tpu.memory_space<vmem>> -> memref<32x128xf32, #tpu.memory_space<vmem>>
        %dma_start3A_1575 = arith.constant 0 : i32
        %dma_start3A_1576 = arith.constant 0 : i32
        %dma_start3A_1577 = tpu.memref_slice %arg2[%select_n3A_1545, %dma_start3A_1575, %select_n3A_1561, %dma_start3A_1576] : memref<256x32x8x128xf32, #tpu.memory_space<hbm>> -> memref<1x32x1x128xf32, #tpu.memory_space<hbm>>
        %dma_start3A_1578 = tpu.memref_squeeze %dma_start3A_1577 : memref<1x32x1x128xf32, #tpu.memory_space<hbm>> -> memref<32x128xf32, #tpu.memory_space<hbm>>
        tpu.enqueue_dma source(%dma_start3A_1578 : memref<32x128xf32, #tpu.memory_space<hbm>>) target(%dma_start3A_1574 : memref<32x128xf32, #tpu.memory_space<vmem>>) target_semaphore(%arg17 : memref<!tpu.dma_semaphore, #tpu.memory_space<semaphore_mem>>)
      } else {
      }
      %scan3A_1337 = arith.constant 0 : i32
      scf.yield %scan3A_1337 : i32
    }
    %scan3A_521 = arith.constant 8 : i32
    %dma_wait3A = arith.constant 0 : i32
    %dma_wait3A_522 = arith.constant 0 : i32
    %dma_wait3A_523 = arith.constant 0 : i32
    %dma_wait3A_524 = arith.constant 0 : i32
    %dma_wait3A_525 = arith.constant 0 : i32
    %dma_wait3A_526 = tpu.memref_slice %arg11[%dma_wait3A, %dma_wait3A_524, %dma_wait3A_525] : memref<4x32x128xf32, #tpu.memory_space<vmem>> -> memref<1x32x128xf32, #tpu.memory_space<vmem>>
    %dma_wait3A_527 = tpu.memref_squeeze %dma_wait3A_526 : memref<1x32x128xf32, #tpu.memory_space<vmem>> -> memref<32x128xf32, #tpu.memory_space<vmem>>
    %dma_wait3A_528 = arith.constant 0 : i32
    %dma_wait3A_529 = arith.constant 0 : i32
    %dma_wait3A_530 = tpu.memref_slice %arg6[%dma_wait3A_522, %dma_wait3A_528, %dma_wait3A_523, %dma_wait3A_529] : memref<256x32x8x128xf32, #tpu.memory_space<hbm>> -> memref<1x32x1x128xf32, #tpu.memory_space<hbm>>
    %dma_wait3A_531 = tpu.memref_squeeze %dma_wait3A_530 : memref<1x32x1x128xf32, #tpu.memory_space<hbm>> -> memref<32x128xf32, #tpu.memory_space<hbm>>
    %dma_wait3A_532 = arith.constant 0 : i32
    %dma_wait3A_533 = arith.constant 0 : i32
    %dma_wait3A_534 = tpu.memref_slice %arg6[%dma_wait3A_522, %dma_wait3A_532, %dma_wait3A_523, %dma_wait3A_533] : memref<256x32x8x128xf32, #tpu.memory_space<hbm>> -> memref<1x32x1x128xf32, #tpu.memory_space<hbm>>
    %dma_wait3A_535 = tpu.memref_squeeze %dma_wait3A_534 : memref<1x32x1x128xf32, #tpu.memory_space<hbm>> -> memref<32x128xf32, #tpu.memory_space<hbm>>
    %dma_wait3A_536 = arith.constant 0 : i32
    %dma_wait3A_537 = arith.constant 0 : i32
    %dma_wait3A_538 = tpu.memref_slice %arg11[%dma_wait3A, %dma_wait3A_536, %dma_wait3A_537] : memref<4x32x128xf32, #tpu.memory_space<vmem>> -> memref<1x32x128xf32, #tpu.memory_space<vmem>>
    %dma_wait3A_539 = tpu.memref_squeeze %dma_wait3A_538 : memref<1x32x128xf32, #tpu.memory_space<vmem>> -> memref<32x128xf32, #tpu.memory_space<vmem>>
    tpu.wait_dma2 semaphore(%arg18 : memref<!tpu.dma_semaphore, #tpu.memory_space<semaphore_mem>>) src(%dma_wait3A_539 : memref<32x128xf32, #tpu.memory_space<vmem>>) dst(%dma_wait3A_535 : memref<32x128xf32, #tpu.memory_space<hbm>>)
    %dma_wait3A_540 = arith.constant 1 : i32
    %dma_wait3A_541 = arith.constant 0 : i32
    %dma_wait3A_542 = arith.constant 0 : i32
    %dma_wait3A_543 = arith.constant 0 : i32
    %dma_wait3A_544 = arith.constant 0 : i32
    %dma_wait3A_545 = tpu.memref_slice %arg11[%dma_wait3A_540, %dma_wait3A_543, %dma_wait3A_544] : memref<4x32x128xf32, #tpu.memory_space<vmem>> -> memref<1x32x128xf32, #tpu.memory_space<vmem>>
    %dma_wait3A_546 = tpu.memref_squeeze %dma_wait3A_545 : memref<1x32x128xf32, #tpu.memory_space<vmem>> -> memref<32x128xf32, #tpu.memory_space<vmem>>
    %dma_wait3A_547 = arith.constant 0 : i32
    %dma_wait3A_548 = arith.constant 0 : i32
    %dma_wait3A_549 = tpu.memref_slice %arg6[%dma_wait3A_541, %dma_wait3A_547, %dma_wait3A_542, %dma_wait3A_548] : memref<256x32x8x128xf32, #tpu.memory_space<hbm>> -> memref<1x32x1x128xf32, #tpu.memory_space<hbm>>
    %dma_wait3A_550 = tpu.memref_squeeze %dma_wait3A_549 : memref<1x32x1x128xf32, #tpu.memory_space<hbm>> -> memref<32x128xf32, #tpu.memory_space<hbm>>
    %dma_wait3A_551 = arith.constant 0 : i32
    %dma_wait3A_552 = arith.constant 0 : i32
    %dma_wait3A_553 = tpu.memref_slice %arg6[%dma_wait3A_541, %dma_wait3A_551, %dma_wait3A_542, %dma_wait3A_552] : memref<256x32x8x128xf32, #tpu.memory_space<hbm>> -> memref<1x32x1x128xf32, #tpu.memory_space<hbm>>
    %dma_wait3A_554 = tpu.memref_squeeze %dma_wait3A_553 : memref<1x32x1x128xf32, #tpu.memory_space<hbm>> -> memref<32x128xf32, #tpu.memory_space<hbm>>
    %dma_wait3A_555 = arith.constant 0 : i32
    %dma_wait3A_556 = arith.constant 0 : i32
    %dma_wait3A_557 = tpu.memref_slice %arg11[%dma_wait3A_540, %dma_wait3A_555, %dma_wait3A_556] : memref<4x32x128xf32, #tpu.memory_space<vmem>> -> memref<1x32x128xf32, #tpu.memory_space<vmem>>
    %dma_wait3A_558 = tpu.memref_squeeze %dma_wait3A_557 : memref<1x32x128xf32, #tpu.memory_space<vmem>> -> memref<32x128xf32, #tpu.memory_space<vmem>>
    tpu.wait_dma2 semaphore(%arg18 : memref<!tpu.dma_semaphore, #tpu.memory_space<semaphore_mem>>) src(%dma_wait3A_558 : memref<32x128xf32, #tpu.memory_space<vmem>>) dst(%dma_wait3A_554 : memref<32x128xf32, #tpu.memory_space<hbm>>)
    %dma_wait3A_559 = arith.constant 2 : i32
    %dma_wait3A_560 = arith.constant 0 : i32
    %dma_wait3A_561 = arith.constant 0 : i32
    %dma_wait3A_562 = arith.constant 0 : i32
    %dma_wait3A_563 = arith.constant 0 : i32
    %dma_wait3A_564 = tpu.memref_slice %arg11[%dma_wait3A_559, %dma_wait3A_562, %dma_wait3A_563] : memref<4x32x128xf32, #tpu.memory_space<vmem>> -> memref<1x32x128xf32, #tpu.memory_space<vmem>>
    %dma_wait3A_565 = tpu.memref_squeeze %dma_wait3A_564 : memref<1x32x128xf32, #tpu.memory_space<vmem>> -> memref<32x128xf32, #tpu.memory_space<vmem>>
    %dma_wait3A_566 = arith.constant 0 : i32
    %dma_wait3A_567 = arith.constant 0 : i32
    %dma_wait3A_568 = tpu.memref_slice %arg6[%dma_wait3A_560, %dma_wait3A_566, %dma_wait3A_561, %dma_wait3A_567] : memref<256x32x8x128xf32, #tpu.memory_space<hbm>> -> memref<1x32x1x128xf32, #tpu.memory_space<hbm>>
    %dma_wait3A_569 = tpu.memref_squeeze %dma_wait3A_568 : memref<1x32x1x128xf32, #tpu.memory_space<hbm>> -> memref<32x128xf32, #tpu.memory_space<hbm>>
    %dma_wait3A_570 = arith.constant 0 : i32
    %dma_wait3A_571 = arith.constant 0 : i32
    %dma_wait3A_572 = tpu.memref_slice %arg6[%dma_wait3A_560, %dma_wait3A_570, %dma_wait3A_561, %dma_wait3A_571] : memref<256x32x8x128xf32, #tpu.memory_space<hbm>> -> memref<1x32x1x128xf32, #tpu.memory_space<hbm>>
    %dma_wait3A_573 = tpu.memref_squeeze %dma_wait3A_572 : memref<1x32x1x128xf32, #tpu.memory_space<hbm>> -> memref<32x128xf32, #tpu.memory_space<hbm>>
    %dma_wait3A_574 = arith.constant 0 : i32
    %dma_wait3A_575 = arith.constant 0 : i32
    %dma_wait3A_576 = tpu.memref_slice %arg11[%dma_wait3A_559, %dma_wait3A_574, %dma_wait3A_575] : memref<4x32x128xf32, #tpu.memory_space<vmem>> -> memref<1x32x128xf32, #tpu.memory_space<vmem>>
    %dma_wait3A_577 = tpu.memref_squeeze %dma_wait3A_576 : memref<1x32x128xf32, #tpu.memory_space<vmem>> -> memref<32x128xf32, #tpu.memory_space<vmem>>
    tpu.wait_dma2 semaphore(%arg18 : memref<!tpu.dma_semaphore, #tpu.memory_space<semaphore_mem>>) src(%dma_wait3A_577 : memref<32x128xf32, #tpu.memory_space<vmem>>) dst(%dma_wait3A_573 : memref<32x128xf32, #tpu.memory_space<hbm>>)
    %dma_wait3A_578 = arith.constant 3 : i32
    %dma_wait3A_579 = arith.constant 0 : i32
    %dma_wait3A_580 = arith.constant 0 : i32
    %dma_wait3A_581 = arith.constant 0 : i32
    %dma_wait3A_582 = arith.constant 0 : i32
    %dma_wait3A_583 = tpu.memref_slice %arg11[%dma_wait3A_578, %dma_wait3A_581, %dma_wait3A_582] : memref<4x32x128xf32, #tpu.memory_space<vmem>> -> memref<1x32x128xf32, #tpu.memory_space<vmem>>
    %dma_wait3A_584 = tpu.memref_squeeze %dma_wait3A_583 : memref<1x32x128xf32, #tpu.memory_space<vmem>> -> memref<32x128xf32, #tpu.memory_space<vmem>>
    %dma_wait3A_585 = arith.constant 0 : i32
    %dma_wait3A_586 = arith.constant 0 : i32
    %dma_wait3A_587 = tpu.memref_slice %arg6[%dma_wait3A_579, %dma_wait3A_585, %dma_wait3A_580, %dma_wait3A_586] : memref<256x32x8x128xf32, #tpu.memory_space<hbm>> -> memref<1x32x1x128xf32, #tpu.memory_space<hbm>>
    %dma_wait3A_588 = tpu.memref_squeeze %dma_wait3A_587 : memref<1x32x1x128xf32, #tpu.memory_space<hbm>> -> memref<32x128xf32, #tpu.memory_space<hbm>>
    %dma_wait3A_589 = arith.constant 0 : i32
    %dma_wait3A_590 = arith.constant 0 : i32
    %dma_wait3A_591 = tpu.memref_slice %arg6[%dma_wait3A_579, %dma_wait3A_589, %dma_wait3A_580, %dma_wait3A_590] : memref<256x32x8x128xf32, #tpu.memory_space<hbm>> -> memref<1x32x1x128xf32, #tpu.memory_space<hbm>>
    %dma_wait3A_592 = tpu.memref_squeeze %dma_wait3A_591 : memref<1x32x1x128xf32, #tpu.memory_space<hbm>> -> memref<32x128xf32, #tpu.memory_space<hbm>>
    %dma_wait3A_593 = arith.constant 0 : i32
    %dma_wait3A_594 = arith.constant 0 : i32
    %dma_wait3A_595 = tpu.memref_slice %arg11[%dma_wait3A_578, %dma_wait3A_593, %dma_wait3A_594] : memref<4x32x128xf32, #tpu.memory_space<vmem>> -> memref<1x32x128xf32, #tpu.memory_space<vmem>>
    %dma_wait3A_596 = tpu.memref_squeeze %dma_wait3A_595 : memref<1x32x128xf32, #tpu.memory_space<vmem>> -> memref<32x128xf32, #tpu.memory_space<vmem>>
    tpu.wait_dma2 semaphore(%arg18 : memref<!tpu.dma_semaphore, #tpu.memory_space<semaphore_mem>>) src(%dma_wait3A_596 : memref<32x128xf32, #tpu.memory_space<vmem>>) dst(%dma_wait3A_592 : memref<32x128xf32, #tpu.memory_space<hbm>>)
    %dma_wait3A_597 = arith.constant 0 : i32
    %dma_wait3A_598 = arith.constant 0 : i32
    %dma_wait3A_599 = arith.constant 0 : i32
    %dma_wait3A_600 = arith.constant 0 : i32
    %dma_wait3A_601 = arith.constant 0 : i32
    %dma_wait3A_602 = tpu.memref_slice %arg12[%dma_wait3A_597, %dma_wait3A_600, %dma_wait3A_601] : memref<4x32x128xf32, #tpu.memory_space<vmem>> -> memref<1x32x128xf32, #tpu.memory_space<vmem>>
    %dma_wait3A_603 = tpu.memref_squeeze %dma_wait3A_602 : memref<1x32x128xf32, #tpu.memory_space<vmem>> -> memref<32x128xf32, #tpu.memory_space<vmem>>
    %dma_wait3A_604 = arith.constant 0 : i32
    %dma_wait3A_605 = arith.constant 0 : i32
    %dma_wait3A_606 = tpu.memref_slice %arg6[%dma_wait3A_598, %dma_wait3A_604, %dma_wait3A_599, %dma_wait3A_605] : memref<256x32x8x128xf32, #tpu.memory_space<hbm>> -> memref<1x32x1x128xf32, #tpu.memory_space<hbm>>
    %dma_wait3A_607 = tpu.memref_squeeze %dma_wait3A_606 : memref<1x32x1x128xf32, #tpu.memory_space<hbm>> -> memref<32x128xf32, #tpu.memory_space<hbm>>
    %dma_wait3A_608 = arith.constant 0 : i32
    %dma_wait3A_609 = arith.constant 0 : i32
    %dma_wait3A_610 = tpu.memref_slice %arg6[%dma_wait3A_598, %dma_wait3A_608, %dma_wait3A_599, %dma_wait3A_609] : memref<256x32x8x128xf32, #tpu.memory_space<hbm>> -> memref<1x32x1x128xf32, #tpu.memory_space<hbm>>
    %dma_wait3A_611 = tpu.memref_squeeze %dma_wait3A_610 : memref<1x32x1x128xf32, #tpu.memory_space<hbm>> -> memref<32x128xf32, #tpu.memory_space<hbm>>
    %dma_wait3A_612 = arith.constant 0 : i32
    %dma_wait3A_613 = arith.constant 0 : i32
    %dma_wait3A_614 = tpu.memref_slice %arg12[%dma_wait3A_597, %dma_wait3A_612, %dma_wait3A_613] : memref<4x32x128xf32, #tpu.memory_space<vmem>> -> memref<1x32x128xf32, #tpu.memory_space<vmem>>
    %dma_wait3A_615 = tpu.memref_squeeze %dma_wait3A_614 : memref<1x32x128xf32, #tpu.memory_space<vmem>> -> memref<32x128xf32, #tpu.memory_space<vmem>>
    tpu.wait_dma2 semaphore(%arg19 : memref<!tpu.dma_semaphore, #tpu.memory_space<semaphore_mem>>) src(%dma_wait3A_615 : memref<32x128xf32, #tpu.memory_space<vmem>>) dst(%dma_wait3A_611 : memref<32x128xf32, #tpu.memory_space<hbm>>)
    %dma_wait3A_616 = arith.constant 1 : i32
    %dma_wait3A_617 = arith.constant 0 : i32
    %dma_wait3A_618 = arith.constant 0 : i32
    %dma_wait3A_619 = arith.constant 0 : i32
    %dma_wait3A_620 = arith.constant 0 : i32
    %dma_wait3A_621 = tpu.memref_slice %arg12[%dma_wait3A_616, %dma_wait3A_619, %dma_wait3A_620] : memref<4x32x128xf32, #tpu.memory_space<vmem>> -> memref<1x32x128xf32, #tpu.memory_space<vmem>>
    %dma_wait3A_622 = tpu.memref_squeeze %dma_wait3A_621 : memref<1x32x128xf32, #tpu.memory_space<vmem>> -> memref<32x128xf32, #tpu.memory_space<vmem>>
    %dma_wait3A_623 = arith.constant 0 : i32
    %dma_wait3A_624 = arith.constant 0 : i32
    %dma_wait3A_625 = tpu.memref_slice %arg6[%dma_wait3A_617, %dma_wait3A_623, %dma_wait3A_618, %dma_wait3A_624] : memref<256x32x8x128xf32, #tpu.memory_space<hbm>> -> memref<1x32x1x128xf32, #tpu.memory_space<hbm>>
    %dma_wait3A_626 = tpu.memref_squeeze %dma_wait3A_625 : memref<1x32x1x128xf32, #tpu.memory_space<hbm>> -> memref<32x128xf32, #tpu.memory_space<hbm>>
    %dma_wait3A_627 = arith.constant 0 : i32
    %dma_wait3A_628 = arith.constant 0 : i32
    %dma_wait3A_629 = tpu.memref_slice %arg6[%dma_wait3A_617, %dma_wait3A_627, %dma_wait3A_618, %dma_wait3A_628] : memref<256x32x8x128xf32, #tpu.memory_space<hbm>> -> memref<1x32x1x128xf32, #tpu.memory_space<hbm>>
    %dma_wait3A_630 = tpu.memref_squeeze %dma_wait3A_629 : memref<1x32x1x128xf32, #tpu.memory_space<hbm>> -> memref<32x128xf32, #tpu.memory_space<hbm>>
    %dma_wait3A_631 = arith.constant 0 : i32
    %dma_wait3A_632 = arith.constant 0 : i32
    %dma_wait3A_633 = tpu.memref_slice %arg12[%dma_wait3A_616, %dma_wait3A_631, %dma_wait3A_632] : memref<4x32x128xf32, #tpu.memory_space<vmem>> -> memref<1x32x128xf32, #tpu.memory_space<vmem>>
    %dma_wait3A_634 = tpu.memref_squeeze %dma_wait3A_633 : memref<1x32x128xf32, #tpu.memory_space<vmem>> -> memref<32x128xf32, #tpu.memory_space<vmem>>
    tpu.wait_dma2 semaphore(%arg19 : memref<!tpu.dma_semaphore, #tpu.memory_space<semaphore_mem>>) src(%dma_wait3A_634 : memref<32x128xf32, #tpu.memory_space<vmem>>) dst(%dma_wait3A_630 : memref<32x128xf32, #tpu.memory_space<hbm>>)
    %dma_wait3A_635 = arith.constant 2 : i32
    %dma_wait3A_636 = arith.constant 0 : i32
    %dma_wait3A_637 = arith.constant 0 : i32
    %dma_wait3A_638 = arith.constant 0 : i32
    %dma_wait3A_639 = arith.constant 0 : i32
    %dma_wait3A_640 = tpu.memref_slice %arg12[%dma_wait3A_635, %dma_wait3A_638, %dma_wait3A_639] : memref<4x32x128xf32, #tpu.memory_space<vmem>> -> memref<1x32x128xf32, #tpu.memory_space<vmem>>
    %dma_wait3A_641 = tpu.memref_squeeze %dma_wait3A_640 : memref<1x32x128xf32, #tpu.memory_space<vmem>> -> memref<32x128xf32, #tpu.memory_space<vmem>>
    %dma_wait3A_642 = arith.constant 0 : i32
    %dma_wait3A_643 = arith.constant 0 : i32
    %dma_wait3A_644 = tpu.memref_slice %arg6[%dma_wait3A_636, %dma_wait3A_642, %dma_wait3A_637, %dma_wait3A_643] : memref<256x32x8x128xf32, #tpu.memory_space<hbm>> -> memref<1x32x1x128xf32, #tpu.memory_space<hbm>>
    %dma_wait3A_645 = tpu.memref_squeeze %dma_wait3A_644 : memref<1x32x1x128xf32, #tpu.memory_space<hbm>> -> memref<32x128xf32, #tpu.memory_space<hbm>>
    %dma_wait3A_646 = arith.constant 0 : i32
    %dma_wait3A_647 = arith.constant 0 : i32
    %dma_wait3A_648 = tpu.memref_slice %arg6[%dma_wait3A_636, %dma_wait3A_646, %dma_wait3A_637, %dma_wait3A_647] : memref<256x32x8x128xf32, #tpu.memory_space<hbm>> -> memref<1x32x1x128xf32, #tpu.memory_space<hbm>>
    %dma_wait3A_649 = tpu.memref_squeeze %dma_wait3A_648 : memref<1x32x1x128xf32, #tpu.memory_space<hbm>> -> memref<32x128xf32, #tpu.memory_space<hbm>>
    %dma_wait3A_650 = arith.constant 0 : i32
    %dma_wait3A_651 = arith.constant 0 : i32
    %dma_wait3A_652 = tpu.memref_slice %arg12[%dma_wait3A_635, %dma_wait3A_650, %dma_wait3A_651] : memref<4x32x128xf32, #tpu.memory_space<vmem>> -> memref<1x32x128xf32, #tpu.memory_space<vmem>>
    %dma_wait3A_653 = tpu.memref_squeeze %dma_wait3A_652 : memref<1x32x128xf32, #tpu.memory_space<vmem>> -> memref<32x128xf32, #tpu.memory_space<vmem>>
    tpu.wait_dma2 semaphore(%arg19 : memref<!tpu.dma_semaphore, #tpu.memory_space<semaphore_mem>>) src(%dma_wait3A_653 : memref<32x128xf32, #tpu.memory_space<vmem>>) dst(%dma_wait3A_649 : memref<32x128xf32, #tpu.memory_space<hbm>>)
    %dma_wait3A_654 = arith.constant 3 : i32
    %dma_wait3A_655 = arith.constant 0 : i32
    %dma_wait3A_656 = arith.constant 0 : i32
    %dma_wait3A_657 = arith.constant 0 : i32
    %dma_wait3A_658 = arith.constant 0 : i32
    %dma_wait3A_659 = tpu.memref_slice %arg12[%dma_wait3A_654, %dma_wait3A_657, %dma_wait3A_658] : memref<4x32x128xf32, #tpu.memory_space<vmem>> -> memref<1x32x128xf32, #tpu.memory_space<vmem>>
    %dma_wait3A_660 = tpu.memref_squeeze %dma_wait3A_659 : memref<1x32x128xf32, #tpu.memory_space<vmem>> -> memref<32x128xf32, #tpu.memory_space<vmem>>
    %dma_wait3A_661 = arith.constant 0 : i32
    %dma_wait3A_662 = arith.constant 0 : i32
    %dma_wait3A_663 = tpu.memref_slice %arg6[%dma_wait3A_655, %dma_wait3A_661, %dma_wait3A_656, %dma_wait3A_662] : memref<256x32x8x128xf32, #tpu.memory_space<hbm>> -> memref<1x32x1x128xf32, #tpu.memory_space<hbm>>
    %dma_wait3A_664 = tpu.memref_squeeze %dma_wait3A_663 : memref<1x32x1x128xf32, #tpu.memory_space<hbm>> -> memref<32x128xf32, #tpu.memory_space<hbm>>
    %dma_wait3A_665 = arith.constant 0 : i32
    %dma_wait3A_666 = arith.constant 0 : i32
    %dma_wait3A_667 = tpu.memref_slice %arg6[%dma_wait3A_655, %dma_wait3A_665, %dma_wait3A_656, %dma_wait3A_666] : memref<256x32x8x128xf32, #tpu.memory_space<hbm>> -> memref<1x32x1x128xf32, #tpu.memory_space<hbm>>
    %dma_wait3A_668 = tpu.memref_squeeze %dma_wait3A_667 : memref<1x32x1x128xf32, #tpu.memory_space<hbm>> -> memref<32x128xf32, #tpu.memory_space<hbm>>
    %dma_wait3A_669 = arith.constant 0 : i32
    %dma_wait3A_670 = arith.constant 0 : i32
    %dma_wait3A_671 = tpu.memref_slice %arg12[%dma_wait3A_654, %dma_wait3A_669, %dma_wait3A_670] : memref<4x32x128xf32, #tpu.memory_space<vmem>> -> memref<1x32x128xf32, #tpu.memory_space<vmem>>
    %dma_wait3A_672 = tpu.memref_squeeze %dma_wait3A_671 : memref<1x32x128xf32, #tpu.memory_space<vmem>> -> memref<32x128xf32, #tpu.memory_space<vmem>>
    tpu.wait_dma2 semaphore(%arg19 : memref<!tpu.dma_semaphore, #tpu.memory_space<semaphore_mem>>) src(%dma_wait3A_672 : memref<32x128xf32, #tpu.memory_space<vmem>>) dst(%dma_wait3A_668 : memref<32x128xf32, #tpu.memory_space<hbm>>)
    return
  }
}

</mosaic_0001>

<sc_bundles>
// kernel: kernel.3.cloned.1.call-start
scs
__scs_entry_jumppad:
0x0: {  	(pc) =	sbr.rel $0x88, $3  }
0x1: {  	(tag) =	ssettag $0x0;
	lr =	simm.s32 $0x1  }
0x2: {  	[smem:$0x3F9F] =	sst lr;
	_ =	strace $0xD0000000  }
0x3: {  	_ = 	snop  }
0x4: {  	_ = 	snop  }
0x5: {  	_ = 	snop  }
0x6: {  	_ = 	snop  }
0x7: {  	_ = 	snop  }
__scs_overlays_trampoline_lowered:
0x8: {  	[smem:$0x3FAE] =	sst s0  }
0x9: {  	[smem:$0x3FAF] =	sst s1  }
0xa: {  	[smem:$0x3FB0] =	sst s2  }
0xb: {  	[smem:$0x3FB1] =	sst s3  }
0xc: {  	[smem:$0x3FB2] =	sst s4  }
0xd: {  	[smem:$0x3FB3] =	sst s5  }
0xe: {  	[smem:$0x3FB4] =	sst s6  }
0xf: {  	[smem:$0x3FB5] =	sst s7  }
0x10: {  	[smem:$0x3FB6] =	sst s8  }
0x11: {  	[smem:$0x3FB7] =	sst s9;
	s0 =	simm.s32 @!p0 $0x0  }
0x12: {  	s1 =	sld [smem:$0x3F9D];
	s0 =	simm.s32 @p0 $0x1  }
0x13: {  	[smem:$0x3FB8] =	sst s0;
	s0 =	simm.s32 @!p1 $0x0  }
0x14: {  	s2 =	sld [smem:$0x3F9C];
	s0 =	simm.s32 @p1 $0x1  }
0x15: {  	[smem:$0x3FB9] =	sst s0;
	s0 =	simm.s32 @!p2 $0x0  }
0x16: {  	s3 =	sld [smem:$0x3FDB];
	s0 =	simm.s32 @p2 $0x1  }
0x17: {  	s4 =	simm.s32 $0x1BF5;
	[smem:$0x3FBB] =	sst s0  }
0x18: {  	s0 =	sld [smem:$0x3F9E];
	_ =	swait.ge [sflag:s4], $0x0  }
0x19: {  	s7 =	sld [smem:$0x3F9F]  }
0x1a: {  	s8 =	sadd.s32 $0xFFFFE003, lr  }
0x1b: {  	s9 =	sadd.s32 $0xFFFFFEF7, lr;
	s5 =	simm.s32 $0xFFFFFFFF;
	p2 =	slt.u32 s8, $0xFFFFF086  }
0x1c: {  	p1 =	slt.u32 s9, $0xF7A;
	s5 =	simm.s32 @!p2 $0x0  }
0x1d: {  	s5 =	simm.s32 @p1 $0x1;
	p0 =	seq.s32 s7, s2  }
0x1e: {  	s7 =	smul.u32 @!p0 $0xF7A, s2;
	p2 =	seq.s32 @!p0 s5, $0x0  }
0x1f: {  	s9 =	smul.u32 $0xF7A, s1;
	s8 =	simm.s32 @!p0 $0x1BF5;
	p2 =	por !p2, p0  }
0x20: {  	[sflag:s8] =	ssyncset.s32 @!p0 $0xFFFFF086;
	s6 =	sadd.s32 @!p0 s3, s7;
	s7 =	simm.s32 @!p0 $0x108  }
0x21: {  	s3 =	sadd.s32 s3, s9;
	s6 =	sadd.s32 @!p0 $0x88, s6;
	s7 =	simm.s32 @p2 $0x1082  }
0x22: {  	[simem:s7], [sflag:s8] =	dma.local @!p0 [hbm:s6], $0xF7A  }
0x23: {  	s9 =	sor.u32 $0xD0000000, s2;
	s6 =	simm.s32 $0x108;
	_ =	swait.ge @!p0 [sflag:s8], $0x0  }
0x24: {  	s3 =	sadd.s32 $0x88, s3;
	s6 =	simm.s32 @!p1 $0x1082;
	[sflag:s4] =	ssyncset.s32 $0xFFFFF086  }
0x25: {  	[simem:s6], [sflag:s4] =	dma.local [hbm:s3], $0xF7A  }
0x26: {  	[smem:$0x3F9F] =	sst s1;
	(tag) =	ssettag s2;
	_ =	strace s9  }
0x27: {  	s1 =	sld [smem:$0x3FAF]  }
0x28: {  	s2 =	sld [smem:$0x3FB0]  }
0x29: {  	s4 =	sld [smem:$0x3FB2]  }
0x2a: {  	p0 =	seq.s32 s5, $0x0;
	s5 =	sld [smem:$0x3FB3]  }
0x2b: {  	s6 =	sld [smem:$0x3FB4]  }
0x2c: {  	s7 =	sld [smem:$0x3FB5]  }
0x2d: {  	s3 =	simm.s32 $0x108;
	s8 =	sld [smem:$0x3FB6]  }
0x2e: {  	s3 =	simm.s32 @!p0 $0x1082;
	s9 =	sld [smem:$0x3FB7]  }
0x2f: {  	lr =	sadd.s32 s0, s3;
	s0 =	sld [smem:$0x3FAE]  }
0x30: {  	s3 =	sld [smem:$0x3FB1]  }
0x31: {  	[smem:$0x3FBA] =	sst s10  }
0x32: {  	s10 =	sld [smem:$0x3FB8];
	_ =	sdelay $0x3  }
0x33: {  	p0 =	seq.s32 s10, $0x1;
	s10 =	sld [smem:$0x3FBA];
	_ =	sdelay $0x3  }
0x34: {  	[smem:$0x3FBA] =	sst s10  }
0x35: {  	s10 =	sld [smem:$0x3FB9];
	_ =	sdelay $0x3  }
0x36: {  	p1 =	seq.s32 s10, $0x1;
	s10 =	sld [smem:$0x3FBA];
	_ =	sdelay $0x3  }
0x37: {  	[smem:$0x3FBA] =	sst s10  }
0x38: {  	s10 =	sld [smem:$0x3FBB]  }
0x39: {  	_ = 	snop;
	(pc) =	sbr.ind lr, $3  }
0x3a: {  	_ = 	snop  }
0x3b: {  	_ = 	snop  }
0x3c: {  	p2 =	seq.s32 s10, $0x1;
	s10 =	sld [smem:$0x3FBA]  }
0x3d: {  	_ =	shalt  }
0x3e: {  	_ =	shalt  }
0x3f: {  	_ =	shalt  }
0x40: {  	_ =	shalt  }
0x41: {  	_ =	shalt  }
0x42: {  	_ =	shalt  }
0x43: {  	_ =	shalt  }
0x44: {  	_ =	shalt  }
0x45: {  	_ =	shalt  }
0x46: {  	_ =	shalt  }
0x47: {  	_ =	shalt  }
0x48: {  	_ =	shalt  }
0x49: {  	_ =	shalt  }
0x4a: {  	_ =	shalt  }
0x4b: {  	_ =	shalt  }
0x4c: {  	_ =	shalt  }
0x4d: {  	_ =	shalt  }
0x4e: {  	_ =	shalt  }
0x4f: {  	_ =	shalt  }
0x50: {  	_ =	shalt  }
0x51: {  	_ =	shalt  }
0x52: {  	_ =	shalt  }
0x53: {  	_ =	shalt  }
0x54: {  	_ =	shalt  }
0x55: {  	_ =	shalt  }
0x56: {  	_ =	shalt  }
0x57: {  	_ =	shalt  }
0x58: {  	_ =	shalt  }
0x59: {  	_ =	shalt  }
0x5a: {  	_ =	shalt  }
0x5b: {  	_ =	shalt  }
0x5c: {  	_ =	shalt  }
0x5d: {  	_ =	shalt  }
0x5e: {  	_ =	shalt  }
0x5f: {  	_ =	shalt  }
0x60: {  	_ =	shalt  }
0x61: {  	_ =	shalt  }
0x62: {  	_ =	shalt  }
0x63: {  	_ =	shalt  }
0x64: {  	_ =	shalt  }
0x65: {  	_ =	shalt  }
0x66: {  	_ =	shalt  }
0x67: {  	_ =	shalt  }
0x68: {  	_ =	shalt  }
0x69: {  	_ =	shalt  }
0x6a: {  	_ =	shalt  }
0x6b: {  	_ =	shalt  }
0x6c: {  	_ =	shalt  }
0x6d: {  	_ =	shalt  }
0x6e: {  	_ =	shalt  }
0x6f: {  	_ =	shalt  }
0x70: {  	_ =	shalt  }
0x71: {  	_ =	shalt  }
0x72: {  	_ =	shalt  }
0x73: {  	_ =	shalt  }
0x74: {  	_ =	shalt  }
0x75: {  	_ =	shalt  }
0x76: {  	_ =	shalt  }
0x77: {  	_ =	shalt  }
0x78: {  	_ =	shalt  }
0x79: {  	_ =	shalt  }
0x7a: {  	_ =	shalt  }
0x7b: {  	_ =	shalt  }
0x7c: {  	_ =	shalt  }
0x7d: {  	_ =	shalt  }
0x7e: {  	_ =	shalt  }
0x7f: {  	_ =	shalt  }
0x80: {  	_ =	shalt  }
0x81: {  	_ =	shalt  }
0x82: {  	_ =	shalt  }
0x83: {  	_ =	shalt  }
0x84: {  	_ =	shalt  }
0x85: {  	_ =	shalt  }
0x86: {  	_ =	shalt  }
0x87: {  	_ =	shalt  }
.Lfunc_end0:
.L_simem_size_0:
called_computation_lowered:
.L_overlay_start_0:
0x88: {  	s2 =	sld [smem:$0x3FD9]  }
0x89: {  	s3 =	sld [smem:$0x3FFE];
	_ =	sdelay $0x1  }
0x8a: {  	s1 =	srdreg.scid  }
0x8b: {  	s0 =	sand.u32 $0x1, s1  }
0x8c: {  	s14 =	sshll.u32 s0, $0xA;
	s2 =	sadd.s32 s3, s2  }
0x8d: {  	s2 =	sadd.s32 s2, s14  }
0x8e: {  	[smem:$0x3FC6] =	sst s2  }
0x8f: {  	_ = 	snop  }
0x90: {  	s2 =	sld [smem:$0x3FD0];
	_ =	sdelay $0x1  }
0x91: {  	s15 =	sld [smem:$0x3FC9]  }
0x92: {  	s5 =	simm.s32 $0xA;
	s6 =	simm.s32 $0x10;
	s4 =	sld [smem:$0x3FC8]  }
0x93: {  	[smem:s6], [sflag:s5] =	dma.local [hbm:s2], $0x1  }
0x94: {  	_ =	swait.eq [sflag:s5], $0x1  }
0x95: {  	[sflag:s5] =	ssyncset.done $0x0  }
0x96: {  	s16 =	sld [smem:$0x10];
	[sflag:s5] =	ssyncadd.s32 $0xFFFFFFFF  }
0x97: {  	s17 =	sld [smem:$0x11];
	(tm) =	ssettm $0x1  }
0x98: {  	s18 =	sld [smem:$0x3FFB];
	_ =	sdelay $0x3  }
0x99: {  	_ =	strace s18  }
0x9a: {  	s6 =	sld [smem:$0x3FFC];
	_ =	sdelay $0x3  }
0x9b: {  	_ =	strace s6  }
0x9c: {  	s6 =	sld [smem:$0x3FFD];
	_ =	sdelay $0x3  }
0x9d: {  	_ =	strace s6  }
0x9e: {  	_ =	strace $0x8FFFFFFF  }
0x9f: {  	s19 =	sld [smem:$0x3FDB];
	_ =	sdelay $0x1  }
0xa0: {  	s7 =	simm.s32 $_scs_section_size  }
0xa1: {  	s8 =	simm.s32 $_size__tile_overlayer_lowered;
	s9 =	simm.s32 $_tile_overlayer_lowered  }
0xa2: {  	s22 =	simm.s32 $0x1BFF;
	s21 =	sshll.u32 s9, $0x1;
	s6 =	sadd.s32 s7, s19  }
0xa3: {  	s10 =	simm.s32 $0x0;
	s20 =	sshll.u32 s8, $0x1;
	s8 =	sadd.s32 s21, s6  }
0xa4: {  	[timem:s10], [sflag:s22] =	dma.local [hbm:s8], s20  }
0xa5: {  	_ =	swait.ge [sflag:s22], s20  }
0xa6: {  	s7 =	ssub.s32 $0x0, s20;
	[sflag:s22] =	ssyncset.done $0x0  }
0xa7: {  	[sflag:s22] =	ssyncadd.s32 s7;
	_ =	sdelay $0x1  }
0xa8: {  	s23 =	simm.s32 $0x1B8B  }
0xa9: {  	_ =	swait.ge [sflag:s23], $0x1  }
0xaa: {  	[sflag:s23] =	ssyncset.done $0x0  }
0xab: {  	s25 =	simm.s32 $0x1B8E;
	s24 =	sld [smem:$0x3FFE];
	[sflag:s23] =	ssyncadd.s32 $0xFFFFFFFF  }
0xac: {  	s26 =	simm.s32 $execute0_lowered;
	[smem:$0x3FD2] =	sst s25  }
0xad: {  	s8 =	sshll.u32 s26, $0x1;
	_ =	strace $0x80000046;
	[dreg:$0x1] =	wrdreg $0xFFFFFFFF  }
0xae: {  	s28 =	simm.s32 $_size_execute0_lowered;
	s6 =	sadd.s32 s6, s8;
	[dreg:$0x0] =	wrdreg $0x0  }
0xaf: {  	s8 =	sshll.u32 s28, $0x1;
	[dreg:$0x2] =	wrdreg s6  }
0xb0: {  	[dreg:$0x3] =	wrdreg s8  }
0xb1: {  	[dreg:$0x4] =	wrdreg $0xC0  }
0xb2: {  	_ =	task [dreg:s10], $0x5FFFF  }
0xb3: {  	[dreg:$0x1] =	wrdreg $0xFFFFFFFF  }
0xb4: {  	[dreg:$0x0] =	wrdreg $0x60  }
0xb5: {  	[dreg:$0x2] =	wrdreg s15  }
0xb6: {  	[dreg:$0x3] =	wrdreg s4  }
0xb7: {  	[dreg:$0x4] =	wrdreg s24  }
0xb8: {  	[dreg:$0x5] =	wrdreg s16  }
0xb9: {  	[dreg:$0x6] =	wrdreg s17  }
0xba: {  	[dreg:$0x7] =	wrdreg $0x9  }
0xbb: {  	_ =	task.clear_ibuf [dreg:s10], $0x8FFFF;
	_ =	strace $0x90000046  }
0xbc: {  	s29 =	simm.s32 $0x9;
	_ =	strace $0x80000048  }
0xbd: {  	_ =	swait.ge [sflag:s29], $0x1  }
0xbe: {  	[sflag:s29] =	ssyncadd.s32 $0xFFFFFFFF  }
0xbf: {  	_ =	strace $0x90000048  }
0xc0: {  	_ =	sfence  }
0xc1: {  	s30 =	sld [smem:$0x0];
	_ =	sdelay $0x2  }
0xc2: {  	s31 =	sshll.u32 s1, $0xD;
	s1 =	sshrl.u32 s1, $0x2  }
0xc3: {  	s3 =	sand.u32 $0x4000, s31;
	s1 =	sadd.s32 s1, s30  }
0xc4: {  	s0 =	sor.u32 s3, s0;
	s1 =	sshll.u32 s1, $0x11  }
0xc5: {  	s0 =	sor.u32 s1, s0  }
0xc6: {  	s0 =	sadd.s32 $0x8F2B, s0  }
0xc7: {  	[sflag:s0] =	ssyncadd.remote.s32 $0x1  }
0xc8: {  	_ =	sfence.sel $0xFFFF  }
0xc9: {  	[dreg:$0x0] =	wrdreg $0xFFFFFFFF;
	(pc) =	sbr.abs _section_cstart, $3  }
0xca: {  	[dreg:$0x1] =	wrdreg $0xFFFFFFFF  }
0xcb: {  	_ =	task.clear_ibuf [dreg:s10], $0x2FFFF;
	_ =	strace $0x9FFFFFFF  }
0xcc: {  	(tm) =	ssettm $0x7FFFFFFF  }
0xcd: {  	_ =	shalt  }
tec
execute0_lowered:
.L_overlay_start_1:
0x0: {  	(tag) =	ssettag $0x1  }
0x1: {  	s0 =	srdreg.scid;
	s8 =	rddreg [dreg:$0x0]  }
0x2: {  	s4 =	stileid.u32;
	s2 =	rddreg [dreg:$0x2]  }
0x3: {  	s9 =	rddreg [dreg:$0x3];
	s3 =	simm.s32 $0x1;
	s5 =	simm.s32 $0x0  }
0x4: {  	s12 =	simm.s32 $0xFFFFFFFF;
	s29 =	simm.s32 $0x1;
	s1 =	sand.u32 $0x1, s0  }
0x5: {  	[smem:$0x7FF] =	sst s5;
	s10 =	sadd.s32 $0x10, s8;
	s31 =	sadd.s32 $0x20, s8  }
0x6: {  	s11 =	sadd.s32 $0x30, s8;
	s14 =	sadd.s32 $0x40, s8;
	s15 =	sadd.s32 $0x50, s8  }
0x7: {  	s0 =	sor.u32 s1, s4;
	_ =	strace $0x80000047;
	[dreg:$0xb] =	wrdreg s10  }
0x8: {  	p1 =	seq.s32 s1, $0x1;
	[dreg:$0xd] =	wrdreg s31;
	p0 =	seq.s32 s0, $0x0  }
0x9: {  	s16 =	ssub.s32 $0x2, s1;
	[dreg:$0xe] =	wrdreg s11;
	p0 =	por !p0, !p1  }
0xa: {  	s7 =	sshll.u32 s1, $0x6;
	[dreg:$0x11] =	wrdreg s14;
	p0 =	por !p0, !p0  }
0xb: {  	[dreg:$0x12] =	wrdreg s15;
	s17 =	sshrl.u32 s16, $0x1;
	s3 =	simm.s32 @!p0 $0x0  }
0xc: {  	s1 =	ssub.s32 s16, s17;
	s17 =	sadd.s32 $0x60, s8;
	s3 =	ssub.s32 s4, s3  }
0xd: {  	[dreg:$0x15] =	wrdreg s17;
	s4 =	sshll.u32 s3, $0x9;
	s6 =	sshll.u32 s3, $0x7  }
0xe: {  	s18 =	sxor.u32 $0xFFFFFFFF, s3;
	s19 =	sshrl.u32 s3, $0x1D;
	s20 =	sshra.s32 s3, $0x18  }
0xf: {  	s4 =	sand.u32 $0x1FFFFE00, s4;
	s7 =	sor.u32 s7, s6;
	[dreg:$0x8] =	wrdreg s20  }
0x10: {  	s4 =	sadd.s32 s4, s2;
	s2 =	sadd.s32 $0x800, s2;
	s21 =	sshll.u32 s7, $0x9  }
0x11: {  	s5 =	sor.u32 s7, s19;
	s19 =	sadd.s32 $0x70, s8;
	[dreg:$0x7] =	wrdreg s7  }
0x12: {  	[dreg:$0x6] =	wrdreg s2;
	s2 =	sshrl.u32 s18, $0x1F;
	s22 =	sadd.s32 $0x1, s5  }
0x13: {  	s3 =	sand.u32 $0x1FFF8000, s21;
	s4 =	sadd.s32 $0xA00, s4;
	s24 =	sadd.s32 $0x2, s5  }
0x14: {  	s25 =	sadd.s32 $0x3, s5;
	s30 =	sadd.s32 $0x4, s5;
	[dreg:$0x17] =	wrdreg s19  }
0x15: {  	s13 =	sadd.s32 $0x6, s5;
	s21 =	sadd.s32 $0x10, s9;
	[dreg:$0x9] =	wrdreg s4  }
0x16: {  	s2 =	sadd.s32 s2, s20;
	s3 =	sadd.s32 s8, s3;
	[dreg:$0x1a] =	wrdreg s21  }
0x17: {  	s6 =	sshrl.u32 s22, $0x3;
	s20 =	smax.u32 s1, $0x1;
	[dreg:$0xa] =	wrdreg s3  }
0x18: {  	s4 =	sshrl.u32 s24, $0x3;
	s22 =	sadd.s32 $0x20, s9;
	[dreg:$0x19] =	wrdreg s20  }
0x19: {  	s28 =	sshrl.u32 s25, $0x3;
	s24 =	sor.u32 $0x8, s7;
	[dreg:$0x1b] =	wrdreg s22  }
0x1a: {  	s25 =	sadd.s32 $0x40, s9;
	s21 =	simm.s32 $0x5000;
	[dreg:$0x1d] =	wrdreg s24  }
0x1b: {  	p0 =	sne.s32 s2, $0x1;
	s2 =	simm.s32 $0x1;
	[dreg:$0x1e] =	wrdreg s25  }
0x1c: {  	s22 =	simm.s32 $0x2;
	s2 =	simm.s32 @!p0 $0x0;
	s12 =	simm.s32 @!p0 $0x0  }
0x1d: {  	p0 =	sne.s32 s0, $0x0;
	s23 =	ssub.s32 s6, s2;
	s4 =	ssub.s32 s4, s2  }
0x1e: {  	s6 =	sshrl.u32 s30, $0x3;
	s30 =	sadd.s32 $0x70, s9;
	s3 =	sshll.u32 s23, $0xC  }
0x1f: {  	s26 =	sshll.u32 s4, $0xC;
	s4 =	ssub.s32 s28, s2;
	s6 =	ssub.s32 s6, s2  }
0x20: {  	s23 =	sadd.s32 $0x30, s9;
	s28 =	sadd.s32 $0x60, s9;
	[smem:$0x7FC] =	sst s30  }
0x21: {  	s3 =	sand.u32 $0x1FFFF000, s3;
	s4 =	sshll.u32 s4, $0xC;
	[dreg:$0x1c] =	wrdreg s23  }
0x22: {  	[smem:$0x7FB] =	sst s28;
	s3 =	sadd.s32 s3, s10;
	s4 =	sand.u32 $0x1FFFF000, s4  }
0x23: {  	s10 =	sshll.u32 s6, $0xC;
	s6 =	sshrl.u32 s13, $0x3;
	[dreg:$0xc] =	wrdreg s3  }
0x24: {  	s3 =	sand.u32 $0x1FFFF000, s26;
	s4 =	sadd.s32 s4, s11;
	s11 =	sadd.s32 $0x5, s5  }
0x25: {  	s5 =	sadd.s32 $0x7, s5;
	s6 =	ssub.s32 s6, s2;
	s26 =	sadd.s32 $0x50, s9  }
0x26: {  	s3 =	sadd.s32 s3, s31;
	[dreg:$0x10] =	wrdreg s4;
	s4 =	sshrl.u32 s11, $0x3  }
0x27: {  	s5 =	sshrl.u32 s5, $0x3;
	s16 =	sshll.u32 s6, $0xC;
	[dreg:$0x1f] =	wrdreg s26  }
0x28: {  	s31 =	sor.u32 $0xC, s7;
	[dreg:$0xf] =	wrdreg s3;
	s4 =	ssub.s32 s4, s2  }
0x29: {  	s3 =	sand.u32 $0x1FFFF000, s10;
	s2 =	ssub.s32 s5, s2;
	s4 =	sshll.u32 s4, $0xC  }
0x2a: {  	[smem:$0x7FD] =	sst s31;
	s3 =	sadd.s32 s3, s14;
	s4 =	sand.u32 $0x1FFFF000, s4  }
.Ltmp0:
0x2b: {  	s2 =	sshll.u32 s2, $0xC;
	s0 =	sadd.s32 s4, s15;
	(pc) =	sbr.rel .LBB2_1-.Ltmp0, $4  }
0x2c: {  	s14 =	simm.s32 $0x80;
	[dreg:$0x14] =	wrdreg s0;
	s0 =	sand.u32 $0x1FFFF000, s16  }
0x2d: {  	[dreg:$0x13] =	wrdreg s3;
	s18 =	sand.u32 $0x1FFFF000, s2;
	s0 =	sadd.s32 s0, s17  }
0x2e: {  	s2 =	simm.s32 $0x0;
	[dreg:$0x16] =	wrdreg s0;
	s0 =	sadd.s32 s18, s19  }
0x2f: {  	s17 =	simm.s32 $0x400;
	s18 =	simm.s32 $0x1000;
	[dreg:$0x18] =	wrdreg s0  }
.LBB2_8:
0x30: {  	s0 =	simm.s32 $0x3  }
0x31: {  	_ =	swait.ge [sflag:s0], $0x1000  }
0x32: {  	[sflag:s0] =	ssyncset.done $0x0  }
0x33: {  	[sflag:s0] =	ssyncadd.s32 $0xFFFFF000  }
0x34: {  	_ =	swait.ge [sflag:s0], $0x1000  }
0x35: {  	[sflag:s0] =	ssyncset.done $0x0  }
0x36: {  	[sflag:s0] =	ssyncadd.s32 $0xFFFFF000  }
0x37: {  	_ =	swait.ge [sflag:s0], $0x1000  }
0x38: {  	[sflag:s0] =	ssyncset.done $0x0  }
0x39: {  	[sflag:s0] =	ssyncadd.s32 $0xFFFFF000  }
0x3a: {  	_ =	swait.ge [sflag:s0], $0x1000  }
0x3b: {  	[sflag:s0] =	ssyncset.done $0x0  }
0x3c: {  	s1 =	simm.s32 $0x4;
	[sflag:s0] =	ssyncadd.s32 $0xFFFFF000  }
0x3d: {  	_ =	swait.ge [sflag:s1], $0x1000  }
0x3e: {  	[sflag:s1] =	ssyncset.done $0x0  }
0x3f: {  	[sflag:s1] =	ssyncadd.s32 $0xFFFFF000  }
0x40: {  	_ =	swait.ge [sflag:s1], $0x1000  }
0x41: {  	[sflag:s1] =	ssyncset.done $0x0  }
0x42: {  	[sflag:s1] =	ssyncadd.s32 $0xFFFFF000  }
0x43: {  	_ =	swait.ge [sflag:s1], $0x1000  }
0x44: {  	[sflag:s1] =	ssyncset.done $0x0  }
0x45: {  	[sflag:s1] =	ssyncadd.s32 $0xFFFFF000  }
0x46: {  	_ =	swait.ge [sflag:s1], $0x1000  }
0x47: {  	s2 =	sld [smem:$0x7FA];
	_ =	sdelay $0x2  }
0x48: {  	s31 =	rddreg [dreg:$0x19];
	s2 =	sadd.s32 $0x1, s2  }
0x49: {  	p1 =	sne.s32 s2, s31  }
.Ltmp1:
0x4a: {  	_ = 	snop;
	(pc) =	sbr.rel @!p1 .LBB2_9-.Ltmp1, $3  }
0x4b: {  	_ =	sdelay $0x1  }
0x4c: {  	[sflag:s1] =	ssyncset.done $0x0  }
0x4d: {  	[sflag:s1] =	ssyncadd.s32 $0xFFFFF000  }
.LBB2_1:
0x4e: {  	[smem:$0x7FA] =	sst s2;
	s4 =	simm.s32 $0x0  }
0x4f: {  	s0 =	rddreg [dreg:$0x6];
	s1 =	simm.s32 $0x11080;
	s5 =	simm.s32 $0x5  }
0x50: {  	[tilespmem:s1], [sflag:$0x5] =	stream.linear.gather [hbm4b:s0+s4], $0x80, $0x38;
	[tilespmem:$0x11180] =	vst v63  }
0x51: {  	_ =	swait.ge [sflag:s5], $0x80  }
0x52: {  	[sflag:s5] =	ssyncset.done $0x0  }
0x53: {  	[sflag:s5] =	ssyncadd.s32 $0xFFFFFF80  }
0x54: {  	s0 =	simm.s32 @!p0 $0x0;
	s1 =	simm.s32 @!p0 $0x11000;
	s2 =	rddreg [dreg:$0x1]  }
0x55: {  	[tilespmem:s1], [sflag:$0x5] =	stream.linear.gather @!p0 [hbm4b:s2+s0], $0x80, $0x38;
	[tilespmem:$0x11180] =	vst v63  }
0x56: {  	s1 =	simm.s32 @!p0 $0x5  }
0x57: {  	_ =	swait.ge @!p0 [sflag:s1], $0x80  }
0x58: {  	[sflag:s1] =	ssyncset.done @!p0 $0x0  }
0x59: {  	[sflag:s1] =	ssyncadd.s32 @!p0 $0xFFFFFF80  }
0x5a: {  	v0 =	vld @!p0 [tilespmem:$0x11000];
	_ =	sdelay $0x1  }
0x5b: {  	v1 =	vld @!p0 [tilespmem:$0x11080];
	_ =	sdelay $0x2  }
0x5c: {  	v0 =	vcvt.s32.f32 @!p0 v0;
	_ =	sdelay $0x1  }
0x5d: {  	v0 =	vmul.f32 @!p0 v0, v1;
	_ =	sdelay $0x1  }
0x5e: {  	v0 =	vmin.f32 @!p0 v0, $4.096000000e+03  }
0x5f: {  	v0 =	vtrunc.f32 @!p0 v0  }
0x60: {  	v0 =	vcvt.f32.s32 @!p0 v0;
	_ =	sdelay $0x1  }
0x61: {  	s2 =	simm.s32 @!p0 $0x11100;
	s3 =	rddreg [dreg:$0x4];
	[tilespmem:$0x11100] =	vst @!p0 v0  }
0x62: {  	[hbm4b:s3+s0] =	stream.linear.scatter @!p0 [tilespmem:s2], [sflag:$0x5], $0x80, $0x38;
	[tilespmem:$0x11180] =	vst v63  }
0x63: {  	_ =	swait.ge @!p0 [sflag:s1], $0x80  }
0x64: {  	[sflag:s1] =	ssyncset.done @!p0 $0x0  }
0x65: {  	s9 =	rddreg [dreg:$0x9];
	[sflag:s1] =	ssyncadd.s32 @!p0 $0xFFFFFF80  }
0x66: {  	[tilespmem:s4], [sflag:$0x5] =	stream.linear.gather [hbm4b:s9+s4], $0x1000, $0x38;
	[tilespmem:$0x11180] =	vst v63  }
0x67: {  	_ =	swait.ge [sflag:s5], $0x1000  }
0x68: {  	[sflag:s5] =	ssyncset.done $0x0  }
0x69: {  	s10 =	rddreg [dreg:$0xa];
	[sflag:s5] =	ssyncadd.s32 $0xFFFFF000  }
0x6a: {  	[tilespmem:s18], [sflag:$0x1] =	stream.strided.gather [hbm4b:s10+s14], $0x1000, s17, s14, $0x38;
	[tilespmem:$0x11180] =	vst v63  }
0x6b: {  	s13 =	simm.s32 $0x2000;
	s11 =	rddreg [dreg:$0xc]  }
0x6c: {  	[tilespmem:s13], [sflag:$0x1] =	stream.strided.gather [hbm4b:s11+s14], $0x1000, s17, s14, $0x38;
	[tilespmem:$0x11180] =	vst v63  }
0x6d: {  	s16 =	simm.s32 $0x3000;
	s15 =	rddreg [dreg:$0xf]  }
0x6e: {  	[tilespmem:s16], [sflag:$0x1] =	stream.strided.gather [hbm4b:s15+s14], $0x1000, s17, s14, $0x38;
	[tilespmem:$0x11180] =	vst v63  }
0x6f: {  	s20 =	simm.s32 $0x4000;
	s19 =	rddreg [dreg:$0x10]  }
0x70: {  	[tilespmem:s20], [sflag:$0x1] =	stream.strided.gather [hbm4b:s19+s14], $0x1000, s17, s14, $0x38;
	[tilespmem:$0x11180] =	vst v63  }
0x71: {  	s23 =	rddreg [dreg:$0x13]  }
0x72: {  	[tilespmem:s21], [sflag:$0x2] =	stream.strided.gather [hbm4b:s23+s14], $0x1000, s17, s14, $0x38;
	[tilespmem:$0x11180] =	vst v63  }
0x73: {  	s25 =	simm.s32 $0x6000;
	s24 =	rddreg [dreg:$0x14]  }
0x74: {  	[tilespmem:s25], [sflag:$0x2] =	stream.strided.gather [hbm4b:s24+s14], $0x1000, s17, s14, $0x38;
	[tilespmem:$0x11180] =	vst v63  }
0x75: {  	s28 =	simm.s32 $0x7000;
	s26 =	rddreg [dreg:$0x16]  }
0x76: {  	[tilespmem:s28], [sflag:$0x2] =	stream.strided.gather [hbm4b:s26+s14], $0x1000, s17, s14, $0x38;
	[tilespmem:$0x11180] =	vst v63  }
0x77: {  	s31 =	simm.s32 $0x8000;
	s1 =	simm.s32 $0x0;
	s30 =	rddreg [dreg:$0x18]  }
0x78: {  	[tilespmem:s31], [sflag:$0x2] =	stream.strided.gather [hbm4b:s30+s14], $0x1000, s17, s14, $0x38;
	[tilespmem:$0x11180] =	vst v63  }
.LBB2_2:
0x79: {  	_ =	swait.ge [sflag:s29], $0x1000  }
0x7a: {  	[sflag:s29] =	ssyncset.done $0x0  }
0x7b: {  	[sflag:s29] =	ssyncadd.s32 $0xFFFFF000  }
0x7c: {  	_ =	swait.ge [sflag:s29], $0x1000  }
0x7d: {  	[sflag:s29] =	ssyncset.done $0x0  }
0x7e: {  	[sflag:s29] =	ssyncadd.s32 $0xFFFFF000  }
0x7f: {  	_ =	swait.ge [sflag:s29], $0x1000  }
0x80: {  	[sflag:s29] =	ssyncset.done $0x0  }
0x81: {  	[sflag:s29] =	ssyncadd.s32 $0xFFFFF000  }
0x82: {  	_ =	swait.ge [sflag:s29], $0x1000  }
0x83: {  	p1 =	seq.s32 s1, $0x0;
	[sflag:s29] =	ssyncset.done $0x0  }
0x84: {  	s0 =	simm.s32 @!p1 $0x3;
	[sflag:s29] =	ssyncadd.s32 $0xFFFFF000  }
0x85: {  	_ =	swait.ge @!p1 [sflag:s0], $0x1000  }
0x86: {  	[sflag:s0] =	ssyncset.done @!p1 $0x0  }
0x87: {  	[sflag:s0] =	ssyncadd.s32 @!p1 $0xFFFFF000  }
0x88: {  	_ =	swait.ge @!p1 [sflag:s0], $0x1000  }
0x89: {  	[sflag:s0] =	ssyncset.done @!p1 $0x0  }
0x8a: {  	[sflag:s0] =	ssyncadd.s32 @!p1 $0xFFFFF000  }
0x8b: {  	_ =	swait.ge @!p1 [sflag:s0], $0x1000  }
0x8c: {  	[sflag:s0] =	ssyncset.done @!p1 $0x0  }
0x8d: {  	[sflag:s0] =	ssyncadd.s32 @!p1 $0xFFFFF000  }
0x8e: {  	_ =	swait.ge @!p1 [sflag:s0], $0x1000  }
0x8f: {  	[sflag:s0] =	ssyncset.done @!p1 $0x0  }
0x90: {  	s6 =	simm.s32 $0x20;
	[sflag:s0] =	ssyncadd.s32 @!p1 $0xFFFFF000  }
0x91: {  	v0 =	vld [tilespmem:s6+$0x10]  }
0x92: {  	v1 =	vld [tilespmem:s6+$0x0];
	_ =	sdelay $0x2  }
0x93: {  	v2 =	vld [tilespmem:s6+$0xFFFFFFF0]  }
0x94: {  	v3 =	vtrunc.f32 v0  }
0x95: {  	v4 =	vtrunc.f32 v1;
	v16 =	vcvt.f32.s32 v3  }
0x96: {  	v18 =	vcvt.f32.s32 v4  }
0x97: {  	v3 =	vadd.s32 $0x1, v16  }
0x98: {  	v4 =	vtrunc.f32 v2;
	v5 =	vadd.s32 $0x1, v18;
	vm0 =	vlt.s32 v3, $0xFFF  }
0x99: {  	v19 =	vcvt.f32.s32 v4;
	vm1 =	vlt.s32 v5, $0xFFF;
	v17 =	vnsel vm0, $0xFFF, v3  }
0x9a: {  	v3 =	vld [tilespmem:s6+$0xFFFFFFE0];
	v14 =	vnsel vm1, $0xFFF, v5  }
0x9b: {  	v4 =	vadd.s32 $0x1, v19  }
0x9c: {  	vm6 =	vlt.s32 v4, $0xFFF;
	v5 =	vld.idx.msk [tilespmem:v18+s18+$0x0], $0xffff  }
0x9d: {  	v28 =	vnsel vm6, $0xFFF, v4;
	v4 =	vld.idx.msk [tilespmem:v16+s18+$0x0], $0xffff  }
0x9e: {  	v6 =	vld.idx.msk [tilespmem:v17+s18+$0x0], $0xffff  }
0x9f: {  	s7 =	simm.s32 $0x60;
	v7 =	vtrunc.f32 v3;
	v8 =	vld.idx.msk [tilespmem:v14+s18+$0x0], $0xffff  }
0xa0: {  	v22 =	vld [tilespmem:s7+$0x0];
	v12 =	vcvt.f32.s32 v7;
	v7 =	vcvt.s32.f32 v16  }
0xa1: {  	v10 =	vcvt.s32.f32 v18;
	v9 =	vld.idx.msk [tilespmem:v19+s18+$0x0], $0xffff  }
0xa2: {  	v13 =	vcvt.s32.f32 v19;
	v11 =	vadd.s32 $0x1, v12;
	v30 =	vsub.f32 v0, v7;
	v7 =	vld.idx.msk [tilespmem:v28+s18+$0x0], $0xffff  }
0xa3: {  	v25 =	vsub.f32 v1, v10;
	vm7 =	vlt.s32 v11, $0xFFF;
	v1 =	vsub.f32 v6, v4  }
0xa4: {  	v23 =	vld [tilespmem:s7+$0xFFFFFFE0];
	v0 =	vsub.f32 v2, v13;
	v32 =	vnsel vm7, $0xFFF, v11;
	v2 =	vsub.f32 v8, v5  }
0xa5: {  	s2 =	simm.s32 $0x0;
	v24 =	vld [tilespmem:s7+$0x10];
	v10 =	vadd.s32 $0x1000, v16;
	v8 =	vadd.s32 $0x1000, v18;
	v1 =	vmul.f32 v1, v30  }
0xa6: {  	s3 =	simm.s32 $0x30;
	s19 =	simm.s32 $0xA0;
	s10 =	sand.u32 $0xF80, s2;
	v26 =	vld [tilespmem:s7+$0xFFFFFFF0];
	v11 =	vadd.s32 $0x1000, v17;
	v6 =	vtrunc.f32 v22;
	v2 =	vmul.f32 v2, v25  }
0xa7: {  	s15 =	sand.u32 $0x70, s3;
	s4 =	sor.u32 $0x9000, s10;
	v46 =	vld [tilespmem:s19+$0x0];
	v6 =	vcvt.f32.s32 v6;
	v1 =	vadd.f32 v1, v4;
	v4 =	vsub.f32 v7, v9  }
0xa8: {  	s8 =	simm.s32 $0x20;
	s5 =	sor.u32 s15, s4;
	v21 =	vld.idx.msk [tilespmem:v12+s18+$0x0], $0xffff;
	v2 =	vadd.f32 v2, v5;
	v5 =	vadd.s32 $0x1000, v14  }
0xa9: {  	s3 =	sand.u32 $0x60, s8;
	v7 =	vadd.s32 $0x1, v6;
	v27 =	vld.idx.msk [tilespmem:v32+s18+$0x0], $0xffff;
	[tilespmem:s5+$0x0] =	vst v1;
	v1 =	vmul.f32 v4, v0;
	v4 =	vadd.s32 $0x1000, v19  }
0xaa: {  	s9 =	simm.s32 $0x10;
	s0 =	sor.u32 s3, s4;
	v15 =	vtrunc.f32 v23;
	v13 =	vtrunc.f32 v24;
	vm8 =	vlt.s32 v7, $0xFFF;
	v10 =	vld.idx.msk [tilespmem:v10+s18+$0x0], $0xffff  }
0xab: {  	s31 =	sand.u32 $0x50, s9;
	v13 =	vcvt.f32.s32 v13;
	[tilespmem:s0+$0x0] =	vst v2;
	v7 =	vnsel vm8, $0xFFF, v7;
	v1 =	vadd.f32 v1, v9;
	v9 =	vld.idx.msk [tilespmem:v11+s18+$0x0], $0xffff  }
0xac: {  	s11 =	sor.u32 s31, s4;
	v2 =	vcvt.f32.s32 v15;
	v29 =	vld.idx.msk [tilespmem:v8+s18+$0x0], $0xffff;
	v8 =	vtrunc.f32 v26  }
0xad: {  	v31 =	vld.idx.msk [tilespmem:v5+s18+$0x0], $0xffff;
	v5 =	vcvt.f32.s32 v8;
	[tilespmem:s11+$0x0] =	vst v1  }
0xae: {  	v33 =	vld.idx.msk [tilespmem:v4+s18+$0x0], $0xffff;
	v4 =	vadd.s32 $0x1, v13  }
0xaf: {  	v34 =	vld.idx.msk [tilespmem:v6+s18+$0x0], $0xffff;
	v8 =	vadd.s32 $0x1, v2;
	v1 =	vadd.s32 $0x1000, v28;
	vm9 =	vlt.s32 v4, $0xFFF  }
0xb0: {  	vm10 =	vlt.s32 v8, $0xFFF;
	v9 =	vsub.f32 v9, v10;
	v15 =	vnsel vm9, $0xFFF, v4;
	v4 =	vld.idx.msk [tilespmem:v7+s18+$0x0], $0xffff  }
0xb1: {  	v35 =	vld.idx.msk [tilespmem:v13+s18+$0x0], $0xffff;
	v11 =	vadd.s32 $0x1, v5;
	v8 =	vnsel vm10, $0xFFF, v8  }
0xb2: {  	vm11 =	vlt.s32 v11, $0xFFF;
	v20 =	vld.idx.msk [tilespmem:v2+s18+$0x0], $0xffff;
	v31 =	vsub.f32 v31, v29;
	v9 =	vmul.f32 v9, v30  }
0xb3: {  	v36 =	vadd.s32 $0x2000, v16;
	v37 =	vcvt.s32.f32 v6;
	v11 =	vnsel vm11, $0xFFF, v11;
	v39 =	vld.idx.msk [tilespmem:v5+s18+$0x0], $0xffff  }
0xb4: {  	v41 =	vcvt.s32.f32 v12;
	v9 =	vadd.f32 v9, v10;
	v10 =	vmul.f32 v31, v25;
	v31 =	vld.idx.msk [tilespmem:v1+s18+$0x0], $0xffff  }
0xb5: {  	v40 =	vadd.s32 $0x2000, v17;
	s0 =	sor.u32 $0xA000, s10;
	v1 =	vsub.f32 v22, v37;
	v22 =	vld.idx.msk [tilespmem:v15+s18+$0x0], $0xffff;
	v4 =	vsub.f32 v4, v34  }
0xb6: {  	v38 =	vadd.s32 $0x2000, v18;
	v3 =	vsub.f32 v3, v41;
	s13 =	sor.u32 s15, s0;
	v53 =	vld.idx.msk [tilespmem:v8+s18+$0x0], $0xffff  }
0xb7: {  	s25 =	simm.s32 $0x40;
	v27 =	vsub.f32 v27, v21;
	v37 =	vld [tilespmem:s19+$0xFFFFFFE0];
	[tilespmem:s13+$0x0] =	vst v9;
	v9 =	vadd.s32 $0x1000, v6;
	v4 =	vmul.f32 v4, v1  }
0xb8: {  	s16 =	simm.s32 $0x60;
	s24 =	sand.u32 $0xF80, s25;
	v43 =	vcvt.s32.f32 v13;
	v42 =	vld.idx.msk [tilespmem:v11+s18+$0x0], $0xffff;
	v10 =	vadd.f32 v10, v29;
	v29 =	vadd.s32 $0x2000, v14  }
0xb9: {  	s26 =	sand.u32 $0x60, s16;
	s9 =	sor.u32 $0x9000, s24;
	v47 =	vadd.s32 $0x1000, v12;
	s6 =	sor.u32 s3, s0;
	v27 =	vmul.f32 v27, v3;
	v36 =	vld.idx.msk [tilespmem:v36+s18+$0x0], $0xffff;
	v4 =	vadd.f32 v4, v34  }
0xba: {  	s5 =	sor.u32 s26, s9;
	[tilespmem:s6+$0x0] =	vst v10;
	v10 =	vsub.f32 v24, v43;
	v24 =	vld.idx.msk [tilespmem:v40+s18+$0x0], $0xffff;
	v22 =	vsub.f32 v22, v35  }
0xbb: {  	v59 =	vadd.s32 $0x1000, v32;
	v56 =	vcvt.s32.f32 v2;
	s11 =	sand.u32 $0x40, s2;
	v21 =	vadd.f32 v27, v21;
	v54 =	vld.idx.msk [tilespmem:v38+s18+$0x0], $0xffff;
	[tilespmem:s5+$0x0] =	vst v4  }
0xbc: {  	s4 =	sor.u32 s11, s4;
	v31 =	vsub.f32 v31, v33;
	v41 =	vld.idx.msk [tilespmem:v9+s18+$0x0], $0xffff;
	v9 =	vmul.f32 v22, v10;
	v22 =	vadd.s32 $0x1000, v13  }
0xbd: {  	s20 =	simm.s32 $0x70;
	v57 =	vadd.s32 $0x1000, v7;
	v55 =	vcvt.s32.f32 v5;
	[tilespmem:s4+$0x0] =	vst v21;
	v29 =	vld.idx.msk [tilespmem:v29+s18+$0x0], $0xffff;
	v4 =	vsub.f32 v23, v56  }
0xbe: {  	s28 =	sand.u32 $0x70, s20;
	v61 =	vld.idx.msk [tilespmem:v47+s18+$0x0], $0xffff;
	v23 =	vsub.f32 v53, v20;
	v31 =	vmul.f32 v31, v0;
	v35 =	vadd.f32 v9, v35  }
0xbf: {  	v45 =	vadd.s32 $0x2000, v28;
	v44 =	vadd.s32 $0x1000, v15;
	v40 =	vld [tilespmem:s19+$0x10];
	s6 =	sor.u32 s28, s9;
	v58 =	vsub.f32 v42, v39  }
0xc0: {  	v38 =	vld [tilespmem:s19+$0xFFFFFFF0];
	v9 =	vsub.f32 v26, v55;
	v26 =	vmul.f32 v23, v4;
	v23 =	vadd.f32 v31, v33;
	[tilespmem:s6+$0x0] =	vst v35  }
0xc1: {  	v18 =	vadd.s32 $0x3000, v18;
	s23 =	sor.u32 s31, s0;
	v31 =	vadd.s32 $0x2000, v19;
	v42 =	vld.idx.msk [tilespmem:v22+s18+$0x0], $0xffff;
	v22 =	vsub.f32 v24, v36  }
0xc2: {  	v50 =	vadd.s32 $0x1000, v11;
	v43 =	vld.idx.msk [tilespmem:v57+s18+$0x0], $0xffff;
	[tilespmem:s23+$0x0] =	vst v23;
	v23 =	vmul.f32 v58, v9;
	v24 =	vsub.f32 v29, v54  }
0xc3: {  	v17 =	vadd.s32 $0x3000, v17;
	v27 =	vadd.s32 $0x3000, v16;
	s5 =	simm.s32 $0x50;
	v35 =	vld.idx.msk [tilespmem:v59+s18+$0x0], $0xffff;
	v16 =	vmul.f32 v22, v30  }
0xc4: {  	v14 =	vadd.s32 $0x3000, v14;
	s19 =	sand.u32 $0x50, s5;
	v44 =	vld.idx.msk [tilespmem:v44+s18+$0x0], $0xffff;
	v23 =	vadd.f32 v23, v39;
	v24 =	vmul.f32 v24, v25  }
0xc5: {  	v60 =	vtrunc.f32 v37;
	v48 =	vtrunc.f32 v40;
	s7 =	sor.u32 s19, s9;
	s6 =	sor.u32 $0xB000, s10;
	v45 =	vld.idx.msk [tilespmem:v45+s18+$0x0], $0xffff;
	v16 =	vadd.f32 v16, v36  }
0xc6: {  	v29 =	vadd.s32 $0x1000, v5;
	s8 =	sor.u32 s15, s6;
	v31 =	vld.idx.msk [tilespmem:v31+s18+$0x0], $0xffff;
	v22 =	vtrunc.f32 v46;
	[tilespmem:s7+$0x0] =	vst v23;
	v34 =	vadd.f32 v24, v54  }
0xc7: {  	v49 =	vadd.s32 $0x2000, v32;
	s13 =	sor.u32 s3, s6;
	v22 =	vcvt.f32.s32 v22;
	v24 =	vcvt.f32.s32 v48;
	v50 =	vld.idx.msk [tilespmem:v50+s18+$0x0], $0xffff;
	[tilespmem:s8+$0x0] =	vst v16  }
0xc8: {  	v28 =	vadd.s32 $0x3000, v28;
	v21 =	vtrunc.f32 v38;
	v23 =	vcvt.f32.s32 v60;
	[tilespmem:s13+$0x0] =	vst v34;
	v48 =	vld.idx.msk [tilespmem:v27+s18+$0x0], $0xffff  }
0xc9: {  	v58 =	vsub.f32 v43, v41;
	v16 =	vcvt.f32.s32 v21;
	v63 =	vcvt.s32.f32 v24;
	v53 =	vld.idx.msk [tilespmem:v18+s18+$0x0], $0xffff  }
0xca: {  	v27 =	vadd.s32 $0x1, v22;
	v18 =	vadd.s32 $0x1, v23;
	v54 =	vld.idx.msk [tilespmem:v14+s18+$0x0], $0xffff;
	v14 =	vsub.f32 v44, v42  }
0xcb: {  	v33 =	vld.idx.msk [tilespmem:v29+s18+$0x0], $0xffff;
	v45 =	vsub.f32 v45, v31;
	v21 =	vadd.s32 $0x1, v16;
	vm14 =	vlt.s32 v18, $0xFFF  }
0xcc: {  	v51 =	vld.idx.msk [tilespmem:v17+s18+$0x0], $0xffff;
	vm13 =	vlt.s32 v27, $0xFFF;
	vm12 =	vlt.s32 v21, $0xFFF;
	v18 =	vnsel vm14, $0xFFF, v18  }
0xcd: {  	v44 =	vld.idx.msk [tilespmem:v22+s18+$0x0], $0xffff;
	v17 =	vnsel vm12, $0xFFF, v21;
	v21 =	vnsel vm13, $0xFFF, v27;
	v27 =	vsub.f32 v35, v61  }
0xce: {  	v29 =	vld.idx.msk [tilespmem:v23+s18+$0x0], $0xffff;
	v55 =	vmul.f32 v14, v10;
	v14 =	vsub.f32 v40, v63;
	v40 =	vmul.f32 v45, v0  }
0xcf: {  	v47 =	vadd.s32 $0x2000, v12;
	v62 =	vadd.s32 $0x1, v24;
	v36 =	vld.idx.msk [tilespmem:v24+s18+$0x0], $0xffff;
	v56 =	vmul.f32 v27, v3  }
0xd0: {  	vm15 =	vlt.s32 v62, $0xFFF;
	v35 =	vmul.f32 v58, v1;
	v31 =	vadd.f32 v40, v31;
	v34 =	vld.idx.msk [tilespmem:v16+s18+$0x0], $0xffff  }
0xd1: {  	s20 =	sor.u32 s31, s6;
	v42 =	vadd.f32 v55, v42;
	v27 =	vnsel vm15, $0xFFF, v62;
	v39 =	vadd.f32 v56, v61;
	v55 =	vld.idx.msk [tilespmem:v18+s18+$0x0], $0xffff  }
0xd2: {  	s0 =	sor.u32 s11, s0;
	s13 =	sor.u32 $0xA000, s24;
	v59 =	vsub.f32 v51, v48;
	[tilespmem:s20+$0x0] =	vst v31;
	v43 =	vld.idx.msk [tilespmem:v21+s18+$0x0], $0xffff  }
0xd3: {  	s16 =	sor.u32 s28, s13;
	v31 =	vld.idx.msk [tilespmem:v28+s18+$0x0], $0xffff;
	[tilespmem:s0+$0x0] =	vst v39;
	v39 =	vadd.s32 $0x3000, v19;
	v19 =	vadd.f32 v35, v41  }
0xd4: {  	v52 =	vadd.s32 $0x2000, v15;
	v60 =	vcvt.s32.f32 v23;
	s23 =	sor.u32 s26, s13;
	[tilespmem:s16+$0x0] =	vst v42;
	v30 =	vmul.f32 v59, v30;
	v49 =	vld.idx.msk [tilespmem:v49+s18+$0x0], $0xffff  }
0xd5: {  	v40 =	vadd.s32 $0x2000, v13;
	v62 =	vsub.f32 v54, v53;
	v61 =	vcvt.s32.f32 v22;
	v42 =	vld.idx.msk [tilespmem:v47+s18+$0x0], $0xffff;
	[tilespmem:s23+$0x0] =	vst v19  }
0xd6: {  	s5 =	sshll.u32 s1, $0x3;
	v57 =	vcvt.s32.f32 v16;
	v56 =	vadd.s32 $0x2000, v6;
	v63 =	vadd.f32 v30, v48;
	v54 =	vld.idx.msk [tilespmem:v27+s18+$0x0], $0xffff;
	[smem:$0x7F8] =	sst s1  }
0xd7: {  	v59 =	vmul.f32 v62, v25;
	v19 =	vsub.f32 v46, v61;
	[smem:$0x7F9] =	sst s5;
	v30 =	vsub.f32 v43, v44  }
0xd8: {  	s30 =	simm.s32 $0x8;
	s10 =	sor.u32 $0xC000, s10;
	v28 =	vsub.f32 v38, v57;
	v25 =	vsub.f32 v37, v60;
	v38 =	vadd.s32 $0x2000, v7;
	v43 =	vld.idx.msk [tilespmem:v17+s18+$0x0], $0xffff  }
0xd9: {  	s2 =	simm.s32 $0x80;
	v60 =	vsub.f32 v50, v33;
	s0 =	sor.u32 s11, s6;
	s6 =	sor.u32 s15, s10;
	v62 =	vmul.f32 v30, v19;
	v30 =	vld.idx.msk [tilespmem:v39+s18+$0x0], $0xffff;
	v39 =	vadd.s32 $0x1000, v22  }
0xda: {  	s7 =	simm.s32 $0xA0;
	s8 =	sor.u32 s3, s10;
	v35 =	vadd.s32 $0x2000, v11;
	s23 =	sand.u32 $0xF80, s2;
	v61 =	vsub.f32 v55, v29;
	[tilespmem:s6+$0x0] =	vst v63;
	v63 =	vadd.f32 v59, v53;
	v45 =	vld.idx.msk [tilespmem:v40+s18+$0x0], $0xffff  }
0xdb: {  	s16 =	simm.s32 $0xB0;
	s20 =	sand.u32 $0x60, s7;
	v41 =	vmul.f32 v60, v9;
	s5 =	sor.u32 $0x9000, s23;
	v37 =	vld.idx.msk [tilespmem:v56+s18+$0x0], $0xffff;
	v49 =	vsub.f32 v49, v42;
	v48 =	vadd.f32 v62, v44  }
0xdc: {  	s15 =	sor.u32 s31, s10;
	s31 =	simm.s32 $0xE0;
	v46 =	vadd.s32 $0x3000, v32;
	s3 =	sor.u32 s20, s5;
	v40 =	vmul.f32 v61, v25;
	v47 =	vsub.f32 v54, v36;
	[tilespmem:s8+$0x0] =	vst v63;
	v44 =	vld.idx.msk [tilespmem:v52+s18+$0x0], $0xffff  }
.LBB2_3:
0xdd: {  	s30 =	sadd.s32 $0x4, s30;
	[tilespmem:s3+$0x0] =	vst v48;
	v33 =	vadd.f32 v41, v33;
	v48 =	vld.idx.msk [tilespmem:v38+s18+$0x0], $0xffff;
	v38 =	vmul.f32 v49, v3  }
0xde: {  	v49 =	vadd.s32 $0x1000, v24;
	s3 =	sor.u32 s19, s13;
	v50 =	vadd.s32 $0x3000, v12;
	v12 =	vmovc v2;
	v2 =	vmovc v23;
	p2 =	slt.u32 s30, $0xFC;
	v41 =	vld.idx.msk [tilespmem:v39+s18+$0x0], $0xffff;
	v47 =	vmul.f32 v47, v14  }
0xdf: {  	v23 =	vadd.s32 $0x1000, v27;
	v39 =	vadd.s32 $0x2000, v12;
	v32 =	vld [tilespmem:s31+$0xFFFFFFE0];
	[tilespmem:s3+$0x0] =	vst v33;
	v33 =	vadd.f32 v38, v42  }
0xe0: {  	s3 =	sand.u32 $0x70, s16;
	v42 =	vadd.s32 $0x2000, v8;
	v38 =	vld [tilespmem:s31+$0xFFFFFFF0];
	v36 =	vadd.f32 v47, v36;
	v47 =	vadd.s32 $0x3000, v6;
	v6 =	vmovc v22  }
0xe1: {  	v53 =	vadd.s32 $0x3000, v13;
	v13 =	vmovc v24;
	v52 =	vadd.s32 $0x1000, v12;
	v22 =	vadd.s32 $0x1000, v21;
	s4 =	sor.u32 s3, s5;
	v51 =	vld [tilespmem:s31+$0x10];
	[tilespmem:s0+$0x0] =	vst v33  }
0xe2: {  	v24 =	vsub.f32 v43, v34;
	v33 =	vadd.s32 $0x2000, v5;
	[tilespmem:s4+$0x0] =	vst v36;
	v36 =	vsub.f32 v44, v45;
	v46 =	vld.idx.msk [tilespmem:v46+s18+$0x0], $0xffff  }
0xe3: {  	v54 =	vadd.s32 $0x1000, v8;
	v31 =	vsub.f32 v31, v30;
	v44 =	vsub.f32 v48, v37;
	v43 =	vld [tilespmem:s31+$0x0]  }
0xe4: {  	v24 =	vmul.f32 v24, v28;
	v48 =	vadd.s32 $0x1000, v16;
	v36 =	vmul.f32 v36, v10;
	v50 =	vld.idx.msk [tilespmem:v50+s18+$0x0], $0xffff  }
0xe5: {  	v55 =	vadd.s32 $0x1000, v17;
	v31 =	vmul.f32 v31, v0;
	v0 =	vmovc v9;
	v44 =	vmul.f32 v44, v1;
	v49 =	vld.idx.msk [tilespmem:v49+s18+$0x0], $0xffff  }
0xe6: {  	v9 =	vmovc v28;
	v34 =	vadd.f32 v24, v34;
	s0 =	sor.u32 $0xB000, s24;
	v56 =	vtrunc.f32 v51;
	v57 =	vld.idx.msk [tilespmem:v22+s18+$0x0], $0xffff;
	v22 =	vadd.f32 v36, v45  }
0xe7: {  	s8 =	sand.u32 $0x40, s25;
	s4 =	sor.u32 s26, s0;
	s6 =	sor.u32 s28, s0;
	v24 =	vadd.f32 v31, v30;
	v36 =	vadd.s32 $0x3000, v15;
	v28 =	vld.idx.msk [tilespmem:v23+s18+$0x0], $0xffff;
	v23 =	vadd.f32 v26, v20;
	v20 =	vmovc v29  }
0xe8: {  	s25 =	sadd.s32 $0xFFFFFFE0, s16;
	s9 =	sor.u32 s8, s9;
	s7 =	sor.u32 s19, s0;
	v45 =	vtrunc.f32 v38;
	v31 =	vadd.f32 v44, v37;
	v15 =	vmovc v27;
	v29 =	vtrunc.f32 v43;
	v30 =	vld.idx.msk [tilespmem:v35+s18+$0x0], $0xffff;
	[tilespmem:s6+$0x0] =	vst v22  }
0xe9: {  	s0 =	sor.u32 s8, s0;
	v37 =	vcvt.f32.s32 v45;
	v44 =	vadd.s32 $0x2000, v15;
	v26 =	vmovc v40;
	s6 =	sand.u32 $0x50, s25;
	s25 =	smov.u32 s2;
	v22 =	vcvt.f32.s32 v29;
	[tilespmem:s9+$0x0] =	vst v23;
	v35 =	vld.idx.msk [tilespmem:v33+s18+$0x0], $0xffff  }
0xea: {  	v23 =	vtrunc.f32 v32;
	s2 =	sor.u32 s6, s5;
	v29 =	vadd.s32 $0x3000, v7;
	v40 =	vsub.f32 v46, v50;
	v7 =	vmovc v21;
	s9 =	smov.u32 s5;
	v27 =	vld.idx.msk [tilespmem:v54+s18+$0x0], $0xffff;
	[tilespmem:s15+$0x0] =	vst v24  }
0xeb: {  	v21 =	vadd.s32 $0x1, v37;
	v24 =	vcvt.f32.s32 v56;
	v45 =	vadd.s32 $0x1, v22;
	[tilespmem:s2+$0x0] =	vst v34;
	v46 =	vld.idx.msk [tilespmem:v52+s18+$0x0], $0xffff  }
0xec: {  	v23 =	vcvt.f32.s32 v23;
	vm0 =	vlt.s32 v21, $0xFFF;
	v33 =	vld.idx.msk [tilespmem:v48+s18+$0x0], $0xffff;
	[tilespmem:s4+$0x0] =	vst v31;
	v31 =	vmul.f32 v40, v3;
	v3 =	vmovc v4  }
0xed: {  	v40 =	vnsel vm0, $0xFFF, v21;
	vm0 =	vlt.s32 v45, $0xFFF;
	v28 =	vsub.f32 v28, v49;
	v4 =	vmovc v25;
	v48 =	vld.idx.msk [tilespmem:v53+s18+$0x0], $0xffff  }
0xee: {  	v25 =	vadd.s32 $0x1, v23;
	v34 =	vadd.s32 $0x1, v24;
	v52 =	vld.idx.msk [tilespmem:v36+s18+$0x0], $0xffff;
	v31 =	vadd.f32 v31, v50  }
0xef: {  	s2 =	sor.u32 s11, s10;
	s11 =	smov.u32 s8;
	vm1 =	vlt.s32 v25, $0xFFF;
	v21 =	vnsel vm0, $0xFFF, v45;
	v36 =	vcvt.s32.f32 v24;
	v45 =	vld.idx.msk [tilespmem:v47+s18+$0x0], $0xffff  }
0xf0: {  	vm0 =	vlt.s32 v34, $0xFFF;
	v50 =	vnsel vm1, $0xFFF, v25;
	v25 =	vmul.f32 v28, v14;
	v28 =	vld.idx.msk [tilespmem:v29+s18+$0x0], $0xffff;
	[tilespmem:s2+$0x0] =	vst v31  }
0xf1: {  	v31 =	vcvt.s32.f32 v37;
	v51 =	vsub.f32 v51, v36;
	v53 =	vsub.f32 v27, v46;
	v47 =	vld.idx.msk [tilespmem:v22+s18+$0x0], $0xffff  }
0xf2: {  	v56 =	vadd.s32 $0x2000, v13;
	v54 =	vcvt.s32.f32 v23;
	v30 =	vsub.f32 v30, v35;
	v29 =	vld.idx.msk [tilespmem:v23+s18+$0x0], $0xffff  }
0xf3: {  	v57 =	vsub.f32 v57, v41;
	v27 =	vnsel vm0, $0xFFF, v34;
	v53 =	vmul.f32 v53, v3;
	v36 =	vld.idx.msk [tilespmem:v24+s18+$0x0], $0xffff  }
0xf4: {  	s2 =	sor.u32 $0xA000, s23;
	v25 =	vadd.f32 v25, v49;
	v30 =	vmul.f32 v30, v0;
	v49 =	vsub.f32 v52, v48;
	v34 =	vld.idx.msk [tilespmem:v37+s18+$0x0], $0xffff  }
0xf5: {  	s16 =	sadd.s32 $0x40, s16;
	v57 =	vmul.f32 v57, v19;
	s4 =	sor.u32 s20, s2;
	s5 =	sor.u32 s3, s2;
	v46 =	vadd.f32 v53, v46;
	v52 =	vld.idx.msk [tilespmem:v21+s18+$0x0], $0xffff  }
0xf6: {  	v10 =	vmul.f32 v49, v10;
	v53 =	vld.idx.msk [tilespmem:v55+s18+$0x0], $0xffff;
	[tilespmem:s5+$0x0] =	vst v25;
	s5 =	sor.u32 s11, s13;
	v25 =	vadd.f32 v30, v35;
	v30 =	vadd.s32 $0x3000, v11;
	s13 =	smov.u32 s2  }
0xf7: {  	v57 =	vadd.f32 v57, v41;
	v28 =	vsub.f32 v28, v45;
	v35 =	vadd.s32 $0x2000, v17;
	v49 =	vld.idx.msk [tilespmem:v50+s18+$0x0], $0xffff;
	[tilespmem:s5+$0x0] =	vst v46  }
0xf8: {  	s10 =	sor.u32 $0xC000, s24;
	s24 =	smov.u32 s23;
	v41 =	vcvt.s32.f32 v22;
	v55 =	vadd.s32 $0x3000, v5;
	v5 =	vmovc v16;
	v46 =	vld.idx.msk [tilespmem:v42+s18+$0x0], $0xffff;
	[tilespmem:s7+$0x0] =	vst v25;
	v25 =	vadd.f32 v10, v48  }
0xf9: {  	s15 =	sor.u32 s19, s10;
	s2 =	sor.u32 s28, s10;
	v16 =	vmovc v37;
	v11 =	vmov v17;
	v17 =	vmov v40;
	v48 =	vmul.f32 v28, v1;
	[tilespmem:s4+$0x0] =	vst v57;
	v42 =	vld.idx.msk [tilespmem:v39+s18+$0x0], $0xffff;
	s4 =	sor.u32 s26, s10  }
0xfa: {  	v58 =	vadd.s32 $0x2000, v6;
	s19 =	smov.u32 s6;
	v37 =	vsub.f32 v43, v41;
	s28 =	smov.u32 s3;
	v10 =	vmovc v14;
	v14 =	vmov v51;
	s26 =	smov.u32 s20;
	v57 =	vld.idx.msk [tilespmem:v27+s18+$0x0], $0xffff;
	[tilespmem:s2+$0x0] =	vst v25  }
0xfb: {  	v28 =	vsub.f32 v38, v31;
	v38 =	vadd.s32 $0x2000, v7;
	v1 =	vmovc v19;
	v41 =	vsub.f32 v52, v47;
	v31 =	vld.idx.msk [tilespmem:v30+s18+$0x0], $0xffff  }
.Ltmp2:
0xfc: {  	v19 =	vmovc v37;
	v39 =	vadd.s32 $0x1000, v22;
	v25 =	vsub.f32 v32, v54;
	v32 =	vsub.f32 v53, v33;
	v43 =	vld.idx.msk [tilespmem:v40+s18+$0x0], $0xffff;
	(pc) =	sbr.rel @p2 .LBB2_3-.Ltmp2, $4  }
0xfd: {  	s2 =	sadd.s32 $0xFFFFFFD0, s16;
	v51 =	vadd.f32 v48, v45;
	v37 =	vsub.f32 v49, v29;
	v49 =	vmul.f32 v41, v19;
	v30 =	vld.idx.msk [tilespmem:v55+s18+$0x0], $0xffff  }
0xfe: {  	s3 =	sadd.s32 $0xFFFFFFF0, s16;
	s23 =	sand.u32 $0xF80, s2;
	v41 =	vmul.f32 v32, v9;
	v45 =	vld.idx.msk [tilespmem:v56+s18+$0x0], $0xffff  }
0xff: {  	s20 =	sand.u32 $0x60, s3;
	s5 =	sor.u32 $0x9000, s23;
	v40 =	vmul.f32 v37, v25;
	v48 =	vadd.f32 v49, v47;
	v49 =	vsub.f32 v46, v42;
	v37 =	vld.idx.msk [tilespmem:v58+s18+$0x0], $0xffff  }
0x100: {  	s31 =	sadd.s32 $0x40, s31;
	s3 =	sor.u32 s20, s5;
	v46 =	vadd.s32 $0x3000, v8;
	v8 =	vmovc v18;
	v18 =	vmov v50;
	v47 =	vsub.f32 v57, v36;
	v44 =	vld.idx.msk [tilespmem:v44+s18+$0x0], $0xffff;
	[tilespmem:s4+$0x0] =	vst v51  }
0x101: {  	_ =	sdelay $0x1  }
0x102: {  	v32 =	vmul.f32 v49, v3  }
0x103: {  	v60 =	vadd.s32 $0x1000, v8;
	v33 =	vadd.f32 v41, v33  }
0x104: {  	[tilespmem:s3+$0x0] =	vst v48;
	v38 =	vld.idx.msk [tilespmem:v38+s18+$0x0], $0xffff;
	v61 =	vadd.s32 $0x1000, v2;
	s1 =	sor.u32 s19, s13;
	v32 =	vadd.f32 v32, v42  }
0x105: {  	v62 =	vadd.s32 $0x1000, v24;
	s3 =	sand.u32 $0x40, s25;
	v26 =	vadd.f32 v26, v20;
	v39 =	vld.idx.msk [tilespmem:v39+s18+$0x0], $0xffff;
	v47 =	vmul.f32 v47, v14;
	[tilespmem:s1+$0x0] =	vst v33  }
0x106: {  	v63 =	vadd.s32 $0x1000, v27;
	s4 =	sor.u32 s3, s9;
	v35 =	vld.idx.msk [tilespmem:v35+s18+$0x0], $0xffff;
	[tilespmem:s0+$0x0] =	vst v32  }
0x107: {  	v52 =	vadd.s32 $0x1000, v21;
	[tilespmem:s4+$0x0] =	vst v26;
	v36 =	vadd.f32 v47, v36;
	s0 =	sand.u32 $0x70, s16;
	v20 =	vld.idx.msk [tilespmem:v46+s18+$0x0], $0xffff  }
0x108: {  	v12 =	vadd.s32 $0x3000, v12;
	v26 =	vsub.f32 v43, v34;
	s25 =	sor.u32 s0, s5;
	v42 =	vld.idx.msk [tilespmem:v60+s18+$0x0], $0xffff  }
0x109: {  	v53 =	vadd.s32 $0x2000, v5;
	v54 =	vld.idx.msk [tilespmem:v61+s18+$0x0], $0xffff;
	[tilespmem:s25+$0x0] =	vst v36  }
0x10a: {  	v59 =	vadd.s32 $0x1000, v18;
	v26 =	vmul.f32 v26, v28;
	v56 =	vld.idx.msk [tilespmem:v62+s18+$0x0], $0xffff  }
0x10b: {  	v55 =	vadd.s32 $0x1000, v16;
	s6 =	sadd.s32 $0xFFFFFFE0, s16;
	s2 =	sand.u32 $0x40, s2;
	v29 =	vadd.f32 v40, v29;
	v32 =	vld.idx.msk [tilespmem:v63+s18+$0x0], $0xffff  }
0x10c: {  	v57 =	vadd.s32 $0x1000, v17;
	s6 =	sand.u32 $0x50, s6;
	s8 =	sor.u32 s2, s5;
	v44 =	vsub.f32 v44, v45;
	v58 =	vld.idx.msk [tilespmem:v52+s18+$0x0], $0xffff;
	v26 =	vadd.f32 v26, v34  }
0x10d: {  	s7 =	sor.u32 s6, s5;
	[tilespmem:s8+$0x0] =	vst v29;
	v12 =	vld.idx.msk [tilespmem:v12+s18+$0x0], $0xffff;
	v60 =	vadd.s32 $0x1000, v23  }
0x10e: {  	v13 =	vadd.s32 $0x3000, v13;
	v44 =	vmul.f32 v44, v10;
	v36 =	vld.idx.msk [tilespmem:v53+s18+$0x0], $0xffff;
	[tilespmem:s7+$0x0] =	vst v26;
	v26 =	vsub.f32 v42, v54  }
0x10f: {  	v15 =	vadd.s32 $0x3000, v15;
	v34 =	vld.idx.msk [tilespmem:v59+s18+$0x0], $0xffff;
	v62 =	vadd.s32 $0x2000, v8  }
0x110: {  	s5 =	sor.u32 $0xB000, s24;
	v61 =	vadd.f32 v44, v45;
	v41 =	vld.idx.msk [tilespmem:v55+s18+$0x0], $0xffff;
	v32 =	vsub.f32 v32, v56;
	v26 =	vmul.f32 v26, v4  }
0x111: {  	v29 =	vadd.s32 $0x2000, v2;
	s9 =	sor.u32 s28, s5;
	v63 =	vld.idx.msk [tilespmem:v57+s18+$0x0], $0xffff;
	v33 =	vsub.f32 v58, v39  }
0x112: {  	v48 =	vadd.s32 $0x2000, v24;
	[tilespmem:s9+$0x0] =	vst v61;
	v49 =	vld.idx.msk [tilespmem:v60+s18+$0x0], $0xffff;
	v32 =	vmul.f32 v32, v14;
	v26 =	vadd.f32 v26, v54  }
0x113: {  	v50 =	vadd.s32 $0x2000, v22;
	s13 =	sor.u32 s3, s13;
	v13 =	vld.idx.msk [tilespmem:v13+s18+$0x0], $0xffff;
	v33 =	vmul.f32 v33, v19  }
0x114: {  	v51 =	vadd.s32 $0x2000, v27;
	v38 =	vsub.f32 v38, v37;
	s7 =	sor.u32 $0xA000, s23;
	v15 =	vld.idx.msk [tilespmem:v15+s18+$0x0], $0xffff;
	v32 =	vadd.f32 v32, v56;
	[tilespmem:s13+$0x0] =	vst v26  }
0x115: {  	v53 =	vadd.s32 $0x2000, v21;
	s16 =	sor.u32 s0, s7;
	v26 =	vadd.f32 v33, v39;
	v52 =	vld.idx.msk [tilespmem:v62+s18+$0x0], $0xffff  }
0x116: {  	v6 =	vadd.s32 $0x3000, v6;
	v38 =	vmul.f32 v38, v1;
	s8 =	sor.u32 s20, s7;
	v54 =	vsub.f32 v63, v41;
	v29 =	vld.idx.msk [tilespmem:v29+s18+$0x0], $0xffff;
	[tilespmem:s16+$0x0] =	vst v32  }
0x117: {  	v7 =	vadd.s32 $0x3000, v7;
	v55 =	vadd.s32 $0x2000, v17;
	[tilespmem:s8+$0x0] =	vst v26;
	v40 =	vld.idx.msk [tilespmem:v48+s18+$0x0], $0xffff  }
0x118: {  	v34 =	vsub.f32 v34, v49;
	v56 =	vadd.f32 v38, v37;
	v26 =	vmul.f32 v54, v28;
	v57 =	vld.idx.msk [tilespmem:v50+s18+$0x0], $0xffff  }
0x119: {  	s25 =	sor.u32 s26, s5;
	v58 =	vadd.s32 $0x2000, v16;
	v35 =	vsub.f32 v35, v36;
	v59 =	vld.idx.msk [tilespmem:v51+s18+$0x0], $0xffff  }
0x11a: {  	v60 =	vadd.s32 $0x2000, v18;
	v34 =	vmul.f32 v34, v25;
	[tilespmem:s25+$0x0] =	vst v56;
	v61 =	vld.idx.msk [tilespmem:v53+s18+$0x0], $0xffff;
	v26 =	vadd.f32 v26, v41  }
0x11b: {  	s1 =	sor.u32 s6, s7;
	v35 =	vmul.f32 v35, v9;
	v62 =	vadd.s32 $0x2000, v23;
	v6 =	vld.idx.msk [tilespmem:v6+s18+$0x0], $0xffff  }
0x11c: {  	v11 =	vadd.s32 $0x3000, v11;
	v7 =	vld.idx.msk [tilespmem:v7+s18+$0x0], $0xffff;
	[tilespmem:s1+$0x0] =	vst v26;
	v26 =	vadd.f32 v34, v49;
	v33 =	vsub.f32 v52, v29  }
0x11d: {  	v5 =	vadd.s32 $0x3000, v5;
	s7 =	sor.u32 s2, s7;
	v63 =	vadd.f32 v35, v36;
	v32 =	vld.idx.msk [tilespmem:v55+s18+$0x0], $0xffff  }
0x11e: {  	v8 =	vadd.s32 $0x3000, v8;
	v43 =	vld.idx.msk [tilespmem:v58+s18+$0x0], $0xffff;
	[tilespmem:s7+$0x0] =	vst v26;
	v26 =	vmul.f32 v33, v4;
	v45 =	vsub.f32 v59, v40  }
0x11f: {  	v31 =	vsub.f32 v31, v30;
	v2 =	vadd.s32 $0x3000, v2;
	s8 =	sor.u32 s19, s5;
	v46 =	vld.idx.msk [tilespmem:v60+s18+$0x0], $0xffff  }
0x120: {  	v24 =	vadd.s32 $0x3000, v24;
	[tilespmem:s8+$0x0] =	vst v63;
	v39 =	vld.idx.msk [tilespmem:v62+s18+$0x0], $0xffff;
	v26 =	vadd.f32 v26, v29;
	v29 =	vmul.f32 v45, v14  }
0x121: {  	v27 =	vadd.s32 $0x3000, v27;
	v0 =	vmul.f32 v31, v0;
	s9 =	sor.u32 s3, s5;
	v11 =	vld.idx.msk [tilespmem:v11+s18+$0x0], $0xffff;
	v37 =	vsub.f32 v61, v57  }
0x122: {  	v22 =	vadd.s32 $0x3000, v22;
	v20 =	vsub.f32 v20, v12;
	s13 =	sor.u32 $0xB000, s23;
	v5 =	vld.idx.msk [tilespmem:v5+s18+$0x0], $0xffff;
	[tilespmem:s9+$0x0] =	vst v26;
	v26 =	vadd.f32 v29, v40  }
0x123: {  	v0 =	vadd.f32 v0, v30;
	s16 =	sor.u32 s0, s13;
	v47 =	vmul.f32 v37, v19;
	v29 =	vsub.f32 v32, v43;
	v8 =	vld.idx.msk [tilespmem:v8+s18+$0x0], $0xffff  }
0x124: {  	v21 =	vadd.s32 $0x3000, v21;
	v17 =	vadd.s32 $0x3000, v17;
	v3 =	vmul.f32 v20, v3;
	v2 =	vld.idx.msk [tilespmem:v2+s18+$0x0], $0xffff;
	[tilespmem:s16+$0x0] =	vst v26  }
0x125: {  	v48 =	vadd.f32 v47, v57;
	v26 =	vmul.f32 v29, v28;
	v29 =	vsub.f32 v46, v39;
	v24 =	vld.idx.msk [tilespmem:v24+s18+$0x0], $0xffff  }
0x126: {  	v16 =	vadd.s32 $0x3000, v16;
	v18 =	vadd.s32 $0x3000, v18;
	v15 =	vsub.f32 v15, v13;
	s25 =	sor.u32 s20, s13;
	v27 =	vld.idx.msk [tilespmem:v27+s18+$0x0], $0xffff  }
0x127: {  	v3 =	vadd.f32 v3, v12;
	[tilespmem:s25+$0x0] =	vst v48;
	v26 =	vadd.f32 v26, v43;
	v29 =	vmul.f32 v29, v25  }
0x128: {  	[tilespmem:s15+$0x0] =	vst v0;
	v23 =	vadd.s32 $0x3000, v23;
	v10 =	vmul.f32 v15, v10;
	s1 =	sor.u32 s6, s13;
	v7 =	vsub.f32 v7, v6;
	v22 =	vld.idx.msk [tilespmem:v22+s18+$0x0], $0xffff  }
0x129: {  	v11 =	vsub.f32 v11, v5;
	v21 =	vld.idx.msk [tilespmem:v21+s18+$0x0], $0xffff;
	[tilespmem:s1+$0x0] =	vst v26;
	v26 =	vadd.f32 v29, v39  }
0x12a: {  	s4 =	sor.u32 s2, s13;
	v0 =	vadd.f32 v10, v13;
	v1 =	vmul.f32 v7, v1;
	v7 =	vsub.f32 v8, v2;
	v17 =	vld.idx.msk [tilespmem:v17+s18+$0x0], $0xffff  }
0x12b: {  	s8 =	sor.u32 $0xC000, s24;
	s7 =	sor.u32 s11, s10;
	v8 =	vmul.f32 v11, v9;
	v16 =	vld.idx.msk [tilespmem:v16+s18+$0x0], $0xffff;
	[tilespmem:s4+$0x0] =	vst v26;
	v9 =	vsub.f32 v27, v24  }
0x12c: {  	[tilespmem:s7+$0x0] =	vst v3;
	s9 =	sor.u32 s28, s8;
	v1 =	vadd.f32 v1, v6;
	v3 =	vmul.f32 v7, v4;
	v18 =	vld.idx.msk [tilespmem:v18+s18+$0x0], $0xffff  }
0x12d: {  	s10 =	sor.u32 s26, s8;
	[tilespmem:s9+$0x0] =	vst v0;
	v0 =	vadd.f32 v8, v5;
	v15 =	vld.idx.msk [tilespmem:v23+s18+$0x0], $0xffff;
	v5 =	vmul.f32 v9, v14  }
0x12e: {  	s11 =	sor.u32 s19, s8;
	[tilespmem:s10+$0x0] =	vst v1;
	v1 =	vadd.f32 v3, v2  }
0x12f: {  	s3 =	sor.u32 s3, s8;
	s13 =	sor.u32 $0xC000, s23;
	[tilespmem:s11+$0x0] =	vst v0;
	v0 =	vadd.f32 v5, v24  }
0x130: {  	s0 =	sor.u32 s0, s13;
	v4 =	vsub.f32 v21, v22;
	[tilespmem:s3+$0x0] =	vst v1  }
0x131: {  	v6 =	vsub.f32 v17, v16;
	[tilespmem:s0+$0x0] =	vst v0  }
0x132: {  	v2 =	vmul.f32 v4, v19;
	v3 =	vsub.f32 v18, v15;
	s5 =	sld [smem:$0x7F9]  }
0x133: {  	v4 =	vmul.f32 v6, v28  }
0x134: {  	v1 =	vadd.f32 v2, v22;
	s1 =	rddreg [dreg:$0x7];
	v2 =	vmul.f32 v3, v25  }
0x135: {  	s15 =	sor.u32 s20, s13;
	v0 =	vadd.f32 v4, v16;
	s24 =	sor.u32 s1, s5  }
0x136: {  	s16 =	sor.u32 s6, s13;
	[tilespmem:s15+$0x0] =	vst v1;
	v1 =	vadd.f32 v2, v15;
	s19 =	sshll.u32 s24, $0x9  }
0x137: {  	s20 =	sor.u32 s2, s13;
	s25 =	rddreg [dreg:$0x3];
	[tilespmem:s16+$0x0] =	vst v0;
	s23 =	sand.u32 $0x1FFFF000, s19  }
0x138: {  	s26 =	simm.s32 $0x9000;
	s3 =	sshrl.u32 s1, $0x1D;
	[tilespmem:s20+$0x0] =	vst v1;
	s0 =	sadd.s32 s25, s23  }
0x139: {  	[hbm4b:s0+s14] =	stream.strided.scatter [tilespmem:s26], [sflag:$0x3], $0x1000, s17, s14, $0x38;
	[tilespmem:$0x11180] =	vst v63  }
0x13a: {  	s0 =	sadd.s32 s24, s3  }
0x13b: {  	s4 =	sadd.s32 $0x1, s0  }
0x13c: {  	s2 =	sshrl.u32 s4, $0x3  }
0x13d: {  	s2 =	sadd.s32 s12, s2  }
0x13e: {  	s2 =	sshll.u32 s2, $0xC  }
0x13f: {  	s6 =	rddreg [dreg:$0x1a];
	s2 =	sand.u32 $0x1FFFF000, s2  }
0x140: {  	s7 =	simm.s32 $0xA000;
	s8 =	sadd.s32 $0x2, s0;
	s2 =	sadd.s32 s2, s6  }
0x141: {  	[hbm4b:s2+s14] =	stream.strided.scatter [tilespmem:s7], [sflag:$0x3], $0x1000, s17, s14, $0x38;
	[tilespmem:$0x11180] =	vst v63  }
0x142: {  	s0 =	sadd.s32 $0x3, s0;
	s2 =	sshrl.u32 s8, $0x3  }
0x143: {  	s10 =	simm.s32 $0xB000;
	s0 =	sshrl.u32 s0, $0x3;
	s2 =	sadd.s32 s12, s2  }
0x144: {  	s9 =	rddreg [dreg:$0x1b];
	s0 =	sadd.s32 s12, s0;
	s2 =	sshll.u32 s2, $0xC  }
0x145: {  	s11 =	rddreg [dreg:$0x1c];
	s0 =	sshll.u32 s0, $0xC;
	s2 =	sand.u32 $0x1FFFF000, s2  }
0x146: {  	s15 =	sld [smem:$0x7F8];
	s0 =	sand.u32 $0x1FFFF000, s0;
	s2 =	sadd.s32 s2, s9  }
0x147: {  	[hbm4b:s2+s14] =	stream.strided.scatter [tilespmem:s10], [sflag:$0x3], $0x1000, s17, s14, $0x38;
	[tilespmem:$0x11180] =	vst v63  }
0x148: {  	s13 =	simm.s32 $0xC000;
	s0 =	sadd.s32 s0, s11  }
0x149: {  	[hbm4b:s0+s14] =	stream.strided.scatter [tilespmem:s13], [sflag:$0x3], $0x1000, s17, s14, $0x38;
	[tilespmem:$0x11180] =	vst v63  }
0x14a: {  	p2 =	seq.s32 s15, $0x7;
	s0 =	rddreg [dreg:$0x1d]  }
0x14b: {  	s0 =	sadd.s32 @!p2 s5, s0  }
0x14c: {  	s2 =	sshll.u32 @!p2 s0, $0x9  }
0x14d: {  	s1 =	rddreg [dreg:$0x0];
	s3 =	simm.s32 @!p2 $0x80;
	s2 =	sand.u32 @!p2 $0x1FFFF000, s2  }
0x14e: {  	s4 =	simm.s32 @!p2 $0x400;
	s5 =	simm.s32 @!p2 $0x1000;
	s2 =	sadd.s32 @!p2 s1, s2  }
0x14f: {  	[tilespmem:s5], [sflag:$0x1] =	stream.strided.gather @!p2 [hbm4b:s2+s3], $0x1000, s4, s3, $0x38;
	[tilespmem:$0x11180] =	vst v63  }
0x150: {  	s2 =	sxor.u32 @!p2 $0xFFFFFFFF, s0  }
0x151: {  	s5 =	sshra.s32 @!p2 s0, $0x1F;
	s2 =	sshrl.u32 @!p2 s2, $0x1F  }
0x152: {  	s6 =	sshrl.u32 @!p2 s5, $0x1D;
	s2 =	sadd.s32 @!p2 s2, s5  }
0x153: {  	s0 =	sadd.s32 @!p2 s0, s6;
	p3 =	sne.s32 @!p2 s2, $0x1  }
0x154: {  	s5 =	simm.s32 @!p2 $0x1;
	s2 =	sadd.s32 @!p2 $0x1, s0;
	p3 =	por !p3, p2  }
0x155: {  	s2 =	sshrl.u32 @!p2 s2, $0x3;
	s5 =	simm.s32 @p3 $0x0  }
0x156: {  	s2 =	ssub.s32 @!p2 s2, s5  }
0x157: {  	s2 =	sshll.u32 @!p2 s2, $0xC  }
0x158: {  	s1 =	rddreg [dreg:$0xb];
	s2 =	sand.u32 @!p2 $0x1FFFF000, s2  }
0x159: {  	s6 =	simm.s32 @!p2 $0x2000;
	s2 =	sadd.s32 @!p2 s2, s1  }
0x15a: {  	[tilespmem:s6], [sflag:$0x1] =	stream.strided.gather @!p2 [hbm4b:s2+s3], $0x1000, s4, s3, $0x38;
	[tilespmem:$0x11180] =	vst v63  }
0x15b: {  	s2 =	sadd.s32 @!p2 $0x2, s0  }
0x15c: {  	s0 =	sadd.s32 @!p2 $0x3, s0;
	s2 =	sshrl.u32 @!p2 s2, $0x3  }
0x15d: {  	s0 =	sshrl.u32 @!p2 s0, $0x3;
	s2 =	ssub.s32 @!p2 s2, s5  }
0x15e: {  	s1 =	rddreg [dreg:$0xd];
	s0 =	ssub.s32 @!p2 s0, s5;
	s2 =	sshll.u32 @!p2 s2, $0xC  }
0x15f: {  	s6 =	simm.s32 @!p2 $0x3000;
	s0 =	sshll.u32 @!p2 s0, $0xC;
	s2 =	sand.u32 @!p2 $0x1FFFF000, s2  }
0x160: {  	s0 =	sand.u32 @!p2 $0x1FFFF000, s0;
	s2 =	sadd.s32 @!p2 s2, s1;
	s1 =	rddreg [dreg:$0xe]  }
0x161: {  	[tilespmem:s6], [sflag:$0x1] =	stream.strided.gather @!p2 [hbm4b:s2+s3], $0x1000, s4, s3, $0x38;
	[tilespmem:$0x11180] =	vst v63  }
0x162: {  	s0 =	sadd.s32 @!p2 s0, s1;
	s2 =	simm.s32 @!p2 $0x4000  }
0x163: {  	[tilespmem:s2], [sflag:$0x1] =	stream.strided.gather @!p2 [hbm4b:s0+s3], $0x1000, s4, s3, $0x38;
	[tilespmem:$0x11180] =	vst v63  }
0x164: {  	_ =	swait.ge [sflag:s22], $0x1000  }
0x165: {  	[sflag:s22] =	ssyncset.done $0x0  }
0x166: {  	[sflag:s22] =	ssyncadd.s32 $0xFFFFF000  }
0x167: {  	_ =	swait.ge [sflag:s22], $0x1000  }
0x168: {  	[sflag:s22] =	ssyncset.done $0x0  }
0x169: {  	[sflag:s22] =	ssyncadd.s32 $0xFFFFF000  }
0x16a: {  	_ =	swait.ge [sflag:s22], $0x1000  }
0x16b: {  	[sflag:s22] =	ssyncset.done $0x0  }
0x16c: {  	[sflag:s22] =	ssyncadd.s32 $0xFFFFF000  }
0x16d: {  	_ =	swait.ge [sflag:s22], $0x1000  }
0x16e: {  	[sflag:s22] =	ssyncset.done $0x0  }
0x16f: {  	s0 =	simm.s32 @!p1 $0x4;
	[sflag:s22] =	ssyncadd.s32 $0xFFFFF000  }
0x170: {  	_ =	swait.ge @!p1 [sflag:s0], $0x1000  }
0x171: {  	[sflag:s0] =	ssyncset.done @!p1 $0x0  }
0x172: {  	[sflag:s0] =	ssyncadd.s32 @!p1 $0xFFFFF000  }
0x173: {  	_ =	swait.ge @!p1 [sflag:s0], $0x1000  }
0x174: {  	[sflag:s0] =	ssyncset.done @!p1 $0x0  }
0x175: {  	[sflag:s0] =	ssyncadd.s32 @!p1 $0xFFFFF000  }
0x176: {  	_ =	swait.ge @!p1 [sflag:s0], $0x1000  }
0x177: {  	[sflag:s0] =	ssyncset.done @!p1 $0x0  }
0x178: {  	[sflag:s0] =	ssyncadd.s32 @!p1 $0xFFFFF000  }
0x179: {  	_ =	swait.ge @!p1 [sflag:s0], $0x1000  }
0x17a: {  	[sflag:s0] =	ssyncset.done @!p1 $0x0  }
0x17b: {  	s16 =	simm.s32 $0x20;
	[sflag:s0] =	ssyncadd.s32 @!p1 $0xFFFFF000  }
0x17c: {  	v0 =	vld [tilespmem:s16+$0x10]  }
0x17d: {  	v1 =	vld [tilespmem:s16+$0x0];
	_ =	sdelay $0x2  }
0x17e: {  	v2 =	vld [tilespmem:s16+$0xFFFFFFF0]  }
0x17f: {  	v3 =	vtrunc.f32 v0  }
0x180: {  	v4 =	vtrunc.f32 v1;
	v16 =	vcvt.f32.s32 v3  }
0x181: {  	v18 =	vcvt.f32.s32 v4  }
0x182: {  	v3 =	vadd.s32 $0x1, v16  }
0x183: {  	v4 =	vtrunc.f32 v2;
	v5 =	vadd.s32 $0x1, v18;
	vm0 =	vlt.s32 v3, $0xFFF  }
0x184: {  	v19 =	vcvt.f32.s32 v4;
	vm1 =	vlt.s32 v5, $0xFFF;
	v17 =	vnsel vm0, $0xFFF, v3  }
0x185: {  	v3 =	vld [tilespmem:s16+$0xFFFFFFE0];
	v14 =	vnsel vm1, $0xFFF, v5  }
0x186: {  	v4 =	vadd.s32 $0x1, v19  }
0x187: {  	vm6 =	vlt.s32 v4, $0xFFF;
	v5 =	vld.idx.msk [tilespmem:v18+s21+$0x0], $0xffff  }
0x188: {  	v28 =	vnsel vm6, $0xFFF, v4;
	v4 =	vld.idx.msk [tilespmem:v16+s21+$0x0], $0xffff  }
0x189: {  	v6 =	vld.idx.msk [tilespmem:v17+s21+$0x0], $0xffff  }
0x18a: {  	s19 =	simm.s32 $0x60;
	v10 =	vcvt.s32.f32 v18;
	v7 =	vtrunc.f32 v3;
	v8 =	vld.idx.msk [tilespmem:v14+s21+$0x0], $0xffff  }
0x18b: {  	v22 =	vld [tilespmem:s19+$0x0];
	v12 =	vcvt.f32.s32 v7;
	v7 =	vcvt.s32.f32 v16  }
0x18c: {  	v9 =	vld.idx.msk [tilespmem:v19+s21+$0x0], $0xffff  }
0x18d: {  	v13 =	vcvt.s32.f32 v19;
	v25 =	vsub.f32 v1, v10;
	v30 =	vsub.f32 v0, v7;
	v7 =	vld.idx.msk [tilespmem:v28+s21+$0x0], $0xffff  }
0x18e: {  	v10 =	vadd.s32 $0x1000, v16;
	v11 =	vadd.s32 $0x1, v12;
	v1 =	vsub.f32 v6, v4  }
0x18f: {  	v23 =	vld [tilespmem:s19+$0xFFFFFFE0];
	v0 =	vsub.f32 v2, v13;
	vm7 =	vlt.s32 v11, $0xFFF;
	v2 =	vsub.f32 v8, v5  }
0x190: {  	s5 =	simm.s32 $0x0;
	v24 =	vld [tilespmem:s19+$0x10];
	v32 =	vnsel vm7, $0xFFF, v11;
	v8 =	vadd.s32 $0x1000, v18;
	v1 =	vmul.f32 v1, v30  }
0x191: {  	s20 =	simm.s32 $0x30;
	s8 =	simm.s32 $0xA0;
	s13 =	sand.u32 $0xF80, s5;
	v26 =	vld [tilespmem:s19+$0xFFFFFFF0];
	v11 =	vadd.s32 $0x1000, v17;
	v6 =	vtrunc.f32 v22;
	v2 =	vmul.f32 v2, v25  }
0x192: {  	s6 =	sor.u32 $0xD000, s13;
	v37 =	vld [tilespmem:s8+$0xFFFFFFE0];
	s16 =	sand.u32 $0x70, s20;
	v6 =	vcvt.f32.s32 v6;
	v1 =	vadd.f32 v1, v4;
	v4 =	vsub.f32 v7, v9  }
0x193: {  	s23 =	simm.s32 $0x20;
	v38 =	vld [tilespmem:s8+$0xFFFFFFF0];
	s2 =	sor.u32 s16, s6;
	v2 =	vadd.f32 v2, v5;
	v5 =	vadd.s32 $0x1000, v14  }
0x194: {  	s3 =	sand.u32 $0x60, s23;
	v21 =	vld.idx.msk [tilespmem:v12+s21+$0x0], $0xffff;
	v7 =	vadd.s32 $0x1, v6;
	[tilespmem:s2+$0x0] =	vst v1;
	v1 =	vmul.f32 v4, v0;
	v4 =	vadd.s32 $0x1000, v19  }
0x195: {  	s25 =	simm.s32 $0x10;
	s0 =	sor.u32 s3, s6;
	vm8 =	vlt.s32 v7, $0xFFF;
	v10 =	vld.idx.msk [tilespmem:v10+s21+$0x0], $0xffff  }
0x196: {  	v13 =	vtrunc.f32 v24;
	[tilespmem:s0+$0x0] =	vst v2;
	s0 =	sand.u32 $0x50, s25;
	v7 =	vnsel vm8, $0xFFF, v7;
	v1 =	vadd.f32 v1, v9;
	v9 =	vld.idx.msk [tilespmem:v11+s21+$0x0], $0xffff  }
0x197: {  	v15 =	vtrunc.f32 v23;
	v13 =	vcvt.f32.s32 v13;
	v29 =	vld.idx.msk [tilespmem:v8+s21+$0x0], $0xffff;
	s2 =	sor.u32 s0, s6  }
0x198: {  	v2 =	vcvt.f32.s32 v15;
	v8 =	vtrunc.f32 v26;
	v31 =	vld.idx.msk [tilespmem:v5+s21+$0x0], $0xffff;
	[tilespmem:s2+$0x0] =	vst v1  }
0x199: {  	v5 =	vcvt.f32.s32 v8;
	v49 =	vld.idx.msk [tilespmem:v4+s21+$0x0], $0xffff;
	v4 =	vadd.s32 $0x1, v13  }
0x19a: {  	v53 =	vld.idx.msk [tilespmem:v6+s21+$0x0], $0xffff;
	v8 =	vadd.s32 $0x1, v2;
	v1 =	vadd.s32 $0x1000, v28;
	vm9 =	vlt.s32 v4, $0xFFF  }
0x19b: {  	vm10 =	vlt.s32 v8, $0xFFF;
	v9 =	vsub.f32 v9, v10;
	v15 =	vnsel vm9, $0xFFF, v4;
	v4 =	vld.idx.msk [tilespmem:v7+s21+$0x0], $0xffff  }
0x19c: {  	v27 =	vld.idx.msk [tilespmem:v32+s21+$0x0], $0xffff;
	v11 =	vadd.s32 $0x1, v5;
	v8 =	vnsel vm10, $0xFFF, v8  }
0x19d: {  	v54 =	vld.idx.msk [tilespmem:v13+s21+$0x0], $0xffff;
	vm11 =	vlt.s32 v11, $0xFFF;
	v31 =	vsub.f32 v31, v29;
	v9 =	vmul.f32 v9, v30  }
0x19e: {  	v55 =	vadd.s32 $0x2000, v16;
	v56 =	vcvt.s32.f32 v6;
	v20 =	vld.idx.msk [tilespmem:v2+s21+$0x0], $0xffff;
	v11 =	vnsel vm11, $0xFFF, v11  }
0x19f: {  	v58 =	vadd.s32 $0x2000, v17;
	v9 =	vadd.f32 v9, v10;
	v10 =	vmul.f32 v31, v25;
	v31 =	vld.idx.msk [tilespmem:v1+s21+$0x0], $0xffff  }
0x1a0: {  	v60 =	vcvt.s32.f32 v12;
	s2 =	sor.u32 $0xE000, s13;
	v1 =	vsub.f32 v22, v56;
	v22 =	vld.idx.msk [tilespmem:v15+s21+$0x0], $0xffff;
	v4 =	vsub.f32 v4, v53  }
0x1a1: {  	v57 =	vadd.s32 $0x2000, v18;
	s26 =	sor.u32 s16, s2;
	v39 =	vld.idx.msk [tilespmem:v5+s21+$0x0], $0xffff  }
0x1a2: {  	s9 =	simm.s32 $0x40;
	v3 =	vsub.f32 v3, v60;
	v59 =	vld.idx.msk [tilespmem:v8+s21+$0x0], $0xffff;
	[tilespmem:s26+$0x0] =	vst v9;
	v9 =	vadd.s32 $0x1000, v6;
	v4 =	vmul.f32 v4, v1  }
0x1a3: {  	s7 =	simm.s32 $0x60;
	v62 =	vcvt.s32.f32 v13;
	v61 =	vld.idx.msk [tilespmem:v11+s21+$0x0], $0xffff;
	v10 =	vadd.f32 v10, v29;
	v29 =	vadd.s32 $0x2000, v14;
	s26 =	sand.u32 $0xF80, s9  }
0x1a4: {  	s28 =	sand.u32 $0x60, s7;
	v52 =	vadd.s32 $0x1000, v7;
	v27 =	vsub.f32 v27, v21;
	s1 =	sor.u32 s3, s2;
	v36 =	vld.idx.msk [tilespmem:v55+s21+$0x0], $0xffff;
	s10 =	sor.u32 $0xD000, s26;
	v4 =	vadd.f32 v4, v53  }
0x1a5: {  	v51 =	vcvt.s32.f32 v2;
	[tilespmem:s1+$0x0] =	vst v10;
	v10 =	vsub.f32 v24, v62;
	s4 =	sor.u32 s28, s10;
	v24 =	vld.idx.msk [tilespmem:v58+s21+$0x0], $0xffff;
	v22 =	vsub.f32 v22, v54  }
0x1a6: {  	v50 =	vcvt.s32.f32 v5;
	v27 =	vmul.f32 v27, v3;
	v63 =	vld.idx.msk [tilespmem:v57+s21+$0x0], $0xffff;
	v31 =	vsub.f32 v31, v49;
	[tilespmem:s4+$0x0] =	vst v4  }
0x1a7: {  	v53 =	vadd.s32 $0x1000, v15;
	v41 =	vld.idx.msk [tilespmem:v9+s21+$0x0], $0xffff;
	v9 =	vmul.f32 v22, v10;
	v22 =	vadd.s32 $0x1000, v13  }
0x1a8: {  	s15 =	simm.s32 $0x70;
	v29 =	vld.idx.msk [tilespmem:v29+s21+$0x0], $0xffff;
	v4 =	vsub.f32 v23, v51;
	v23 =	vsub.f32 v59, v20;
	v31 =	vmul.f32 v31, v0  }
0x1a9: {  	s11 =	sand.u32 $0x70, s15;
	v40 =	vld [tilespmem:s8+$0x10];
	v35 =	vadd.f32 v9, v54;
	v54 =	vadd.s32 $0x2000, v28;
	v9 =	vsub.f32 v26, v50  }
0x1aa: {  	v46 =	vld [tilespmem:s8+$0x0];
	s7 =	sor.u32 s11, s10;
	v26 =	vmul.f32 v23, v4;
	v23 =	vadd.f32 v31, v49;
	v31 =	vadd.s32 $0x2000, v19  }
0x1ab: {  	v18 =	vadd.s32 $0x3000, v18;
	v56 =	vadd.s32 $0x1000, v32;
	v55 =	vsub.f32 v61, v39;
	v43 =	vld.idx.msk [tilespmem:v52+s21+$0x0], $0xffff;
	[tilespmem:s7+$0x0] =	vst v35  }
0x1ac: {  	s19 =	sor.u32 s0, s2;
	v21 =	vadd.f32 v27, v21;
	v57 =	vadd.s32 $0x1000, v12;
	v42 =	vld.idx.msk [tilespmem:v22+s21+$0x0], $0xffff;
	v22 =	vsub.f32 v24, v36  }
0x1ad: {  	v50 =	vadd.s32 $0x1000, v11;
	[tilespmem:s19+$0x0] =	vst v23;
	v23 =	vmul.f32 v55, v9;
	s19 =	sand.u32 $0x40, s5;
	v24 =	vsub.f32 v29, v63;
	v44 =	vld.idx.msk [tilespmem:v53+s21+$0x0], $0xffff  }
0x1ae: {  	s20 =	simm.s32 $0x50;
	v27 =	vadd.s32 $0x3000, v16;
	v14 =	vadd.s32 $0x3000, v14;
	s5 =	sor.u32 s19, s6;
	v16 =	vmul.f32 v22, v30;
	v45 =	vld.idx.msk [tilespmem:v54+s21+$0x0], $0xffff  }
0x1af: {  	s20 =	sand.u32 $0x50, s20;
	v58 =	vtrunc.f32 v40;
	v23 =	vadd.f32 v23, v39;
	[tilespmem:s5+$0x0] =	vst v21;
	v24 =	vmul.f32 v24, v25;
	v31 =	vld.idx.msk [tilespmem:v31+s21+$0x0], $0xffff  }
0x1b0: {  	s23 =	sor.u32 $0xF000, s13;
	s4 =	sor.u32 s20, s10;
	v59 =	vtrunc.f32 v37;
	v29 =	vadd.s32 $0x1000, v5;
	v35 =	vld.idx.msk [tilespmem:v56+s21+$0x0], $0xffff;
	v16 =	vadd.f32 v16, v36  }
0x1b1: {  	s25 =	sor.u32 s16, s23;
	v21 =	vtrunc.f32 v38;
	v22 =	vtrunc.f32 v46;
	v60 =	vld.idx.msk [tilespmem:v57+s21+$0x0], $0xffff;
	[tilespmem:s4+$0x0] =	vst v23;
	v34 =	vadd.f32 v24, v63  }
0x1b2: {  	v17 =	vadd.s32 $0x3000, v17;
	s1 =	sor.u32 s3, s23;
	v22 =	vcvt.f32.s32 v22;
	v24 =	vcvt.f32.s32 v58;
	v50 =	vld.idx.msk [tilespmem:v50+s21+$0x0], $0xffff;
	[tilespmem:s25+$0x0] =	vst v16  }
0x1b3: {  	v47 =	vadd.s32 $0x2000, v12;
	v23 =	vcvt.f32.s32 v59;
	v16 =	vcvt.f32.s32 v21;
	[tilespmem:s1+$0x0] =	vst v34;
	v48 =	vld.idx.msk [tilespmem:v27+s21+$0x0], $0xffff  }
0x1b4: {  	v61 =	vadd.s32 $0x2000, v32;
	v63 =	vcvt.s32.f32 v24;
	v27 =	vadd.s32 $0x1, v22;
	v53 =	vld.idx.msk [tilespmem:v18+s21+$0x0], $0xffff  }
0x1b5: {  	v18 =	vadd.s32 $0x1, v23;
	v54 =	vld.idx.msk [tilespmem:v14+s21+$0x0], $0xffff;
	v14 =	vsub.f32 v44, v42;
	v21 =	vadd.s32 $0x1, v16  }
0x1b6: {  	v33 =	vld.idx.msk [tilespmem:v29+s21+$0x0], $0xffff;
	v45 =	vsub.f32 v45, v31;
	vm13 =	vlt.s32 v27, $0xFFF;
	vm12 =	vlt.s32 v21, $0xFFF  }
0x1b7: {  	v51 =	vld.idx.msk [tilespmem:v17+s21+$0x0], $0xffff;
	vm14 =	vlt.s32 v18, $0xFFF;
	v17 =	vnsel vm12, $0xFFF, v21;
	v21 =	vnsel vm13, $0xFFF, v27  }
0x1b8: {  	v28 =	vadd.s32 $0x3000, v28;
	v44 =	vld.idx.msk [tilespmem:v22+s21+$0x0], $0xffff;
	v18 =	vnsel vm14, $0xFFF, v18;
	v27 =	vsub.f32 v35, v60  }
0x1b9: {  	v29 =	vld.idx.msk [tilespmem:v23+s21+$0x0], $0xffff;
	v55 =	vmul.f32 v14, v10;
	v14 =	vsub.f32 v40, v63;
	v40 =	vmul.f32 v45, v0  }
0x1ba: {  	v58 =	vsub.f32 v43, v41;
	v62 =	vadd.s32 $0x1, v24;
	v36 =	vld.idx.msk [tilespmem:v24+s21+$0x0], $0xffff;
	v56 =	vmul.f32 v27, v3  }
0x1bb: {  	vm15 =	vlt.s32 v62, $0xFFF;
	v57 =	vcvt.s32.f32 v16;
	v31 =	vadd.f32 v40, v31;
	v34 =	vld.idx.msk [tilespmem:v16+s21+$0x0], $0xffff  }
0x1bc: {  	s7 =	sor.u32 s0, s23;
	v27 =	vnsel vm15, $0xFFF, v62;
	v59 =	vsub.f32 v51, v48;
	v39 =	vadd.f32 v56, v60;
	v43 =	vld.idx.msk [tilespmem:v21+s21+$0x0], $0xffff  }
0x1bd: {  	s2 =	sor.u32 s19, s2;
	v35 =	vmul.f32 v58, v1;
	v42 =	vadd.f32 v55, v42;
	v40 =	vadd.s32 $0x2000, v13;
	[tilespmem:s7+$0x0] =	vst v31;
	v55 =	vld.idx.msk [tilespmem:v18+s21+$0x0], $0xffff  }
0x1be: {  	s15 =	sor.u32 $0xE000, s26;
	v62 =	vsub.f32 v54, v53;
	v30 =	vmul.f32 v59, v30;
	v31 =	vld.idx.msk [tilespmem:v28+s21+$0x0], $0xffff;
	[tilespmem:s2+$0x0] =	vst v39;
	v39 =	vadd.s32 $0x3000, v19  }
0x1bf: {  	s6 =	sor.u32 s11, s15;
	v56 =	vadd.s32 $0x2000, v6;
	v19 =	vadd.f32 v35, v41;
	v49 =	vld.idx.msk [tilespmem:v61+s21+$0x0], $0xffff;
	v61 =	vcvt.s32.f32 v22  }
0x1c0: {  	s8 =	sor.u32 s28, s15;
	[tilespmem:s6+$0x0] =	vst v42;
	v60 =	vcvt.s32.f32 v23;
	v59 =	vmul.f32 v62, v25;
	v63 =	vadd.f32 v30, v48;
	v42 =	vld.idx.msk [tilespmem:v47+s21+$0x0], $0xffff  }
0x1c1: {  	v52 =	vadd.s32 $0x2000, v15;
	v54 =	vld.idx.msk [tilespmem:v27+s21+$0x0], $0xffff;
	[tilespmem:s8+$0x0] =	vst v19;
	v19 =	vsub.f32 v46, v61;
	v30 =	vsub.f32 v43, v44  }
0x1c2: {  	s31 =	simm.s32 $0x8;
	s13 =	sor.u32 $0x10000, s13;
	v28 =	vsub.f32 v38, v57;
	v38 =	vadd.s32 $0x2000, v7;
	v25 =	vsub.f32 v37, v60;
	v45 =	vld.idx.msk [tilespmem:v40+s21+$0x0], $0xffff  }
0x1c3: {  	s30 =	simm.s32 $0xB0;
	s16 =	sor.u32 s16, s13;
	s5 =	simm.s32 $0x80;
	v60 =	vsub.f32 v50, v33;
	v62 =	vmul.f32 v30, v19;
	v30 =	vld.idx.msk [tilespmem:v39+s21+$0x0], $0xffff;
	v39 =	vadd.s32 $0x1000, v22  }
0x1c4: {  	s25 =	sand.u32 $0xF80, s5;
	v35 =	vadd.s32 $0x2000, v11;
	s2 =	sor.u32 s19, s23;
	s23 =	simm.s32 $0xA0;
	[tilespmem:s16+$0x0] =	vst v63;
	v63 =	vadd.f32 v59, v53;
	v61 =	vsub.f32 v55, v29;
	v37 =	vld.idx.msk [tilespmem:v56+s21+$0x0], $0xffff  }
0x1c5: {  	s3 =	sor.u32 s3, s13;
	s6 =	sor.u32 $0xD000, s25;
	s23 =	sand.u32 $0x60, s23;
	v41 =	vmul.f32 v60, v9;
	v43 =	vld.idx.msk [tilespmem:v17+s21+$0x0], $0xffff;
	v49 =	vsub.f32 v49, v42;
	v48 =	vadd.f32 v62, v44  }
0x1c6: {  	s16 =	sor.u32 s0, s13;
	s0 =	sor.u32 s23, s6;
	v46 =	vadd.s32 $0x3000, v32;
	[tilespmem:s3+$0x0] =	vst v63;
	s3 =	simm.s32 $0xE0;
	v40 =	vmul.f32 v61, v25;
	v47 =	vsub.f32 v54, v36;
	v44 =	vld.idx.msk [tilespmem:v52+s21+$0x0], $0xffff  }
.LBB2_5:
0x1c7: {  	s31 =	sadd.s32 $0x4, s31;
	[tilespmem:s0+$0x0] =	vst v48;
	v33 =	vadd.f32 v41, v33;
	v48 =	vld.idx.msk [tilespmem:v38+s21+$0x0], $0xffff;
	v38 =	vmul.f32 v49, v3  }
0x1c8: {  	v49 =	vadd.s32 $0x1000, v24;
	s0 =	sor.u32 s20, s15;
	v50 =	vadd.s32 $0x3000, v12;
	v12 =	vmovc v2;
	v2 =	vmovc v23;
	p1 =	slt.u32 s31, $0xFC;
	v41 =	vld.idx.msk [tilespmem:v39+s21+$0x0], $0xffff;
	v47 =	vmul.f32 v47, v14  }
0x1c9: {  	v23 =	vadd.s32 $0x1000, v27;
	v39 =	vadd.s32 $0x2000, v12;
	v32 =	vld [tilespmem:s3+$0xFFFFFFE0];
	[tilespmem:s0+$0x0] =	vst v33;
	v33 =	vadd.f32 v38, v42  }
0x1ca: {  	s0 =	sand.u32 $0x70, s30;
	v42 =	vadd.s32 $0x2000, v8;
	v38 =	vld [tilespmem:s3+$0xFFFFFFF0];
	v36 =	vadd.f32 v47, v36;
	v47 =	vadd.s32 $0x3000, v6;
	v6 =	vmovc v22  }
0x1cb: {  	v53 =	vadd.s32 $0x3000, v13;
	v13 =	vmovc v24;
	v52 =	vadd.s32 $0x1000, v12;
	v22 =	vadd.s32 $0x1000, v21;
	s4 =	sor.u32 s0, s6;
	v51 =	vld [tilespmem:s3+$0x10];
	[tilespmem:s2+$0x0] =	vst v33  }
0x1cc: {  	v24 =	vsub.f32 v43, v34;
	v33 =	vadd.s32 $0x2000, v5;
	[tilespmem:s4+$0x0] =	vst v36;
	v36 =	vsub.f32 v44, v45;
	v46 =	vld.idx.msk [tilespmem:v46+s21+$0x0], $0xffff  }
0x1cd: {  	v54 =	vadd.s32 $0x1000, v8;
	v31 =	vsub.f32 v31, v30;
	v44 =	vsub.f32 v48, v37;
	v43 =	vld [tilespmem:s3+$0x0]  }
0x1ce: {  	v24 =	vmul.f32 v24, v28;
	v48 =	vadd.s32 $0x1000, v16;
	v36 =	vmul.f32 v36, v10;
	v50 =	vld.idx.msk [tilespmem:v50+s21+$0x0], $0xffff  }
0x1cf: {  	v55 =	vadd.s32 $0x1000, v17;
	v31 =	vmul.f32 v31, v0;
	v0 =	vmovc v9;
	v44 =	vmul.f32 v44, v1;
	v49 =	vld.idx.msk [tilespmem:v49+s21+$0x0], $0xffff  }
0x1d0: {  	v9 =	vmovc v28;
	v34 =	vadd.f32 v24, v34;
	s2 =	sor.u32 $0xF000, s26;
	v56 =	vtrunc.f32 v51;
	v57 =	vld.idx.msk [tilespmem:v22+s21+$0x0], $0xffff;
	v22 =	vadd.f32 v36, v45  }
0x1d1: {  	s4 =	sand.u32 $0x40, s9;
	s1 =	sor.u32 s28, s2;
	s7 =	sor.u32 s11, s2;
	v24 =	vadd.f32 v31, v30;
	v36 =	vadd.s32 $0x3000, v15;
	v28 =	vld.idx.msk [tilespmem:v23+s21+$0x0], $0xffff;
	v23 =	vadd.f32 v26, v20;
	v20 =	vmovc v29  }
0x1d2: {  	s9 =	sadd.s32 $0xFFFFFFE0, s30;
	s8 =	sor.u32 s20, s2;
	s10 =	sor.u32 s4, s10;
	v45 =	vtrunc.f32 v38;
	v31 =	vadd.f32 v44, v37;
	v15 =	vmovc v27;
	v29 =	vtrunc.f32 v43;
	v30 =	vld.idx.msk [tilespmem:v35+s21+$0x0], $0xffff;
	[tilespmem:s7+$0x0] =	vst v22  }
0x1d3: {  	s2 =	sor.u32 s4, s2;
	v37 =	vcvt.f32.s32 v45;
	v44 =	vadd.s32 $0x2000, v15;
	v26 =	vmovc v40;
	s7 =	sand.u32 $0x50, s9;
	s9 =	smov.u32 s5;
	v22 =	vcvt.f32.s32 v29;
	[tilespmem:s10+$0x0] =	vst v23;
	v35 =	vld.idx.msk [tilespmem:v33+s21+$0x0], $0xffff  }
0x1d4: {  	v23 =	vtrunc.f32 v32;
	s5 =	sor.u32 s7, s6;
	v29 =	vadd.s32 $0x3000, v7;
	v40 =	vsub.f32 v46, v50;
	v7 =	vmovc v21;
	s10 =	smov.u32 s6;
	v27 =	vld.idx.msk [tilespmem:v54+s21+$0x0], $0xffff;
	[tilespmem:s16+$0x0] =	vst v24  }
0x1d5: {  	v21 =	vadd.s32 $0x1, v37;
	v24 =	vcvt.f32.s32 v56;
	v45 =	vadd.s32 $0x1, v22;
	[tilespmem:s5+$0x0] =	vst v34;
	v46 =	vld.idx.msk [tilespmem:v52+s21+$0x0], $0xffff  }
0x1d6: {  	v23 =	vcvt.f32.s32 v23;
	vm0 =	vlt.s32 v21, $0xFFF;
	v33 =	vld.idx.msk [tilespmem:v48+s21+$0x0], $0xffff;
	[tilespmem:s1+$0x0] =	vst v31;
	v31 =	vmul.f32 v40, v3;
	v3 =	vmovc v4  }
0x1d7: {  	v40 =	vnsel vm0, $0xFFF, v21;
	vm0 =	vlt.s32 v45, $0xFFF;
	v28 =	vsub.f32 v28, v49;
	v4 =	vmovc v25;
	v48 =	vld.idx.msk [tilespmem:v53+s21+$0x0], $0xffff  }
0x1d8: {  	v25 =	vadd.s32 $0x1, v23;
	v34 =	vadd.s32 $0x1, v24;
	v52 =	vld.idx.msk [tilespmem:v36+s21+$0x0], $0xffff;
	v31 =	vadd.f32 v31, v50  }
0x1d9: {  	s1 =	sor.u32 s19, s13;
	s19 =	smov.u32 s4;
	vm1 =	vlt.s32 v25, $0xFFF;
	v21 =	vnsel vm0, $0xFFF, v45;
	v36 =	vcvt.s32.f32 v24;
	v45 =	vld.idx.msk [tilespmem:v47+s21+$0x0], $0xffff  }
0x1da: {  	vm0 =	vlt.s32 v34, $0xFFF;
	v50 =	vnsel vm1, $0xFFF, v25;
	v25 =	vmul.f32 v28, v14;
	v28 =	vld.idx.msk [tilespmem:v29+s21+$0x0], $0xffff;
	[tilespmem:s1+$0x0] =	vst v31  }
0x1db: {  	v31 =	vcvt.s32.f32 v37;
	v51 =	vsub.f32 v51, v36;
	v53 =	vsub.f32 v27, v46;
	v47 =	vld.idx.msk [tilespmem:v22+s21+$0x0], $0xffff  }
0x1dc: {  	v56 =	vadd.s32 $0x2000, v13;
	v54 =	vcvt.s32.f32 v23;
	v30 =	vsub.f32 v30, v35;
	v29 =	vld.idx.msk [tilespmem:v23+s21+$0x0], $0xffff  }
0x1dd: {  	v57 =	vsub.f32 v57, v41;
	v27 =	vnsel vm0, $0xFFF, v34;
	v53 =	vmul.f32 v53, v3;
	v36 =	vld.idx.msk [tilespmem:v24+s21+$0x0], $0xffff  }
0x1de: {  	s1 =	sor.u32 $0xE000, s25;
	v25 =	vadd.f32 v25, v49;
	v30 =	vmul.f32 v30, v0;
	v49 =	vsub.f32 v52, v48;
	v34 =	vld.idx.msk [tilespmem:v37+s21+$0x0], $0xffff  }
0x1df: {  	s30 =	sadd.s32 $0x40, s30;
	v57 =	vmul.f32 v57, v19;
	s4 =	sor.u32 s23, s1;
	s5 =	sor.u32 s0, s1;
	v46 =	vadd.f32 v53, v46;
	v52 =	vld.idx.msk [tilespmem:v21+s21+$0x0], $0xffff  }
0x1e0: {  	v10 =	vmul.f32 v49, v10;
	v53 =	vld.idx.msk [tilespmem:v55+s21+$0x0], $0xffff;
	[tilespmem:s5+$0x0] =	vst v25;
	s5 =	sor.u32 s19, s15;
	v25 =	vadd.f32 v30, v35;
	v30 =	vadd.s32 $0x3000, v11;
	s15 =	smov.u32 s1  }
0x1e1: {  	v57 =	vadd.f32 v57, v41;
	v28 =	vsub.f32 v28, v45;
	v35 =	vadd.s32 $0x2000, v17;
	v49 =	vld.idx.msk [tilespmem:v50+s21+$0x0], $0xffff;
	[tilespmem:s5+$0x0] =	vst v46  }
0x1e2: {  	s13 =	sor.u32 $0x10000, s26;
	s26 =	smov.u32 s25;
	v41 =	vcvt.s32.f32 v22;
	v55 =	vadd.s32 $0x3000, v5;
	v5 =	vmovc v16;
	v46 =	vld.idx.msk [tilespmem:v42+s21+$0x0], $0xffff;
	[tilespmem:s8+$0x0] =	vst v25;
	v25 =	vadd.f32 v10, v48  }
0x1e3: {  	s16 =	sor.u32 s20, s13;
	s1 =	sor.u32 s28, s13;
	v16 =	vmovc v37;
	v11 =	vmov v17;
	v17 =	vmov v40;
	v48 =	vmul.f32 v28, v1;
	[tilespmem:s4+$0x0] =	vst v57;
	v42 =	vld.idx.msk [tilespmem:v39+s21+$0x0], $0xffff;
	s4 =	sor.u32 s11, s13  }
0x1e4: {  	v58 =	vadd.s32 $0x2000, v6;
	s20 =	smov.u32 s7;
	v37 =	vsub.f32 v43, v41;
	s28 =	smov.u32 s23;
	v10 =	vmovc v14;
	v14 =	vmov v51;
	s11 =	smov.u32 s0;
	v57 =	vld.idx.msk [tilespmem:v27+s21+$0x0], $0xffff;
	[tilespmem:s4+$0x0] =	vst v25  }
0x1e5: {  	v28 =	vsub.f32 v38, v31;
	v38 =	vadd.s32 $0x2000, v7;
	v1 =	vmovc v19;
	v41 =	vsub.f32 v52, v47;
	v31 =	vld.idx.msk [tilespmem:v30+s21+$0x0], $0xffff  }
.Ltmp3:
0x1e6: {  	v19 =	vmovc v37;
	v39 =	vadd.s32 $0x1000, v22;
	v25 =	vsub.f32 v32, v54;
	v32 =	vsub.f32 v53, v33;
	v43 =	vld.idx.msk [tilespmem:v40+s21+$0x0], $0xffff;
	(pc) =	sbr.rel @p1 .LBB2_5-.Ltmp3, $4  }
0x1e7: {  	s5 =	sadd.s32 $0xFFFFFFD0, s30;
	v51 =	vadd.f32 v48, v45;
	v37 =	vsub.f32 v49, v29;
	v49 =	vmul.f32 v41, v19;
	v30 =	vld.idx.msk [tilespmem:v55+s21+$0x0], $0xffff  }
0x1e8: {  	s25 =	sand.u32 $0xF80, s5;
	s0 =	sadd.s32 $0xFFFFFFF0, s30;
	v41 =	vmul.f32 v32, v9;
	v45 =	vld.idx.msk [tilespmem:v56+s21+$0x0], $0xffff  }
0x1e9: {  	s6 =	sor.u32 $0xD000, s25;
	s23 =	sand.u32 $0x60, s0;
	v40 =	vmul.f32 v37, v25;
	v48 =	vadd.f32 v49, v47;
	v49 =	vsub.f32 v46, v42;
	v37 =	vld.idx.msk [tilespmem:v58+s21+$0x0], $0xffff  }
0x1ea: {  	s3 =	sadd.s32 $0x40, s3;
	s0 =	sor.u32 s23, s6;
	v46 =	vadd.s32 $0x3000, v8;
	v8 =	vmovc v18;
	v18 =	vmov v50;
	v47 =	vsub.f32 v57, v36;
	v44 =	vld.idx.msk [tilespmem:v44+s21+$0x0], $0xffff;
	[tilespmem:s1+$0x0] =	vst v51  }
0x1eb: {  	_ = 	snop  }
0x1ec: {  	v32 =	vmul.f32 v49, v3  }
0x1ed: {  	v12 =	vadd.s32 $0x3000, v12  }
0x1ee: {  	v61 =	vadd.s32 $0x1000, v24;
	v47 =	vmul.f32 v47, v14;
	v32 =	vadd.f32 v32, v42  }
0x1ef: {  	[tilespmem:s0+$0x0] =	vst v48;
	v38 =	vld.idx.msk [tilespmem:v38+s21+$0x0], $0xffff;
	v62 =	vadd.s32 $0x1000, v27  }
0x1f0: {  	v59 =	vadd.s32 $0x1000, v8;
	s0 =	sand.u32 $0x70, s30;
	v39 =	vld.idx.msk [tilespmem:v39+s21+$0x0], $0xffff;
	v36 =	vadd.f32 v47, v36;
	[tilespmem:s2+$0x0] =	vst v32  }
0x1f1: {  	v60 =	vadd.s32 $0x1000, v2;
	v26 =	vadd.f32 v26, v20;
	s2 =	sand.u32 $0x40, s9;
	s9 =	sor.u32 s0, s6;
	v20 =	vld.idx.msk [tilespmem:v46+s21+$0x0], $0xffff  }
0x1f2: {  	v63 =	vadd.s32 $0x1000, v21;
	v12 =	vld.idx.msk [tilespmem:v12+s21+$0x0], $0xffff;
	[tilespmem:s9+$0x0] =	vst v36  }
0x1f3: {  	v52 =	vsub.f32 v43, v34;
	s1 =	sor.u32 s2, s10;
	v56 =	vld.idx.msk [tilespmem:v61+s21+$0x0], $0xffff  }
0x1f4: {  	v53 =	vadd.s32 $0x2000, v5;
	[tilespmem:s1+$0x0] =	vst v26;
	v32 =	vld.idx.msk [tilespmem:v62+s21+$0x0], $0xffff  }
0x1f5: {  	v33 =	vadd.f32 v41, v33;
	v55 =	vadd.s32 $0x1000, v16;
	v26 =	vmul.f32 v52, v28;
	v42 =	vld.idx.msk [tilespmem:v59+s21+$0x0], $0xffff  }
0x1f6: {  	v57 =	vadd.s32 $0x1000, v17;
	s3 =	sadd.s32 $0xFFFFFFE0, s30;
	s10 =	sor.u32 s20, s15;
	v54 =	vld.idx.msk [tilespmem:v60+s21+$0x0], $0xffff  }
0x1f7: {  	s3 =	sand.u32 $0x50, s3;
	v44 =	vsub.f32 v44, v45;
	v58 =	vld.idx.msk [tilespmem:v63+s21+$0x0], $0xffff;
	[tilespmem:s10+$0x0] =	vst v33;
	v59 =	vadd.s32 $0x1000, v18;
	v26 =	vadd.f32 v26, v34  }
0x1f8: {  	s5 =	sand.u32 $0x40, s5;
	v29 =	vadd.f32 v40, v29;
	s31 =	sor.u32 s3, s6;
	v35 =	vld.idx.msk [tilespmem:v35+s21+$0x0], $0xffff;
	v60 =	vadd.s32 $0x1000, v23  }
0x1f9: {  	v13 =	vadd.s32 $0x3000, v13;
	s4 =	sor.u32 s5, s6;
	v44 =	vmul.f32 v44, v10;
	v36 =	vld.idx.msk [tilespmem:v53+s21+$0x0], $0xffff;
	[tilespmem:s31+$0x0] =	vst v26;
	v32 =	vsub.f32 v32, v56  }
0x1fa: {  	v15 =	vadd.s32 $0x3000, v15;
	v50 =	vadd.s32 $0x2000, v24;
	[tilespmem:s4+$0x0] =	vst v29;
	v41 =	vld.idx.msk [tilespmem:v55+s21+$0x0], $0xffff  }
0x1fb: {  	s6 =	sor.u32 $0xF000, s26;
	v62 =	vadd.f32 v44, v45;
	v48 =	vld.idx.msk [tilespmem:v57+s21+$0x0], $0xffff;
	v61 =	vsub.f32 v42, v54;
	v32 =	vmul.f32 v32, v14  }
0x1fc: {  	s7 =	sor.u32 s11, s6;
	v53 =	vadd.s32 $0x2000, v27;
	v33 =	vsub.f32 v58, v39;
	v34 =	vld.idx.msk [tilespmem:v59+s21+$0x0], $0xffff  }
0x1fd: {  	s4 =	sor.u32 $0xE000, s25;
	v63 =	vadd.s32 $0x2000, v8;
	[tilespmem:s7+$0x0] =	vst v62;
	v51 =	vld.idx.msk [tilespmem:v60+s21+$0x0], $0xffff;
	v26 =	vmul.f32 v61, v4;
	v32 =	vadd.f32 v32, v56  }
0x1fe: {  	v49 =	vadd.s32 $0x2000, v2;
	v38 =	vsub.f32 v38, v37;
	s9 =	sor.u32 s0, s4;
	v13 =	vld.idx.msk [tilespmem:v13+s21+$0x0], $0xffff  }
0x1ff: {  	v52 =	vadd.s32 $0x2000, v22;
	v15 =	vld.idx.msk [tilespmem:v15+s21+$0x0], $0xffff;
	v33 =	vmul.f32 v33, v19;
	v26 =	vadd.f32 v26, v54;
	[tilespmem:s9+$0x0] =	vst v32  }
0x200: {  	s8 =	sor.u32 s2, s15;
	v56 =	vadd.s32 $0x2000, v21;
	v57 =	vsub.f32 v48, v41;
	v40 =	vld.idx.msk [tilespmem:v50+s21+$0x0], $0xffff  }
0x201: {  	v6 =	vadd.s32 $0x3000, v6;
	v38 =	vmul.f32 v38, v1;
	v54 =	vadd.f32 v33, v39;
	[tilespmem:s8+$0x0] =	vst v26;
	v62 =	vld.idx.msk [tilespmem:v53+s21+$0x0], $0xffff  }
0x202: {  	s10 =	sor.u32 s23, s4;
	v58 =	vadd.s32 $0x2000, v17;
	v34 =	vsub.f32 v34, v51;
	v59 =	vmul.f32 v57, v28;
	v55 =	vld.idx.msk [tilespmem:v63+s21+$0x0], $0xffff  }
0x203: {  	v60 =	vadd.f32 v38, v37;
	v35 =	vsub.f32 v35, v36;
	v61 =	vadd.s32 $0x2000, v16;
	[tilespmem:s10+$0x0] =	vst v54;
	v29 =	vld.idx.msk [tilespmem:v49+s21+$0x0], $0xffff  }
0x204: {  	s15 =	sor.u32 s28, s6;
	v38 =	vld.idx.msk [tilespmem:v52+s21+$0x0], $0xffff;
	v63 =	vadd.s32 $0x2000, v18;
	v34 =	vmul.f32 v34, v25;
	v26 =	vadd.f32 v59, v41  }
0x205: {  	s30 =	sor.u32 s3, s4;
	v46 =	vadd.s32 $0x2000, v23;
	[tilespmem:s15+$0x0] =	vst v60;
	v45 =	vld.idx.msk [tilespmem:v56+s21+$0x0], $0xffff  }
0x206: {  	v7 =	vadd.s32 $0x3000, v7;
	v47 =	vmul.f32 v35, v9;
	v6 =	vld.idx.msk [tilespmem:v6+s21+$0x0], $0xffff;
	v34 =	vadd.f32 v34, v51;
	[tilespmem:s30+$0x0] =	vst v26  }
0x207: {  	v11 =	vadd.s32 $0x3000, v11;
	s31 =	sor.u32 s5, s4;
	v32 =	vld.idx.msk [tilespmem:v58+s21+$0x0], $0xffff;
	v51 =	vsub.f32 v62, v40  }
0x208: {  	v48 =	vadd.s32 $0x3000, v5;
	v26 =	vadd.f32 v47, v36;
	v49 =	vld.idx.msk [tilespmem:v61+s21+$0x0], $0xffff;
	[tilespmem:s31+$0x0] =	vst v34  }
0x209: {  	v33 =	vsub.f32 v55, v29;
	v52 =	vld.idx.msk [tilespmem:v63+s21+$0x0], $0xffff;
	v55 =	vadd.s32 $0x3000, v24;
	v56 =	vmul.f32 v51, v14  }
0x20a: {  	s4 =	sor.u32 s20, s6;
	v58 =	vadd.s32 $0x3000, v27;
	v39 =	vld.idx.msk [tilespmem:v46+s21+$0x0], $0xffff;
	v37 =	vsub.f32 v45, v38  }
0x20b: {  	s7 =	sor.u32 $0xF000, s25;
	v7 =	vld.idx.msk [tilespmem:v7+s21+$0x0], $0xffff;
	v50 =	vadd.s32 $0x3000, v8;
	[tilespmem:s4+$0x0] =	vst v26;
	v33 =	vmul.f32 v33, v4;
	v60 =	vadd.f32 v56, v40  }
0x20c: {  	v53 =	vadd.s32 $0x3000, v2;
	s8 =	sor.u32 s0, s7;
	v11 =	vld.idx.msk [tilespmem:v11+s21+$0x0], $0xffff;
	v57 =	vmul.f32 v37, v19  }
0x20d: {  	v59 =	vadd.s32 $0x3000, v22;
	v5 =	vld.idx.msk [tilespmem:v48+s21+$0x0], $0xffff;
	v54 =	vadd.f32 v33, v29;
	v61 =	vsub.f32 v32, v49;
	[tilespmem:s8+$0x0] =	vst v60  }
0x20e: {  	s6 =	sor.u32 s2, s6;
	v63 =	vadd.s32 $0x3000, v21;
	v62 =	vadd.f32 v57, v38;
	v24 =	vld.idx.msk [tilespmem:v55+s21+$0x0], $0xffff  }
0x20f: {  	v34 =	vadd.s32 $0x3000, v17;
	v36 =	vsub.f32 v52, v39;
	[tilespmem:s6+$0x0] =	vst v54;
	v33 =	vmul.f32 v61, v28;
	v27 =	vld.idx.msk [tilespmem:v58+s21+$0x0], $0xffff  }
0x210: {  	s9 =	sor.u32 s23, s7;
	v37 =	vadd.s32 $0x3000, v16;
	v8 =	vld.idx.msk [tilespmem:v50+s21+$0x0], $0xffff  }
0x211: {  	v38 =	vadd.s32 $0x3000, v18;
	v2 =	vld.idx.msk [tilespmem:v53+s21+$0x0], $0xffff;
	[tilespmem:s9+$0x0] =	vst v62;
	v29 =	vmul.f32 v36, v25;
	v26 =	vadd.f32 v33, v49  }
0x212: {  	s10 =	sor.u32 s3, s7;
	v40 =	vadd.s32 $0x3000, v23;
	v22 =	vld.idx.msk [tilespmem:v59+s21+$0x0], $0xffff  }
0x213: {  	v41 =	vsub.f32 v31, v30;
	v21 =	vld.idx.msk [tilespmem:v63+s21+$0x0], $0xffff;
	v29 =	vadd.f32 v29, v39;
	[tilespmem:s10+$0x0] =	vst v26  }
0x214: {  	v20 =	vsub.f32 v20, v12;
	s1 =	sor.u32 s5, s7;
	v17 =	vld.idx.msk [tilespmem:v34+s21+$0x0], $0xffff  }
0x215: {  	v15 =	vsub.f32 v15, v13;
	v0 =	vmul.f32 v41, v0;
	[tilespmem:s1+$0x0] =	vst v29;
	v16 =	vld.idx.msk [tilespmem:v37+s21+$0x0], $0xffff  }
0x216: {  	v42 =	vmul.f32 v20, v3;
	v7 =	vsub.f32 v7, v6;
	v18 =	vld.idx.msk [tilespmem:v38+s21+$0x0], $0xffff  }
0x217: {  	v43 =	vmul.f32 v15, v10;
	v0 =	vadd.f32 v0, v30;
	v11 =	vsub.f32 v11, v5;
	v44 =	vld.idx.msk [tilespmem:v40+s21+$0x0], $0xffff  }
0x218: {  	v3 =	vadd.f32 v42, v12;
	v45 =	vmul.f32 v7, v1;
	v49 =	vsub.f32 v27, v24  }
0x219: {  	s15 =	sor.u32 s19, s13;
	v47 =	vadd.f32 v43, v13;
	[tilespmem:s16+$0x0] =	vst v0;
	s16 =	sor.u32 $0x10000, s26;
	v48 =	vmul.f32 v11, v9;
	v46 =	vsub.f32 v8, v2  }
0x21a: {  	[tilespmem:s15+$0x0] =	vst v3;
	s19 =	sor.u32 s11, s16;
	v1 =	vadd.f32 v45, v6;
	v51 =	vsub.f32 v21, v22;
	v53 =	vmul.f32 v49, v14  }
0x21b: {  	s28 =	sor.u32 s28, s16;
	[tilespmem:s19+$0x0] =	vst v47;
	v52 =	vadd.f32 v48, v5;
	v50 =	vmul.f32 v46, v4;
	v54 =	vsub.f32 v17, v16  }
0x21c: {  	s7 =	sor.u32 $0x10000, s25;
	s26 =	sshra.s32 s24, $0x1F;
	s31 =	sor.u32 s20, s16;
	[tilespmem:s28+$0x0] =	vst v1;
	v56 =	vmul.f32 v51, v19;
	v58 =	vadd.f32 v53, v24;
	v57 =	vsub.f32 v18, v44  }
0x21d: {  	s0 =	sor.u32 s0, s7;
	s6 =	sshrl.u32 s26, $0x1D;
	[tilespmem:s31+$0x0] =	vst v52;
	v55 =	vadd.f32 v50, v2;
	v59 =	vmul.f32 v54, v28  }
0x21e: {  	s2 =	sor.u32 s2, s16;
	s30 =	sadd.s32 s24, s6;
	v60 =	vadd.f32 v56, v22;
	[tilespmem:s0+$0x0] =	vst v58;
	v61 =	vmul.f32 v57, v25  }
0x21f: {  	s8 =	sadd.s32 $0x4, s30;
	s10 =	sor.u32 s23, s7;
	[tilespmem:s2+$0x0] =	vst v55;
	v62 =	vadd.f32 v59, v16  }
0x220: {  	s13 =	sor.u32 s3, s7;
	s9 =	sshrl.u32 s8, $0x3;
	s11 =	rddreg [dreg:$0x8];
	[tilespmem:s10+$0x0] =	vst v60;
	v63 =	vadd.f32 v61, v44  }
0x221: {  	s15 =	sor.u32 s5, s7;
	s2 =	sadd.s32 s11, s9;
	[tilespmem:s13+$0x0] =	vst v62  }
0x222: {  	s2 =	sshll.u32 s2, $0xC;
	[tilespmem:s15+$0x0] =	vst v63  }
0x223: {  	s2 =	sand.u32 $0x1FFFF000, s2;
	s0 =	rddreg [dreg:$0x1e]  }
0x224: {  	s16 =	simm.s32 $0xD000;
	s19 =	sadd.s32 $0x5, s30;
	s0 =	sadd.s32 s2, s0  }
0x225: {  	[hbm4b:s0+s14] =	stream.strided.scatter [tilespmem:s16], [sflag:$0x4], $0x1000, s17, s14, $0x38;
	[tilespmem:$0x11180] =	vst v63  }
0x226: {  	s0 =	sshrl.u32 s19, $0x3  }
0x227: {  	s0 =	sadd.s32 s12, s0  }
0x228: {  	s0 =	sshll.u32 s0, $0xC  }
0x229: {  	s20 =	rddreg [dreg:$0x1f];
	s0 =	sand.u32 $0x1FFFF000, s0  }
0x22a: {  	s24 =	sadd.s32 $0x6, s30;
	s23 =	simm.s32 $0xE000;
	s0 =	sadd.s32 s0, s20  }
0x22b: {  	[hbm4b:s0+s14] =	stream.strided.scatter [tilespmem:s23], [sflag:$0x4], $0x1000, s17, s14, $0x38;
	[tilespmem:$0x11180] =	vst v63  }
0x22c: {  	s0 =	sshrl.u32 s24, $0x3  }
0x22d: {  	s25 =	sld [smem:$0x7FB];
	s0 =	sadd.s32 s12, s0  }
0x22e: {  	s0 =	sshll.u32 s0, $0xC  }
0x22f: {  	s0 =	sand.u32 $0x1FFFF000, s0  }
0x230: {  	s26 =	simm.s32 $0xF000;
	s28 =	sadd.s32 $0x7, s30;
	s0 =	sadd.s32 s0, s25  }
0x231: {  	[hbm4b:s0+s14] =	stream.strided.scatter [tilespmem:s26], [sflag:$0x4], $0x1000, s17, s14, $0x38;
	[tilespmem:$0x11180] =	vst v63  }
0x232: {  	s0 =	sshrl.u32 s28, $0x3  }
.Ltmp4:
0x233: {  	s30 =	sld [smem:$0x7FC];
	s0 =	sadd.s32 s12, s0;
	(pc) =	sbr.rel @p2 .LBB2_8-.Ltmp4, $4  }
0x234: {  	s0 =	sshll.u32 s0, $0xC  }
0x235: {  	s0 =	sand.u32 $0x1FFFF000, s0  }
0x236: {  	s31 =	simm.s32 $0x10000;
	s0 =	sadd.s32 s0, s30  }
0x237: {  	[hbm4b:s0+s14] =	stream.strided.scatter [tilespmem:s31], [sflag:$0x4], $0x1000, s17, s14, $0x38;
	[tilespmem:$0x11180] =	vst v63  }
0x238: {  	s0 =	sld [smem:$0x7FD]  }
0x239: {  	s1 =	sld [smem:$0x7F9];
	_ =	sdelay $0x2  }
0x23a: {  	s0 =	sadd.s32 s1, s0  }
0x23b: {  	s1 =	sshra.s32 s0, $0x1F  }
0x23c: {  	s2 =	sshrl.u32 s1, $0x1D  }
0x23d: {  	s2 =	sadd.s32 s0, s2;
	s0 =	sxor.u32 $0xFFFFFFFF, s0  }
0x23e: {  	s4 =	rddreg [dreg:$0x11];
	s3 =	sshrl.u32 s2, $0x3;
	s0 =	sshrl.u32 s0, $0x1F  }
0x23f: {  	s16 =	sadd.s32 $0x1, s2;
	s3 =	sadd.s32 s1, s3;
	s0 =	sadd.s32 s0, s1  }
0x240: {  	s3 =	sshll.u32 s3, $0xC;
	p1 =	sne.s32 s0, $0x1;
	s0 =	simm.s32 $0x1  }
0x241: {  	s1 =	sshrl.u32 s16, $0x3;
	s3 =	sand.u32 $0x1FFFF000, s3;
	s0 =	simm.s32 @!p1 $0x0  }
0x242: {  	s3 =	sadd.s32 s3, s4;
	s1 =	ssub.s32 s1, s0  }
0x243: {  	[tilespmem:s21], [sflag:$0x2] =	stream.strided.gather [hbm4b:s3+s14], $0x1000, s17, s14, $0x38;
	[tilespmem:$0x11180] =	vst v63  }
0x244: {  	s1 =	sshll.u32 s1, $0xC  }
0x245: {  	s19 =	rddreg [dreg:$0x12];
	s1 =	sand.u32 $0x1FFFF000, s1  }
0x246: {  	s20 =	simm.s32 $0x6000;
	s23 =	sadd.s32 $0x2, s2;
	s1 =	sadd.s32 s1, s19  }
0x247: {  	[tilespmem:s20], [sflag:$0x2] =	stream.strided.gather [hbm4b:s1+s14], $0x1000, s17, s14, $0x38;
	[tilespmem:$0x11180] =	vst v63  }
0x248: {  	s1 =	sshrl.u32 s23, $0x3  }
0x249: {  	s1 =	ssub.s32 s1, s0  }
0x24a: {  	s1 =	sshll.u32 s1, $0xC  }
0x24b: {  	s24 =	rddreg [dreg:$0x15];
	s1 =	sand.u32 $0x1FFFF000, s1  }
0x24c: {  	s25 =	simm.s32 $0x7000;
	s26 =	sadd.s32 $0x3, s2;
	s1 =	sadd.s32 s1, s24  }
0x24d: {  	[tilespmem:s25], [sflag:$0x2] =	stream.strided.gather [hbm4b:s1+s14], $0x1000, s17, s14, $0x38;
	[tilespmem:$0x11180] =	vst v63  }
0x24e: {  	s1 =	sshrl.u32 s26, $0x3  }
.Ltmp5:
0x24f: {  	s31 =	sld [smem:$0x7F8];
	s0 =	ssub.s32 s1, s0;
	(pc) =	sbr.rel .LBB2_2-.Ltmp5, $4  }
0x250: {  	s0 =	sshll.u32 s0, $0xC  }
0x251: {  	s28 =	rddreg [dreg:$0x17];
	s0 =	sand.u32 $0x1FFFF000, s0  }
0x252: {  	s30 =	simm.s32 $0x8000;
	s1 =	sadd.s32 $0x1, s31;
	s0 =	sadd.s32 s0, s28  }
0x253: {  	[tilespmem:s30], [sflag:$0x2] =	stream.strided.gather [hbm4b:s0+s14], $0x1000, s17, s14, $0x38;
	[tilespmem:$0x11180] =	vst v63  }
.LBB2_9:
0x254: {  	_ =	sfence.sel $0x180000  }
0x255: {  	[bflag:$0x0] =	sbarrier.arrive $0xFFFF  }
0x256: {  	_ =	strace $0x90000047  }
0x257: {  	s0 =	stileid.u32;
	[bflag:$0x2] =	sbarrier.arrive $0xFFFF  }
0x258: {  	p0 =	sne.s32 s0, $0x0;
	s0 =	rddreg [dreg:$0x5]  }
0x259: {  	s0 =	sadd.s32 @!p0 $0x100000, s0  }
0x25a: {  	[sflag:s0] =	ssyncadd.tile.s32 @!p0 $0x1;
	_ =	shalt  }
.Lfunc_end2:
_tile_overlayer_lowered:
.L_overlay_start_2:
0x25b: {  	(tag) =	ssettag $0x2  }
0x25c: {  	s0 =	rddreg [dreg:$0x0];
	s2 =	stileid.u32  }
0x25d: {  	s1 =	rddreg [dreg:$0x1];
	p0 =	sne.s32 s2, $0x0  }
0x25e: {  	s3 =	rddreg [dreg:$0x2];
	[bflag:$0x3] =	sbarrier.arrive $0xFFFF;
	s2 =	simm.s32 @!p0 $0x1C05  }
0x25f: {  	[timem:s3], [sflag:s2] =	dma.local @!p0 [hbm:s0], s1  }
0x260: {  	s0 =	simm.s32 @!p0 $0x5  }
0x261: {  	_ =	swait.ge @!p0 [sflag:s0], s1  }
0x262: {  	s1 =	ssub.s32 @!p0 $0x0, s1;
	[sflag:s0] =	ssyncset.done @!p0 $0x0  }
0x263: {  	[sflag:s0] =	ssyncadd.s32 @!p0 s1  }
0x264: {  	[bflag:$0x3] =	sbarrier.arrive $0xFFFF  }
0x265: {  	_ =	shalt  }

</sc_bundles>
